<compile_context>
chip_gen: v7x
topology: tpu7x:2x2x1
jax: 0.10.2.dev20260603
libtpu: 0.0.44.dev20260713+nightly
codegen_flags: <defaults>
</compile_context>

<pallas_src>
import functools

import jax
import jax.numpy as jnp
from jax import lax
from jax.experimental import pallas as pl
from jax.experimental.pallas import tpu as pltpu
from jax.experimental.pallas import tpu_sc as plsc

N = 10000
E = 320000
D = 128

NC = 2
NS = 16
NW = NC * NS

NP = 10240
RPS = NP // NS
EPW = E // NW
K = 80
NB = EPW // K
NBUF = 3
DNBUF = 5
ZR = 32

_mesh = plsc.VectorSubcoreMesh(core_axis_name="c", subcore_axis_name="s")


@functools.partial(
    pl.kernel,
    out_type=jax.ShapeDtypeStruct((NC, 2, NP), jnp.float32),
    mesh=_mesh,
    scratch_types=[
        pltpu.VMEM((NB, K), jnp.int32),
        pltpu.VMEM((NB, K), jnp.int32),
        pltpu.VMEM((K,), jnp.float32),
        pltpu.VMEM((RPS,), jnp.float32),
        pltpu.VMEM_SHARED((NP,), jnp.float32),
        pltpu.VMEM_SHARED((NP,), jnp.float32),
        pltpu.SemaphoreType.DMA((DNBUF,)),
    ],
)
def _deg_kernel(ei_hbm, out_hbm, si_all, di_all, ones_v, zb, do_sh, di_sh, sems):
    cid = lax.axis_index("c")
    sid = lax.axis_index("s")
    wid = cid * NS + sid

    def fill(i, _):
        zb[pl.ds(i * 16, 16)] = jnp.zeros((16,), jnp.float32)
        ones_v[pl.ds((i % (K // 16)) * 16, 16)] = jnp.ones((16,), jnp.float32)
        return 0

    lax.fori_loop(0, RPS // 16, fill, 0)
    pltpu.sync_copy(ei_hbm.at[0, wid], si_all)
    pltpu.sync_copy(ei_hbm.at[1, wid], di_all)
    pltpu.sync_copy(zb, do_sh.at[pl.ds(sid * RPS, RPS)])
    pltpu.sync_copy(zb, di_sh.at[pl.ds(sid * RPS, RPS)])
    plsc.subcore_barrier()

    for b in range(DNBUF - 1):
        pltpu.async_copy(ones_v, do_sh.at[si_all.at[b]], sems.at[b], add=True)
        pltpu.async_copy(ones_v, di_sh.at[di_all.at[b]], sems.at[b], add=True)

    def group(g, _):
        for b in range(DNBUF):
            i = g * DNBUF + b
            pltpu.make_async_copy(ones_v, do_sh.at[si_all.at[i]], sems.at[b]).wait()
            pltpu.make_async_copy(ones_v, di_sh.at[di_all.at[i]], sems.at[b]).wait()
            nxt = i + DNBUF - 1
            bx = (b + DNBUF - 1) % DNBUF

            @pl.when(nxt < NB)
            def _():
                pltpu.async_copy(ones_v, do_sh.at[si_all.at[nxt]], sems.at[bx], add=True)
                pltpu.async_copy(ones_v, di_sh.at[di_all.at[nxt]], sems.at[bx], add=True)

        return 0

    lax.fori_loop(0, NB // DNBUF, group, 0)
    plsc.subcore_barrier()

    sl = pl.ds(sid * RPS, RPS)
    pltpu.sync_copy(do_sh.at[sl], out_hbm.at[cid, 0, sl])
    pltpu.sync_copy(di_sh.at[sl], out_hbm.at[cid, 1, sl])


IB = 5


@functools.partial(
    pl.kernel,
    out_type=jax.ShapeDtypeStruct((NC, NP, D), jnp.float32),
    mesh=_mesh,
    scratch_types=[
        pltpu.VMEM((IB, 2, K), jnp.int32),
        pltpu.VMEM((NBUF, K, D), jnp.float32),
        pltpu.VMEM((ZR, D), jnp.float32),
        pltpu.VMEM_SHARED((NP, D), jnp.float32),
        pltpu.SemaphoreType.DMA((IB,)),
        pltpu.SemaphoreType.DMA((NBUF,)),
        pltpu.SemaphoreType.DMA((NBUF,)),
        pltpu.SemaphoreType.DMA,
    ],
)
def _agg_kernel(h_hbm, ei_hbm, out_hbm, ei_v, rows_v, zb, agg_sh, isems, gsems, ssems, csem):
    cid = lax.axis_index("c")
    sid = lax.axis_index("s")
    wid = cid * NS + sid

    def fill(t, _):
        zb[t // (D // 16), pl.ds((t % (D // 16)) * 16, 16)] = jnp.zeros(
            (16,), jnp.float32
        )
        return 0

    for q in range(IB):
        pltpu.async_copy(ei_hbm.at[wid, q], ei_v.at[q], isems.at[q])

    lax.fori_loop(0, ZR * (D // 16), fill, 0)

    def zero_fire(j, _):
        pltpu.async_copy(zb, agg_sh.at[pl.ds(sid * RPS + j * ZR, ZR)], csem)
        return 0

    def zero_drain(j, _):
        pltpu.make_async_copy(zb, agg_sh.at[pl.ds(sid * RPS, ZR)], csem).wait()
        return 0

    lax.fori_loop(0, RPS // ZR, zero_fire, 0)

    for b in range(NBUF - 1):
        pltpu.make_async_copy(ei_hbm.at[wid, b], ei_v.at[b], isems.at[b]).wait()
        pltpu.async_copy(h_hbm.at[ei_v.at[b, 0]], rows_v.at[b], gsems.at[b])

    lax.fori_loop(0, RPS // ZR, zero_drain, 0)
    plsc.subcore_barrier()

    def body(i, _):
        b = lax.rem(i, NBUF)
        qb = lax.rem(i, IB)
        pltpu.make_async_copy(h_hbm.at[ei_v.at[qb, 0]], rows_v.at[b], gsems.at[b]).wait()

        @pl.when(i >= 1)
        def _():
            bm = lax.rem(i + 2, NBUF)
            qm = lax.rem(i + 4, IB)
            pltpu.make_async_copy(
                rows_v.at[bm], agg_sh.at[ei_v.at[qm, 1]], ssems.at[bm]
            ).wait()

        @pl.when((i >= 1) & (i + 4 < NB))
        def _():
            qm = lax.rem(i + 4, IB)
            pltpu.async_copy(ei_hbm.at[wid, i + 4], ei_v.at[qm], isems.at[qm])

        @pl.when(i + 2 < NB)
        def _():
            q2 = lax.rem(i + 2, IB)
            r2 = lax.rem(i + 2, NBUF)
            pltpu.make_async_copy(ei_hbm.at[wid, i + 2], ei_v.at[q2], isems.at[q2]).wait()
            pltpu.async_copy(h_hbm.at[ei_v.at[q2, 0]], rows_v.at[r2], gsems.at[r2])

        pltpu.async_copy(rows_v.at[b], agg_sh.at[ei_v.at[qb, 1]], ssems.at[b], add=True)
        return 0

    lax.fori_loop(0, NB, body, 0)
    pltpu.make_async_copy(
        rows_v.at[(NB - 1) % NBUF],
        agg_sh.at[ei_v.at[(NB - 1) % IB, 1]],
        ssems.at[(NB - 1) % NBUF],
    ).wait()
    plsc.subcore_barrier()

    def out_fire(j, _):
        sl = pl.ds(sid * RPS + j * ZR, ZR)
        pltpu.async_copy(agg_sh.at[sl], out_hbm.at[cid, sl], csem)
        return 0

    def out_drain(j, _):
        sl = pl.ds(sid * RPS, ZR)
        pltpu.make_async_copy(agg_sh.at[sl], out_hbm.at[cid, sl], csem).wait()
        return 0

    lax.fori_loop(0, RPS // ZR, out_fire, 0)
    lax.fori_loop(0, RPS // ZR, out_drain, 0)


_RB = 5120
_GRID = NP // _RB


def _ns_nd(d):
    outd = d[:, 0:1] + d[:, 2:3]
    ind = d[:, 1:2] + d[:, 3:4]
    ns = lax.rsqrt(jnp.maximum(outd, 1.0))
    nd = lax.rsqrt(jnp.maximum(ind, 1.0))
    return ns, nd


def _scale_body(f_ref, d_ref, o_ref):
    ns, _ = _ns_nd(d_ref[...])
    o_ref[...] = f_ref[...] * ns


def _layer1_body(p_ref, d_ref, w_ref, b_ref, o_ref):
    ns, nd = _ns_nd(d_ref[...])
    rst = (p_ref[0] + p_ref[1]) * nd
    h = jnp.dot(rst, w_ref[...], preferred_element_type=jnp.float32) + b_ref[...]
    o_ref[...] = jnp.maximum(h, 0.0) * ns


def _layer2_body(p_ref, d_ref, w_ref, b_ref, o_ref):
    _, nd = _ns_nd(d_ref[...])
    rst = (p_ref[0] + p_ref[1]) * nd
    o_ref[...] = jnp.dot(rst, w_ref[...], preferred_element_type=jnp.float32) + b_ref[...]


_scale = pl.pallas_call(
    _scale_body,
    grid=(_GRID,),
    in_specs=[
        pl.BlockSpec((_RB, D), lambda i: (i, 0)),
        pl.BlockSpec((_RB, 4), lambda i: (i, 0)),
    ],
    out_specs=pl.BlockSpec((_RB, D), lambda i: (i, 0)),
    out_shape=jax.ShapeDtypeStruct((N, D), jnp.float32),
)

_layer1 = pl.pallas_call(
    _layer1_body,
    grid=(_GRID,),
    in_specs=[
        pl.BlockSpec((NC, _RB, D), lambda i: (0, i, 0)),
        pl.BlockSpec((_RB, 4), lambda i: (i, 0)),
        pl.BlockSpec((D, D), lambda i: (0, 0)),
        pl.BlockSpec((1, D), lambda i: (0, 0)),
    ],
    out_specs=pl.BlockSpec((_RB, D), lambda i: (i, 0)),
    out_shape=jax.ShapeDtypeStruct((N, D), jnp.float32),
)

_layer2 = pl.pallas_call(
    _layer2_body,
    grid=(_GRID,),
    in_specs=[
        pl.BlockSpec((NC, _RB, D), lambda i: (0, i, 0)),
        pl.BlockSpec((_RB, 4), lambda i: (i, 0)),
        pl.BlockSpec((D, D), lambda i: (0, 0)),
        pl.BlockSpec((1, D), lambda i: (0, 0)),
    ],
    out_specs=pl.BlockSpec((_RB, D), lambda i: (i, 0)),
    out_shape=jax.ShapeDtypeStruct((N, D), jnp.float32),
)


def kernel(feat, edge_index, W1, b1, W2, b2):
    ei2 = edge_index.reshape(2, NW, NB, K)
    ei = jnp.transpose(ei2, (1, 2, 0, 3))

    degs = _deg_kernel(ei2)
    degs_t = degs.reshape(2 * NC, NP).T

    h1 = _scale(feat, degs_t)
    p1 = _agg_kernel(h1, ei)
    h2 = _layer1(p1, degs_t, W1, b1.reshape(1, D))
    p2 = _agg_kernel(h2, ei)
    return _layer2(p2, degs_t, W2, b2.reshape(1, D))

# --- scband reference (transcript-rebuilt; emitter-appended) ---
"""Pipeline reference for scband-simple-gnn-19937238188631 (READ-ONLY COPY).

The authoritative reference and input builder live on the scoring server;
editing this copy changes nothing except your own understanding.
"""

import jax, jax.numpy as jnp
import numpy as np

N = 10000
E = 320000
D_IN = 128
D_HID = 128
D_OUT = 128


def setup_inputs(seed: int = 0) -> dict:
    key = jax.random.key(seed)
    k1, k2, k3, k4, k5, k6 = jax.random.split(key, 6)
    x = jax.random.normal(k1, (N, D_IN), dtype=jnp.float32)
    edge_index = jax.random.randint(k2, (2, E), 0, N, dtype=jnp.int32)
    # Glorot-uniform-style init for GraphConv weights, zero bias (DGL default)
    lim1 = float(np.sqrt(6.0 / (D_IN + D_HID)))
    lim2 = float(np.sqrt(6.0 / (D_HID + D_OUT)))
    W1 = jax.random.uniform(k3, (D_IN, D_HID), dtype=jnp.float32, minval=-lim1, maxval=lim1)
    b1 = jnp.zeros((D_HID,), dtype=jnp.float32)
    W2 = jax.random.uniform(k4, (D_HID, D_OUT), dtype=jnp.float32, minval=-lim2, maxval=lim2)
    b2 = jnp.zeros((D_OUT,), dtype=jnp.float32)
    return {"feat": x, "edge_index": edge_index, "W1": W1, "b1": b1, "W2": W2, "b2": b2}


def _graph_conv_both(x, edge_index, W, b):
    # DGL GraphConv with norm='both':
    #   h = x * out_deg^{-1/2}; aggregate sum over edges; h = agg * in_deg^{-1/2}; h @ W + b
    src = edge_index[0]
    dst = edge_index[1]
    ones_e = jnp.ones((src.shape[0],), dtype=x.dtype)
    out_deg = jnp.zeros((N,), dtype=x.dtype).at[src].add(ones_e)
    norm_src = jnp.power(jnp.clip(out_deg, 1.0, None), -0.5)
    h = x * norm_src[:, None]
    msg = jnp.take(h, src, axis=0)
    agg = jnp.zeros((N, h.shape[1]), dtype=x.dtype).at[dst].add(msg)
    in_deg = jnp.zeros((N,), dtype=x.dtype).at[dst].add(ones_e)
    norm_dst = jnp.power(jnp.clip(in_deg, 1.0, None), -0.5)
    rst = agg * norm_dst[:, None]
    return rst @ W + b


def reference(feat, edge_index, W1, b1, W2, b2):
    h = _graph_conv_both(feat, edge_index, W1, b1)
    h = jax.nn.relu(h)
    out = _graph_conv_both(h, edge_index, W2, b2)
    return out

if __name__ == "__main__":
    import jax
    _d = setup_inputs()
    print(jax.jit(kernel)(*tuple(_d.values())))

</pallas_src>

<mosaic_0001>
#map = affine_map<(d0, d1) -> (0, 0, 0, 0)>
#map1 = affine_map<(d0, d1) -> (0, 0, 0)>
module attributes {stable_mosaic.version = 14 : i64} {
  func.func @_deg_kernel(%arg0: i32, %arg1: i32, %arg2: memref<2x32x125x80xi32, #tpu.memory_space<hbm>>, %arg3: memref<2x2x10240xf32, #tpu.memory_space<hbm>>, %arg4: memref<125x80xi32, #tpu.memory_space<vmem>>, %arg5: memref<125x80xi32, #tpu.memory_space<vmem>>, %arg6: memref<80xf32, #tpu.memory_space<vmem>>, %arg7: memref<640xf32, #tpu.memory_space<vmem>>, %arg8: memref<10240xf32, #tpu.memory_space<vmem_shared>>, %arg9: memref<10240xf32, #tpu.memory_space<vmem_shared>>, %arg10: memref<5x!tpu.dma_semaphore, #tpu.memory_space<semaphore_mem>>) attributes {dimension_semantics = [#tpu.dimension_semantics<core_parallel>, #tpu.dimension_semantics<subcore_parallel>], iteration_bounds = array<i64: 2, 16>, scalar_prefetch = 0 : i64, scratch_operands = 7 : i64, tpu.core_type = #tpu.core_type<sc_vector_subcore>, window_params = [{transform_indices = #map}, {transform_indices = #map1}]} {
    %mul3A = arith.constant 16 : i32
    %mul3A_0 = arith.muli %arg0, %mul3A : i32
    %add3A = arith.addi %mul3A_0, %arg1 : i32
    %scan3A = arith.constant 0 : i32
    %scan3A_1 = arith.constant 0 : i32
    %scan3A_2 = arith.constant 40 : i32
    %scan3A_3 = arith.addi %scan3A_1, %scan3A_2 : i32
    %scan3A_4 = arith.constant 1 : i32
    %scan3A_5 = scf.for %scan3A_95 = %scan3A_1 to %scan3A_3 step %scan3A_4 iter_args(%scan3A_96 = %scan3A) -> (i32)  : i32 {
      %broadcast_in_dim3A = arith.constant 0.000000e+00 : f32
      %broadcast_in_dim3A_97 = vector.broadcast %broadcast_in_dim3A : f32 to vector<16xf32>
      %mul3A_98 = arith.constant 16 : i32
      %mul3A_99 = arith.muli %scan3A_95, %mul3A_98 : i32
      %swap3A = arith.index_cast %mul3A_99 : i32 to index
      %swap3A_100 = tpu.vector_load %arg7[%swap3A] {strides = array<i32>} : memref<640xf32, #tpu.memory_space<vmem>>, vector<16xf32>,
      %swap3A_101 = vector.shape_cast %swap3A_100 : vector<16xf32> to vector<16xf32>
      %swap3A_102 = vector.shape_cast %broadcast_in_dim3A_97 : vector<16xf32> to vector<16xf32>
      tpu.vector_store %arg7[%swap3A], %swap3A_102 {strides = array<i32>} : memref<640xf32, #tpu.memory_space<vmem>>, vector<16xf32>,
      %broadcast_in_dim3A_103 = arith.constant 1.000000e+00 : f32
      %broadcast_in_dim3A_104 = vector.broadcast %broadcast_in_dim3A_103 : f32 to vector<16xf32>
      %jit3A = arith.constant 5 : i32
      %eq3A = arith.constant 0 : i32
      %eq3A_105 = arith.cmpi eq, %jit3A, %eq3A : i32
      %jit3A_106 = arith.constant 1 : i32
      %select_n3A = arith.select %eq3A_105, %jit3A_106, %jit3A : i32
      %rem3A = arith.remsi %scan3A_95, %select_n3A : i32
      %ne3A = arith.constant 0 : i32
      %ne3A_107 = arith.cmpi ne, %rem3A, %ne3A : i32
      %lt3A = arith.constant 0 : i32
      %lt3A_108 = arith.cmpi slt, %rem3A, %lt3A : i32
      %lt3A_109 = arith.constant 0 : i32
      %lt3A_110 = arith.cmpi slt, %select_n3A, %lt3A_109 : i32
      %ne3A_111 = arith.xori %lt3A_108, %lt3A_110 : i1
      %and3A = arith.andi %ne3A_111, %ne3A_107 : i1
      %add3A_112 = arith.addi %rem3A, %select_n3A : i32
      %select_n3A_113 = arith.select %and3A, %add3A_112, %rem3A : i32
      %mul3A_114 = arith.constant 16 : i32
      %mul3A_115 = arith.muli %select_n3A_113, %mul3A_114 : i32
      %swap3A_116 = arith.index_cast %mul3A_115 : i32 to index
      %swap3A_117 = tpu.vector_load %arg6[%swap3A_116] {strides = array<i32>} : memref<80xf32, #tpu.memory_space<vmem>>, vector<16xf32>,
      %swap3A_118 = vector.shape_cast %swap3A_117 : vector<16xf32> to vector<16xf32>
      %swap3A_119 = vector.shape_cast %broadcast_in_dim3A_104 : vector<16xf32> to vector<16xf32>
      tpu.vector_store %arg6[%swap3A_116], %swap3A_119 {strides = array<i32>} : memref<80xf32, #tpu.memory_space<vmem>>, vector<16xf32>,
      %scan3A_120 = arith.constant 0 : i32
      scf.yield %scan3A_120 : i32
    }
    %scan3A_6 = arith.constant 40 : i32
    %run_scoped3A = arith.constant 0 : i32
    "tpu.region"() ({
      %run_scoped3A_95 = tpu.sem_alloc : memref<!tpu.dma_semaphore, #tpu.memory_space<semaphore_mem>>
      %dma_start3A_96 = arith.constant 0 : i32
      %dma_start3A_97 = arith.constant 0 : i32
      %dma_start3A_98 = tpu.memref_slice %arg2[%run_scoped3A, %add3A, %dma_start3A_96, %dma_start3A_97] : memref<2x32x125x80xi32, #tpu.memory_space<hbm>> -> memref<1x1x125x80xi32, #tpu.memory_space<hbm>>
      %dma_start3A_99 = tpu.memref_squeeze %dma_start3A_98 : memref<1x1x125x80xi32, #tpu.memory_space<hbm>> -> memref<125x80xi32, #tpu.memory_space<hbm>>
      %dma_start3A_100 = arith.constant 0 : i32
      %dma_start3A_101 = arith.constant 0 : i32
      %dma_start3A_102 = tpu.memref_slice %arg2[%run_scoped3A, %add3A, %dma_start3A_100, %dma_start3A_101] : memref<2x32x125x80xi32, #tpu.memory_space<hbm>> -> memref<1x1x125x80xi32, #tpu.memory_space<hbm>>
      %dma_start3A_103 = tpu.memref_squeeze %dma_start3A_102 : memref<1x1x125x80xi32, #tpu.memory_space<hbm>> -> memref<125x80xi32, #tpu.memory_space<hbm>>
      tpu.enqueue_dma source(%dma_start3A_103 : memref<125x80xi32, #tpu.memory_space<hbm>>) target(%arg4 : memref<125x80xi32, #tpu.memory_space<vmem>>) target_semaphore(%run_scoped3A_95 : memref<!tpu.dma_semaphore, #tpu.memory_space<semaphore_mem>>)
      %dma_wait3A = arith.constant 0 : i32
      %dma_wait3A_104 = arith.constant 0 : i32
      %dma_wait3A_105 = tpu.memref_slice %arg2[%run_scoped3A, %add3A, %dma_wait3A, %dma_wait3A_104] : memref<2x32x125x80xi32, #tpu.memory_space<hbm>> -> memref<1x1x125x80xi32, #tpu.memory_space<hbm>>
      %dma_wait3A_106 = tpu.memref_squeeze %dma_wait3A_105 : memref<1x1x125x80xi32, #tpu.memory_space<hbm>> -> memref<125x80xi32, #tpu.memory_space<hbm>>
      %dma_wait3A_107 = arith.constant 0 : i32
      %dma_wait3A_108 = arith.constant 0 : i32
      %dma_wait3A_109 = tpu.memref_slice %arg2[%run_scoped3A, %add3A, %dma_wait3A_107, %dma_wait3A_108] : memref<2x32x125x80xi32, #tpu.memory_space<hbm>> -> memref<1x1x125x80xi32, #tpu.memory_space<hbm>>
      %dma_wait3A_110 = tpu.memref_squeeze %dma_wait3A_109 : memref<1x1x125x80xi32, #tpu.memory_space<hbm>> -> memref<125x80xi32, #tpu.memory_space<hbm>>
      tpu.wait_dma2 semaphore(%run_scoped3A_95 : memref<!tpu.dma_semaphore, #tpu.memory_space<semaphore_mem>>) src(%dma_wait3A_110 : memref<125x80xi32, #tpu.memory_space<hbm>>) dst(%arg4 : memref<125x80xi32, #tpu.memory_space<vmem>>)
      tpu.yield
    }) : () -> ()
    %run_scoped3A_7 = arith.constant 1 : i32
    "tpu.region"() ({
      %run_scoped3A_95 = tpu.sem_alloc : memref<!tpu.dma_semaphore, #tpu.memory_space<semaphore_mem>>
      %dma_start3A_96 = arith.constant 0 : i32
      %dma_start3A_97 = arith.constant 0 : i32
      %dma_start3A_98 = tpu.memref_slice %arg2[%run_scoped3A_7, %add3A, %dma_start3A_96, %dma_start3A_97] : memref<2x32x125x80xi32, #tpu.memory_space<hbm>> -> memref<1x1x125x80xi32, #tpu.memory_space<hbm>>
      %dma_start3A_99 = tpu.memref_squeeze %dma_start3A_98 : memref<1x1x125x80xi32, #tpu.memory_space<hbm>> -> memref<125x80xi32, #tpu.memory_space<hbm>>
      %dma_start3A_100 = arith.constant 0 : i32
      %dma_start3A_101 = arith.constant 0 : i32
      %dma_start3A_102 = tpu.memref_slice %arg2[%run_scoped3A_7, %add3A, %dma_start3A_100, %dma_start3A_101] : memref<2x32x125x80xi32, #tpu.memory_space<hbm>> -> memref<1x1x125x80xi32, #tpu.memory_space<hbm>>
      %dma_start3A_103 = tpu.memref_squeeze %dma_start3A_102 : memref<1x1x125x80xi32, #tpu.memory_space<hbm>> -> memref<125x80xi32, #tpu.memory_space<hbm>>
      tpu.enqueue_dma source(%dma_start3A_103 : memref<125x80xi32, #tpu.memory_space<hbm>>) target(%arg5 : memref<125x80xi32, #tpu.memory_space<vmem>>) target_semaphore(%run_scoped3A_95 : memref<!tpu.dma_semaphore, #tpu.memory_space<semaphore_mem>>)
      %dma_wait3A = arith.constant 0 : i32
      %dma_wait3A_104 = arith.constant 0 : i32
      %dma_wait3A_105 = tpu.memref_slice %arg2[%run_scoped3A_7, %add3A, %dma_wait3A, %dma_wait3A_104] : memref<2x32x125x80xi32, #tpu.memory_space<hbm>> -> memref<1x1x125x80xi32, #tpu.memory_space<hbm>>
      %dma_wait3A_106 = tpu.memref_squeeze %dma_wait3A_105 : memref<1x1x125x80xi32, #tpu.memory_space<hbm>> -> memref<125x80xi32, #tpu.memory_space<hbm>>
      %dma_wait3A_107 = arith.constant 0 : i32
      %dma_wait3A_108 = arith.constant 0 : i32
      %dma_wait3A_109 = tpu.memref_slice %arg2[%run_scoped3A_7, %add3A, %dma_wait3A_107, %dma_wait3A_108] : memref<2x32x125x80xi32, #tpu.memory_space<hbm>> -> memref<1x1x125x80xi32, #tpu.memory_space<hbm>>
      %dma_wait3A_110 = tpu.memref_squeeze %dma_wait3A_109 : memref<1x1x125x80xi32, #tpu.memory_space<hbm>> -> memref<125x80xi32, #tpu.memory_space<hbm>>
      tpu.wait_dma2 semaphore(%run_scoped3A_95 : memref<!tpu.dma_semaphore, #tpu.memory_space<semaphore_mem>>) src(%dma_wait3A_110 : memref<125x80xi32, #tpu.memory_space<hbm>>) dst(%arg5 : memref<125x80xi32, #tpu.memory_space<vmem>>)
      tpu.yield
    }) : () -> ()
    %mul3A_8 = arith.constant 640 : i32
    %mul3A_9 = arith.muli %arg1, %mul3A_8 : i32
    "tpu.region"() ({
      %run_scoped3A_95 = tpu.sem_alloc : memref<!tpu.dma_semaphore, #tpu.memory_space<semaphore_mem>>
      %dma_start3A_96 = tpu.memref_slice %arg8[%mul3A_9] : memref<10240xf32, #tpu.memory_space<vmem_shared>> -> memref<640xf32, #tpu.memory_space<vmem_shared>>
      %dma_start3A_97 = tpu.memref_slice %arg8[%mul3A_9] : memref<10240xf32, #tpu.memory_space<vmem_shared>> -> memref<640xf32, #tpu.memory_space<vmem_shared>>
      tpu.enqueue_dma source(%arg7 : memref<640xf32, #tpu.memory_space<vmem>>) target(%dma_start3A_97 : memref<640xf32, #tpu.memory_space<vmem_shared>>) target_semaphore(%run_scoped3A_95 : memref<!tpu.dma_semaphore, #tpu.memory_space<semaphore_mem>>)
      %dma_wait3A = tpu.memref_slice %arg8[%mul3A_9] : memref<10240xf32, #tpu.memory_space<vmem_shared>> -> memref<640xf32, #tpu.memory_space<vmem_shared>>
      %dma_wait3A_98 = tpu.memref_slice %arg8[%mul3A_9] : memref<10240xf32, #tpu.memory_space<vmem_shared>> -> memref<640xf32, #tpu.memory_space<vmem_shared>>
      tpu.wait_dma2 semaphore(%run_scoped3A_95 : memref<!tpu.dma_semaphore, #tpu.memory_space<semaphore_mem>>) src(%arg7 : memref<640xf32, #tpu.memory_space<vmem>>) dst(%dma_wait3A_98 : memref<640xf32, #tpu.memory_space<vmem_shared>>)
      tpu.yield
    }) : () -> ()
    %mul3A_10 = arith.constant 640 : i32
    %mul3A_11 = arith.muli %arg1, %mul3A_10 : i32
    "tpu.region"() ({
      %run_scoped3A_95 = tpu.sem_alloc : memref<!tpu.dma_semaphore, #tpu.memory_space<semaphore_mem>>
      %dma_start3A_96 = tpu.memref_slice %arg9[%mul3A_11] : memref<10240xf32, #tpu.memory_space<vmem_shared>> -> memref<640xf32, #tpu.memory_space<vmem_shared>>
      %dma_start3A_97 = tpu.memref_slice %arg9[%mul3A_11] : memref<10240xf32, #tpu.memory_space<vmem_shared>> -> memref<640xf32, #tpu.memory_space<vmem_shared>>
      tpu.enqueue_dma source(%arg7 : memref<640xf32, #tpu.memory_space<vmem>>) target(%dma_start3A_97 : memref<640xf32, #tpu.memory_space<vmem_shared>>) target_semaphore(%run_scoped3A_95 : memref<!tpu.dma_semaphore, #tpu.memory_space<semaphore_mem>>)
      %dma_wait3A = tpu.memref_slice %arg9[%mul3A_11] : memref<10240xf32, #tpu.memory_space<vmem_shared>> -> memref<640xf32, #tpu.memory_space<vmem_shared>>
      %dma_wait3A_98 = tpu.memref_slice %arg9[%mul3A_11] : memref<10240xf32, #tpu.memory_space<vmem_shared>> -> memref<640xf32, #tpu.memory_space<vmem_shared>>
      tpu.wait_dma2 semaphore(%run_scoped3A_95 : memref<!tpu.dma_semaphore, #tpu.memory_space<semaphore_mem>>) src(%arg7 : memref<640xf32, #tpu.memory_space<vmem>>) dst(%dma_wait3A_98 : memref<640xf32, #tpu.memory_space<vmem_shared>>)
      tpu.yield
    }) : () -> ()
    %barrier3A = arith.constant 0 : index
    tpu.barrier barrier_id(%barrier3A)
    %dma_start3A = arith.constant 0 : i32
    %dma_start3A_12 = arith.constant 0 : i32
    %dma_start3A_13 = arith.constant 0 : i32
    %dma_start3A_14 = tpu.memref_slice %arg4[%dma_start3A, %dma_start3A_13] : memref<125x80xi32, #tpu.memory_space<vmem>> -> memref<1x80xi32, #tpu.memory_space<vmem>>
    %dma_start3A_15 = tpu.memref_squeeze %dma_start3A_14 : memref<1x80xi32, #tpu.memory_space<vmem>> -> memref<80xi32, #tpu.memory_space<vmem>>
    %dma_start3A_16 = arith.constant 0 : i32
    %dma_start3A_17 = tpu.memref_slice %arg8[%dma_start3A_16] : memref<10240xf32, #tpu.memory_space<vmem_shared>> -> memref<10240xf32, #tpu.memory_space<vmem_shared>>
    %dma_start3A_18 = tpu.memref_slice %arg10[%dma_start3A_12] : memref<5x!tpu.dma_semaphore, #tpu.memory_space<semaphore_mem>> -> memref<1x!tpu.dma_semaphore, #tpu.memory_space<semaphore_mem>>
    %dma_start3A_19 = tpu.memref_squeeze %dma_start3A_18 : memref<1x!tpu.dma_semaphore, #tpu.memory_space<semaphore_mem>> -> memref<!tpu.dma_semaphore, #tpu.memory_space<semaphore_mem>>
    tpu.enqueue_indirect_dma source(%arg6 : memref<80xf32, #tpu.memory_space<vmem>>) target(%dma_start3A_17 : memref<10240xf32, #tpu.memory_space<vmem_shared>>) offsets(%dma_start3A_15 : memref<80xi32, #tpu.memory_space<vmem>>) semaphore(%dma_start3A_19 : memref<!tpu.dma_semaphore, #tpu.memory_space<semaphore_mem>>) {add = true}
    %dma_start3A_20 = arith.constant 0 : i32
    %dma_start3A_21 = arith.constant 0 : i32
    %dma_start3A_22 = arith.constant 0 : i32
    %dma_start3A_23 = tpu.memref_slice %arg5[%dma_start3A_20, %dma_start3A_22] : memref<125x80xi32, #tpu.memory_space<vmem>> -> memref<1x80xi32, #tpu.memory_space<vmem>>
    %dma_start3A_24 = tpu.memref_squeeze %dma_start3A_23 : memref<1x80xi32, #tpu.memory_space<vmem>> -> memref<80xi32, #tpu.memory_space<vmem>>
    %dma_start3A_25 = arith.constant 0 : i32
    %dma_start3A_26 = tpu.memref_slice %arg9[%dma_start3A_25] : memref<10240xf32, #tpu.memory_space<vmem_shared>> -> memref<10240xf32, #tpu.memory_space<vmem_shared>>
    %dma_start3A_27 = tpu.memref_slice %arg10[%dma_start3A_21] : memref<5x!tpu.dma_semaphore, #tpu.memory_space<semaphore_mem>> -> memref<1x!tpu.dma_semaphore, #tpu.memory_space<semaphore_mem>>
    %dma_start3A_28 = tpu.memref_squeeze %dma_start3A_27 : memref<1x!tpu.dma_semaphore, #tpu.memory_space<semaphore_mem>> -> memref<!tpu.dma_semaphore, #tpu.memory_space<semaphore_mem>>
    tpu.enqueue_indirect_dma source(%arg6 : memref<80xf32, #tpu.memory_space<vmem>>) target(%dma_start3A_26 : memref<10240xf32, #tpu.memory_space<vmem_shared>>) offsets(%dma_start3A_24 : memref<80xi32, #tpu.memory_space<vmem>>) semaphore(%dma_start3A_28 : memref<!tpu.dma_semaphore, #tpu.memory_space<semaphore_mem>>) {add = true}
    %dma_start3A_29 = arith.constant 1 : i32
    %dma_start3A_30 = arith.constant 1 : i32
    %dma_start3A_31 = arith.constant 0 : i32
    %dma_start3A_32 = tpu.memref_slice %arg4[%dma_start3A_29, %dma_start3A_31] : memref<125x80xi32, #tpu.memory_space<vmem>> -> memref<1x80xi32, #tpu.memory_space<vmem>>
    %dma_start3A_33 = tpu.memref_squeeze %dma_start3A_32 : memref<1x80xi32, #tpu.memory_space<vmem>> -> memref<80xi32, #tpu.memory_space<vmem>>
    %dma_start3A_34 = arith.constant 0 : i32
    %dma_start3A_35 = tpu.memref_slice %arg8[%dma_start3A_34] : memref<10240xf32, #tpu.memory_space<vmem_shared>> -> memref<10240xf32, #tpu.memory_space<vmem_shared>>
    %dma_start3A_36 = tpu.memref_slice %arg10[%dma_start3A_30] : memref<5x!tpu.dma_semaphore, #tpu.memory_space<semaphore_mem>> -> memref<1x!tpu.dma_semaphore, #tpu.memory_space<semaphore_mem>>
    %dma_start3A_37 = tpu.memref_squeeze %dma_start3A_36 : memref<1x!tpu.dma_semaphore, #tpu.memory_space<semaphore_mem>> -> memref<!tpu.dma_semaphore, #tpu.memory_space<semaphore_mem>>
    tpu.enqueue_indirect_dma source(%arg6 : memref<80xf32, #tpu.memory_space<vmem>>) target(%dma_start3A_35 : memref<10240xf32, #tpu.memory_space<vmem_shared>>) offsets(%dma_start3A_33 : memref<80xi32, #tpu.memory_space<vmem>>) semaphore(%dma_start3A_37 : memref<!tpu.dma_semaphore, #tpu.memory_space<semaphore_mem>>) {add = true}
    %dma_start3A_38 = arith.constant 1 : i32
    %dma_start3A_39 = arith.constant 1 : i32
    %dma_start3A_40 = arith.constant 0 : i32
    %dma_start3A_41 = tpu.memref_slice %arg5[%dma_start3A_38, %dma_start3A_40] : memref<125x80xi32, #tpu.memory_space<vmem>> -> memref<1x80xi32, #tpu.memory_space<vmem>>
    %dma_start3A_42 = tpu.memref_squeeze %dma_start3A_41 : memref<1x80xi32, #tpu.memory_space<vmem>> -> memref<80xi32, #tpu.memory_space<vmem>>
    %dma_start3A_43 = arith.constant 0 : i32
    %dma_start3A_44 = tpu.memref_slice %arg9[%dma_start3A_43] : memref<10240xf32, #tpu.memory_space<vmem_shared>> -> memref<10240xf32, #tpu.memory_space<vmem_shared>>
    %dma_start3A_45 = tpu.memref_slice %arg10[%dma_start3A_39] : memref<5x!tpu.dma_semaphore, #tpu.memory_space<semaphore_mem>> -> memref<1x!tpu.dma_semaphore, #tpu.memory_space<semaphore_mem>>
    %dma_start3A_46 = tpu.memref_squeeze %dma_start3A_45 : memref<1x!tpu.dma_semaphore, #tpu.memory_space<semaphore_mem>> -> memref<!tpu.dma_semaphore, #tpu.memory_space<semaphore_mem>>
    tpu.enqueue_indirect_dma source(%arg6 : memref<80xf32, #tpu.memory_space<vmem>>) target(%dma_start3A_44 : memref<10240xf32, #tpu.memory_space<vmem_shared>>) offsets(%dma_start3A_42 : memref<80xi32, #tpu.memory_space<vmem>>) semaphore(%dma_start3A_46 : memref<!tpu.dma_semaphore, #tpu.memory_space<semaphore_mem>>) {add = true}
    %dma_start3A_47 = arith.constant 2 : i32
    %dma_start3A_48 = arith.constant 2 : i32
    %dma_start3A_49 = arith.constant 0 : i32
    %dma_start3A_50 = tpu.memref_slice %arg4[%dma_start3A_47, %dma_start3A_49] : memref<125x80xi32, #tpu.memory_space<vmem>> -> memref<1x80xi32, #tpu.memory_space<vmem>>
    %dma_start3A_51 = tpu.memref_squeeze %dma_start3A_50 : memref<1x80xi32, #tpu.memory_space<vmem>> -> memref<80xi32, #tpu.memory_space<vmem>>
    %dma_start3A_52 = arith.constant 0 : i32
    %dma_start3A_53 = tpu.memref_slice %arg8[%dma_start3A_52] : memref<10240xf32, #tpu.memory_space<vmem_shared>> -> memref<10240xf32, #tpu.memory_space<vmem_shared>>
    %dma_start3A_54 = tpu.memref_slice %arg10[%dma_start3A_48] : memref<5x!tpu.dma_semaphore, #tpu.memory_space<semaphore_mem>> -> memref<1x!tpu.dma_semaphore, #tpu.memory_space<semaphore_mem>>
    %dma_start3A_55 = tpu.memref_squeeze %dma_start3A_54 : memref<1x!tpu.dma_semaphore, #tpu.memory_space<semaphore_mem>> -> memref<!tpu.dma_semaphore, #tpu.memory_space<semaphore_mem>>
    tpu.enqueue_indirect_dma source(%arg6 : memref<80xf32, #tpu.memory_space<vmem>>) target(%dma_start3A_53 : memref<10240xf32, #tpu.memory_space<vmem_shared>>) offsets(%dma_start3A_51 : memref<80xi32, #tpu.memory_space<vmem>>) semaphore(%dma_start3A_55 : memref<!tpu.dma_semaphore, #tpu.memory_space<semaphore_mem>>) {add = true}
    %dma_start3A_56 = arith.constant 2 : i32
    %dma_start3A_57 = arith.constant 2 : i32
    %dma_start3A_58 = arith.constant 0 : i32
    %dma_start3A_59 = tpu.memref_slice %arg5[%dma_start3A_56, %dma_start3A_58] : memref<125x80xi32, #tpu.memory_space<vmem>> -> memref<1x80xi32, #tpu.memory_space<vmem>>
    %dma_start3A_60 = tpu.memref_squeeze %dma_start3A_59 : memref<1x80xi32, #tpu.memory_space<vmem>> -> memref<80xi32, #tpu.memory_space<vmem>>
    %dma_start3A_61 = arith.constant 0 : i32
    %dma_start3A_62 = tpu.memref_slice %arg9[%dma_start3A_61] : memref<10240xf32, #tpu.memory_space<vmem_shared>> -> memref<10240xf32, #tpu.memory_space<vmem_shared>>
    %dma_start3A_63 = tpu.memref_slice %arg10[%dma_start3A_57] : memref<5x!tpu.dma_semaphore, #tpu.memory_space<semaphore_mem>> -> memref<1x!tpu.dma_semaphore, #tpu.memory_space<semaphore_mem>>
    %dma_start3A_64 = tpu.memref_squeeze %dma_start3A_63 : memref<1x!tpu.dma_semaphore, #tpu.memory_space<semaphore_mem>> -> memref<!tpu.dma_semaphore, #tpu.memory_space<semaphore_mem>>
    tpu.enqueue_indirect_dma source(%arg6 : memref<80xf32, #tpu.memory_space<vmem>>) target(%dma_start3A_62 : memref<10240xf32, #tpu.memory_space<vmem_shared>>) offsets(%dma_start3A_60 : memref<80xi32, #tpu.memory_space<vmem>>) semaphore(%dma_start3A_64 : memref<!tpu.dma_semaphore, #tpu.memory_space<semaphore_mem>>) {add = true}
    %dma_start3A_65 = arith.constant 3 : i32
    %dma_start3A_66 = arith.constant 3 : i32
    %dma_start3A_67 = arith.constant 0 : i32
    %dma_start3A_68 = tpu.memref_slice %arg4[%dma_start3A_65, %dma_start3A_67] : memref<125x80xi32, #tpu.memory_space<vmem>> -> memref<1x80xi32, #tpu.memory_space<vmem>>
    %dma_start3A_69 = tpu.memref_squeeze %dma_start3A_68 : memref<1x80xi32, #tpu.memory_space<vmem>> -> memref<80xi32, #tpu.memory_space<vmem>>
    %dma_start3A_70 = arith.constant 0 : i32
    %dma_start3A_71 = tpu.memref_slice %arg8[%dma_start3A_70] : memref<10240xf32, #tpu.memory_space<vmem_shared>> -> memref<10240xf32, #tpu.memory_space<vmem_shared>>
    %dma_start3A_72 = tpu.memref_slice %arg10[%dma_start3A_66] : memref<5x!tpu.dma_semaphore, #tpu.memory_space<semaphore_mem>> -> memref<1x!tpu.dma_semaphore, #tpu.memory_space<semaphore_mem>>
    %dma_start3A_73 = tpu.memref_squeeze %dma_start3A_72 : memref<1x!tpu.dma_semaphore, #tpu.memory_space<semaphore_mem>> -> memref<!tpu.dma_semaphore, #tpu.memory_space<semaphore_mem>>
    tpu.enqueue_indirect_dma source(%arg6 : memref<80xf32, #tpu.memory_space<vmem>>) target(%dma_start3A_71 : memref<10240xf32, #tpu.memory_space<vmem_shared>>) offsets(%dma_start3A_69 : memref<80xi32, #tpu.memory_space<vmem>>) semaphore(%dma_start3A_73 : memref<!tpu.dma_semaphore, #tpu.memory_space<semaphore_mem>>) {add = true}
    %dma_start3A_74 = arith.constant 3 : i32
    %dma_start3A_75 = arith.constant 3 : i32
    %dma_start3A_76 = arith.constant 0 : i32
    %dma_start3A_77 = tpu.memref_slice %arg5[%dma_start3A_74, %dma_start3A_76] : memref<125x80xi32, #tpu.memory_space<vmem>> -> memref<1x80xi32, #tpu.memory_space<vmem>>
    %dma_start3A_78 = tpu.memref_squeeze %dma_start3A_77 : memref<1x80xi32, #tpu.memory_space<vmem>> -> memref<80xi32, #tpu.memory_space<vmem>>
    %dma_start3A_79 = arith.constant 0 : i32
    %dma_start3A_80 = tpu.memref_slice %arg9[%dma_start3A_79] : memref<10240xf32, #tpu.memory_space<vmem_shared>> -> memref<10240xf32, #tpu.memory_space<vmem_shared>>
    %dma_start3A_81 = tpu.memref_slice %arg10[%dma_start3A_75] : memref<5x!tpu.dma_semaphore, #tpu.memory_space<semaphore_mem>> -> memref<1x!tpu.dma_semaphore, #tpu.memory_space<semaphore_mem>>
    %dma_start3A_82 = tpu.memref_squeeze %dma_start3A_81 : memref<1x!tpu.dma_semaphore, #tpu.memory_space<semaphore_mem>> -> memref<!tpu.dma_semaphore, #tpu.memory_space<semaphore_mem>>
    tpu.enqueue_indirect_dma source(%arg6 : memref<80xf32, #tpu.memory_space<vmem>>) target(%dma_start3A_80 : memref<10240xf32, #tpu.memory_space<vmem_shared>>) offsets(%dma_start3A_78 : memref<80xi32, #tpu.memory_space<vmem>>) semaphore(%dma_start3A_82 : memref<!tpu.dma_semaphore, #tpu.memory_space<semaphore_mem>>) {add = true}
    %scan3A_83 = arith.constant 0 : i32
    %scan3A_84 = arith.constant 0 : i32
    %scan3A_85 = arith.constant 25 : i32
    %scan3A_86 = arith.addi %scan3A_84, %scan3A_85 : i32
    %scan3A_87 = arith.constant 1 : i32
    %scan3A_88 = scf.for %scan3A_95 = %scan3A_84 to %scan3A_86 step %scan3A_87 iter_args(%scan3A_96 = %scan3A_83) -> (i32)  : i32 {
      %mul3A_97 = arith.constant 5 : i32
      %mul3A_98 = arith.muli %scan3A_95, %mul3A_97 : i32
      %add3A_99 = arith.constant 0 : i32
      %add3A_100 = arith.addi %mul3A_98, %add3A_99 : i32
      %dma_wait3A = arith.constant 0 : i32
      %dma_wait3A_101 = arith.constant 0 : i32
      %dma_wait3A_102 = tpu.memref_slice %arg4[%add3A_100, %dma_wait3A_101] : memref<125x80xi32, #tpu.memory_space<vmem>> -> memref<1x80xi32, #tpu.memory_space<vmem>>
      %dma_wait3A_103 = tpu.memref_squeeze %dma_wait3A_102 : memref<1x80xi32, #tpu.memory_space<vmem>> -> memref<80xi32, #tpu.memory_space<vmem>>
      %dma_wait3A_104 = arith.constant 0 : i32
      %dma_wait3A_105 = tpu.memref_slice %arg8[%dma_wait3A_104] : memref<10240xf32, #tpu.memory_space<vmem_shared>> -> memref<10240xf32, #tpu.memory_space<vmem_shared>>
      %dma_wait3A_106 = tpu.memref_slice %arg10[%dma_wait3A] : memref<5x!tpu.dma_semaphore, #tpu.memory_space<semaphore_mem>> -> memref<1x!tpu.dma_semaphore, #tpu.memory_space<semaphore_mem>>
      %dma_wait3A_107 = tpu.memref_squeeze %dma_wait3A_106 : memref<1x!tpu.dma_semaphore, #tpu.memory_space<semaphore_mem>> -> memref<!tpu.dma_semaphore, #tpu.memory_space<semaphore_mem>>
      tpu.wait_indirect_dma semaphore(%dma_wait3A_107 : memref<!tpu.dma_semaphore, #tpu.memory_space<semaphore_mem>>) src(%arg6 : memref<80xf32, #tpu.memory_space<vmem>>) dst(%dma_wait3A_105 : memref<10240xf32, #tpu.memory_space<vmem_shared>>)
      %dma_wait3A_108 = arith.constant 0 : i32
      %dma_wait3A_109 = arith.constant 0 : i32
      %dma_wait3A_110 = tpu.memref_slice %arg5[%add3A_100, %dma_wait3A_109] : memref<125x80xi32, #tpu.memory_space<vmem>> -> memref<1x80xi32, #tpu.memory_space<vmem>>
      %dma_wait3A_111 = tpu.memref_squeeze %dma_wait3A_110 : memref<1x80xi32, #tpu.memory_space<vmem>> -> memref<80xi32, #tpu.memory_space<vmem>>
      %dma_wait3A_112 = arith.constant 0 : i32
      %dma_wait3A_113 = tpu.memref_slice %arg9[%dma_wait3A_112] : memref<10240xf32, #tpu.memory_space<vmem_shared>> -> memref<10240xf32, #tpu.memory_space<vmem_shared>>
      %dma_wait3A_114 = tpu.memref_slice %arg10[%dma_wait3A_108] : memref<5x!tpu.dma_semaphore, #tpu.memory_space<semaphore_mem>> -> memref<1x!tpu.dma_semaphore, #tpu.memory_space<semaphore_mem>>
      %dma_wait3A_115 = tpu.memref_squeeze %dma_wait3A_114 : memref<1x!tpu.dma_semaphore, #tpu.memory_space<semaphore_mem>> -> memref<!tpu.dma_semaphore, #tpu.memory_space<semaphore_mem>>
      tpu.wait_indirect_dma semaphore(%dma_wait3A_115 : memref<!tpu.dma_semaphore, #tpu.memory_space<semaphore_mem>>) src(%arg6 : memref<80xf32, #tpu.memory_space<vmem>>) dst(%dma_wait3A_113 : memref<10240xf32, #tpu.memory_space<vmem_shared>>)
      %add3A_116 = arith.constant 5 : i32
      %add3A_117 = arith.addi %add3A_100, %add3A_116 : i32
      %sub3A = arith.constant 1 : i32
      %sub3A_118 = arith.subi %add3A_117, %sub3A : i32
      %lt3A = arith.constant 125 : i32
      %lt3A_119 = arith.cmpi slt, %sub3A_118, %lt3A : i32
      %convert_element_type3A = arith.extui %lt3A_119 : i1 to i32
      %cond3A = arith.constant 0 : i32
      %cond3A_120 = arith.cmpi ne, %convert_element_type3A, %cond3A : i32
      scf.if %cond3A_120 {
        %dma_start3A_238 = arith.constant 4 : i32
        %dma_start3A_239 = arith.constant 0 : i32
        %dma_start3A_240 = tpu.memref_slice %arg4[%sub3A_118, %dma_start3A_239] : memref<125x80xi32, #tpu.memory_space<vmem>> -> memref<1x80xi32, #tpu.memory_space<vmem>>
        %dma_start3A_241 = tpu.memref_squeeze %dma_start3A_240 : memref<1x80xi32, #tpu.memory_space<vmem>> -> memref<80xi32, #tpu.memory_space<vmem>>
        %dma_start3A_242 = arith.constant 0 : i32
        %dma_start3A_243 = tpu.memref_slice %arg8[%dma_start3A_242] : memref<10240xf32, #tpu.memory_space<vmem_shared>> -> memref<10240xf32, #tpu.memory_space<vmem_shared>>
        %dma_start3A_244 = tpu.memref_slice %arg10[%dma_start3A_238] : memref<5x!tpu.dma_semaphore, #tpu.memory_space<semaphore_mem>> -> memref<1x!tpu.dma_semaphore, #tpu.memory_space<semaphore_mem>>
        %dma_start3A_245 = tpu.memref_squeeze %dma_start3A_244 : memref<1x!tpu.dma_semaphore, #tpu.memory_space<semaphore_mem>> -> memref<!tpu.dma_semaphore, #tpu.memory_space<semaphore_mem>>
        tpu.enqueue_indirect_dma source(%arg6 : memref<80xf32, #tpu.memory_space<vmem>>) target(%dma_start3A_243 : memref<10240xf32, #tpu.memory_space<vmem_shared>>) offsets(%dma_start3A_241 : memref<80xi32, #tpu.memory_space<vmem>>) semaphore(%dma_start3A_245 : memref<!tpu.dma_semaphore, #tpu.memory_space<semaphore_mem>>) {add = true}
        %dma_start3A_246 = arith.constant 4 : i32
        %dma_start3A_247 = arith.constant 0 : i32
        %dma_start3A_248 = tpu.memref_slice %arg5[%sub3A_118, %dma_start3A_247] : memref<125x80xi32, #tpu.memory_space<vmem>> -> memref<1x80xi32, #tpu.memory_space<vmem>>
        %dma_start3A_249 = tpu.memref_squeeze %dma_start3A_248 : memref<1x80xi32, #tpu.memory_space<vmem>> -> memref<80xi32, #tpu.memory_space<vmem>>
        %dma_start3A_250 = arith.constant 0 : i32
        %dma_start3A_251 = tpu.memref_slice %arg9[%dma_start3A_250] : memref<10240xf32, #tpu.memory_space<vmem_shared>> -> memref<10240xf32, #tpu.memory_space<vmem_shared>>
        %dma_start3A_252 = tpu.memref_slice %arg10[%dma_start3A_246] : memref<5x!tpu.dma_semaphore, #tpu.memory_space<semaphore_mem>> -> memref<1x!tpu.dma_semaphore, #tpu.memory_space<semaphore_mem>>
        %dma_start3A_253 = tpu.memref_squeeze %dma_start3A_252 : memref<1x!tpu.dma_semaphore, #tpu.memory_space<semaphore_mem>> -> memref<!tpu.dma_semaphore, #tpu.memory_space<semaphore_mem>>
        tpu.enqueue_indirect_dma source(%arg6 : memref<80xf32, #tpu.memory_space<vmem>>) target(%dma_start3A_251 : memref<10240xf32, #tpu.memory_space<vmem_shared>>) offsets(%dma_start3A_249 : memref<80xi32, #tpu.memory_space<vmem>>) semaphore(%dma_start3A_253 : memref<!tpu.dma_semaphore, #tpu.memory_space<semaphore_mem>>) {add = true}
      } else {
      }
      %mul3A_121 = arith.constant 5 : i32
      %mul3A_122 = arith.muli %scan3A_95, %mul3A_121 : i32
      %add3A_123 = arith.constant 1 : i32
      %add3A_124 = arith.addi %mul3A_122, %add3A_123 : i32
      %dma_wait3A_125 = arith.constant 1 : i32
      %dma_wait3A_126 = arith.constant 0 : i32
      %dma_wait3A_127 = tpu.memref_slice %arg4[%add3A_124, %dma_wait3A_126] : memref<125x80xi32, #tpu.memory_space<vmem>> -> memref<1x80xi32, #tpu.memory_space<vmem>>
      %dma_wait3A_128 = tpu.memref_squeeze %dma_wait3A_127 : memref<1x80xi32, #tpu.memory_space<vmem>> -> memref<80xi32, #tpu.memory_space<vmem>>
      %dma_wait3A_129 = arith.constant 0 : i32
      %dma_wait3A_130 = tpu.memref_slice %arg8[%dma_wait3A_129] : memref<10240xf32, #tpu.memory_space<vmem_shared>> -> memref<10240xf32, #tpu.memory_space<vmem_shared>>
      %dma_wait3A_131 = tpu.memref_slice %arg10[%dma_wait3A_125] : memref<5x!tpu.dma_semaphore, #tpu.memory_space<semaphore_mem>> -> memref<1x!tpu.dma_semaphore, #tpu.memory_space<semaphore_mem>>
      %dma_wait3A_132 = tpu.memref_squeeze %dma_wait3A_131 : memref<1x!tpu.dma_semaphore, #tpu.memory_space<semaphore_mem>> -> memref<!tpu.dma_semaphore, #tpu.memory_space<semaphore_mem>>
      tpu.wait_indirect_dma semaphore(%dma_wait3A_132 : memref<!tpu.dma_semaphore, #tpu.memory_space<semaphore_mem>>) src(%arg6 : memref<80xf32, #tpu.memory_space<vmem>>) dst(%dma_wait3A_130 : memref<10240xf32, #tpu.memory_space<vmem_shared>>)
      %dma_wait3A_133 = arith.constant 1 : i32
      %dma_wait3A_134 = arith.constant 0 : i32
      %dma_wait3A_135 = tpu.memref_slice %arg5[%add3A_124, %dma_wait3A_134] : memref<125x80xi32, #tpu.memory_space<vmem>> -> memref<1x80xi32, #tpu.memory_space<vmem>>
      %dma_wait3A_136 = tpu.memref_squeeze %dma_wait3A_135 : memref<1x80xi32, #tpu.memory_space<vmem>> -> memref<80xi32, #tpu.memory_space<vmem>>
      %dma_wait3A_137 = arith.constant 0 : i32
      %dma_wait3A_138 = tpu.memref_slice %arg9[%dma_wait3A_137] : memref<10240xf32, #tpu.memory_space<vmem_shared>> -> memref<10240xf32, #tpu.memory_space<vmem_shared>>
      %dma_wait3A_139 = tpu.memref_slice %arg10[%dma_wait3A_133] : memref<5x!tpu.dma_semaphore, #tpu.memory_space<semaphore_mem>> -> memref<1x!tpu.dma_semaphore, #tpu.memory_space<semaphore_mem>>
      %dma_wait3A_140 = tpu.memref_squeeze %dma_wait3A_139 : memref<1x!tpu.dma_semaphore, #tpu.memory_space<semaphore_mem>> -> memref<!tpu.dma_semaphore, #tpu.memory_space<semaphore_mem>>
      tpu.wait_indirect_dma semaphore(%dma_wait3A_140 : memref<!tpu.dma_semaphore, #tpu.memory_space<semaphore_mem>>) src(%arg6 : memref<80xf32, #tpu.memory_space<vmem>>) dst(%dma_wait3A_138 : memref<10240xf32, #tpu.memory_space<vmem_shared>>)
      %add3A_141 = arith.constant 5 : i32
      %add3A_142 = arith.addi %add3A_124, %add3A_141 : i32
      %sub3A_143 = arith.constant 1 : i32
      %sub3A_144 = arith.subi %add3A_142, %sub3A_143 : i32
      %lt3A_145 = arith.constant 125 : i32
      %lt3A_146 = arith.cmpi slt, %sub3A_144, %lt3A_145 : i32
      %convert_element_type3A_147 = arith.extui %lt3A_146 : i1 to i32
      %cond3A_148 = arith.constant 0 : i32
      %cond3A_149 = arith.cmpi ne, %convert_element_type3A_147, %cond3A_148 : i32
      scf.if %cond3A_149 {
        %dma_start3A_238 = arith.constant 0 : i32
        %dma_start3A_239 = arith.constant 0 : i32
        %dma_start3A_240 = tpu.memref_slice %arg4[%sub3A_144, %dma_start3A_239] : memref<125x80xi32, #tpu.memory_space<vmem>> -> memref<1x80xi32, #tpu.memory_space<vmem>>
        %dma_start3A_241 = tpu.memref_squeeze %dma_start3A_240 : memref<1x80xi32, #tpu.memory_space<vmem>> -> memref<80xi32, #tpu.memory_space<vmem>>
        %dma_start3A_242 = arith.constant 0 : i32
        %dma_start3A_243 = tpu.memref_slice %arg8[%dma_start3A_242] : memref<10240xf32, #tpu.memory_space<vmem_shared>> -> memref<10240xf32, #tpu.memory_space<vmem_shared>>
        %dma_start3A_244 = tpu.memref_slice %arg10[%dma_start3A_238] : memref<5x!tpu.dma_semaphore, #tpu.memory_space<semaphore_mem>> -> memref<1x!tpu.dma_semaphore, #tpu.memory_space<semaphore_mem>>
        %dma_start3A_245 = tpu.memref_squeeze %dma_start3A_244 : memref<1x!tpu.dma_semaphore, #tpu.memory_space<semaphore_mem>> -> memref<!tpu.dma_semaphore, #tpu.memory_space<semaphore_mem>>
        tpu.enqueue_indirect_dma source(%arg6 : memref<80xf32, #tpu.memory_space<vmem>>) target(%dma_start3A_243 : memref<10240xf32, #tpu.memory_space<vmem_shared>>) offsets(%dma_start3A_241 : memref<80xi32, #tpu.memory_space<vmem>>) semaphore(%dma_start3A_245 : memref<!tpu.dma_semaphore, #tpu.memory_space<semaphore_mem>>) {add = true}
        %dma_start3A_246 = arith.constant 0 : i32
        %dma_start3A_247 = arith.constant 0 : i32
        %dma_start3A_248 = tpu.memref_slice %arg5[%sub3A_144, %dma_start3A_247] : memref<125x80xi32, #tpu.memory_space<vmem>> -> memref<1x80xi32, #tpu.memory_space<vmem>>
        %dma_start3A_249 = tpu.memref_squeeze %dma_start3A_248 : memref<1x80xi32, #tpu.memory_space<vmem>> -> memref<80xi32, #tpu.memory_space<vmem>>
        %dma_start3A_250 = arith.constant 0 : i32
        %dma_start3A_251 = tpu.memref_slice %arg9[%dma_start3A_250] : memref<10240xf32, #tpu.memory_space<vmem_shared>> -> memref<10240xf32, #tpu.memory_space<vmem_shared>>
        %dma_start3A_252 = tpu.memref_slice %arg10[%dma_start3A_246] : memref<5x!tpu.dma_semaphore, #tpu.memory_space<semaphore_mem>> -> memref<1x!tpu.dma_semaphore, #tpu.memory_space<semaphore_mem>>
        %dma_start3A_253 = tpu.memref_squeeze %dma_start3A_252 : memref<1x!tpu.dma_semaphore, #tpu.memory_space<semaphore_mem>> -> memref<!tpu.dma_semaphore, #tpu.memory_space<semaphore_mem>>
        tpu.enqueue_indirect_dma source(%arg6 : memref<80xf32, #tpu.memory_space<vmem>>) target(%dma_start3A_251 : memref<10240xf32, #tpu.memory_space<vmem_shared>>) offsets(%dma_start3A_249 : memref<80xi32, #tpu.memory_space<vmem>>) semaphore(%dma_start3A_253 : memref<!tpu.dma_semaphore, #tpu.memory_space<semaphore_mem>>) {add = true}
      } else {
      }
      %mul3A_150 = arith.constant 5 : i32
      %mul3A_151 = arith.muli %scan3A_95, %mul3A_150 : i32
      %add3A_152 = arith.constant 2 : i32
      %add3A_153 = arith.addi %mul3A_151, %add3A_152 : i32
      %dma_wait3A_154 = arith.constant 2 : i32
      %dma_wait3A_155 = arith.constant 0 : i32
      %dma_wait3A_156 = tpu.memref_slice %arg4[%add3A_153, %dma_wait3A_155] : memref<125x80xi32, #tpu.memory_space<vmem>> -> memref<1x80xi32, #tpu.memory_space<vmem>>
      %dma_wait3A_157 = tpu.memref_squeeze %dma_wait3A_156 : memref<1x80xi32, #tpu.memory_space<vmem>> -> memref<80xi32, #tpu.memory_space<vmem>>
      %dma_wait3A_158 = arith.constant 0 : i32
      %dma_wait3A_159 = tpu.memref_slice %arg8[%dma_wait3A_158] : memref<10240xf32, #tpu.memory_space<vmem_shared>> -> memref<10240xf32, #tpu.memory_space<vmem_shared>>
      %dma_wait3A_160 = tpu.memref_slice %arg10[%dma_wait3A_154] : memref<5x!tpu.dma_semaphore, #tpu.memory_space<semaphore_mem>> -> memref<1x!tpu.dma_semaphore, #tpu.memory_space<semaphore_mem>>
      %dma_wait3A_161 = tpu.memref_squeeze %dma_wait3A_160 : memref<1x!tpu.dma_semaphore, #tpu.memory_space<semaphore_mem>> -> memref<!tpu.dma_semaphore, #tpu.memory_space<semaphore_mem>>
      tpu.wait_indirect_dma semaphore(%dma_wait3A_161 : memref<!tpu.dma_semaphore, #tpu.memory_space<semaphore_mem>>) src(%arg6 : memref<80xf32, #tpu.memory_space<vmem>>) dst(%dma_wait3A_159 : memref<10240xf32, #tpu.memory_space<vmem_shared>>)
      %dma_wait3A_162 = arith.constant 2 : i32
      %dma_wait3A_163 = arith.constant 0 : i32
      %dma_wait3A_164 = tpu.memref_slice %arg5[%add3A_153, %dma_wait3A_163] : memref<125x80xi32, #tpu.memory_space<vmem>> -> memref<1x80xi32, #tpu.memory_space<vmem>>
      %dma_wait3A_165 = tpu.memref_squeeze %dma_wait3A_164 : memref<1x80xi32, #tpu.memory_space<vmem>> -> memref<80xi32, #tpu.memory_space<vmem>>
      %dma_wait3A_166 = arith.constant 0 : i32
      %dma_wait3A_167 = tpu.memref_slice %arg9[%dma_wait3A_166] : memref<10240xf32, #tpu.memory_space<vmem_shared>> -> memref<10240xf32, #tpu.memory_space<vmem_shared>>
      %dma_wait3A_168 = tpu.memref_slice %arg10[%dma_wait3A_162] : memref<5x!tpu.dma_semaphore, #tpu.memory_space<semaphore_mem>> -> memref<1x!tpu.dma_semaphore, #tpu.memory_space<semaphore_mem>>
      %dma_wait3A_169 = tpu.memref_squeeze %dma_wait3A_168 : memref<1x!tpu.dma_semaphore, #tpu.memory_space<semaphore_mem>> -> memref<!tpu.dma_semaphore, #tpu.memory_space<semaphore_mem>>
      tpu.wait_indirect_dma semaphore(%dma_wait3A_169 : memref<!tpu.dma_semaphore, #tpu.memory_space<semaphore_mem>>) src(%arg6 : memref<80xf32, #tpu.memory_space<vmem>>) dst(%dma_wait3A_167 : memref<10240xf32, #tpu.memory_space<vmem_shared>>)
      %add3A_170 = arith.constant 5 : i32
      %add3A_171 = arith.addi %add3A_153, %add3A_170 : i32
      %sub3A_172 = arith.constant 1 : i32
      %sub3A_173 = arith.subi %add3A_171, %sub3A_172 : i32
      %lt3A_174 = arith.constant 125 : i32
      %lt3A_175 = arith.cmpi slt, %sub3A_173, %lt3A_174 : i32
      %convert_element_type3A_176 = arith.extui %lt3A_175 : i1 to i32
      %cond3A_177 = arith.constant 0 : i32
      %cond3A_178 = arith.cmpi ne, %convert_element_type3A_176, %cond3A_177 : i32
      scf.if %cond3A_178 {
        %dma_start3A_238 = arith.constant 1 : i32
        %dma_start3A_239 = arith.constant 0 : i32
        %dma_start3A_240 = tpu.memref_slice %arg4[%sub3A_173, %dma_start3A_239] : memref<125x80xi32, #tpu.memory_space<vmem>> -> memref<1x80xi32, #tpu.memory_space<vmem>>
        %dma_start3A_241 = tpu.memref_squeeze %dma_start3A_240 : memref<1x80xi32, #tpu.memory_space<vmem>> -> memref<80xi32, #tpu.memory_space<vmem>>
        %dma_start3A_242 = arith.constant 0 : i32
        %dma_start3A_243 = tpu.memref_slice %arg8[%dma_start3A_242] : memref<10240xf32, #tpu.memory_space<vmem_shared>> -> memref<10240xf32, #tpu.memory_space<vmem_shared>>
        %dma_start3A_244 = tpu.memref_slice %arg10[%dma_start3A_238] : memref<5x!tpu.dma_semaphore, #tpu.memory_space<semaphore_mem>> -> memref<1x!tpu.dma_semaphore, #tpu.memory_space<semaphore_mem>>
        %dma_start3A_245 = tpu.memref_squeeze %dma_start3A_244 : memref<1x!tpu.dma_semaphore, #tpu.memory_space<semaphore_mem>> -> memref<!tpu.dma_semaphore, #tpu.memory_space<semaphore_mem>>
        tpu.enqueue_indirect_dma source(%arg6 : memref<80xf32, #tpu.memory_space<vmem>>) target(%dma_start3A_243 : memref<10240xf32, #tpu.memory_space<vmem_shared>>) offsets(%dma_start3A_241 : memref<80xi32, #tpu.memory_space<vmem>>) semaphore(%dma_start3A_245 : memref<!tpu.dma_semaphore, #tpu.memory_space<semaphore_mem>>) {add = true}
        %dma_start3A_246 = arith.constant 1 : i32
        %dma_start3A_247 = arith.constant 0 : i32
        %dma_start3A_248 = tpu.memref_slice %arg5[%sub3A_173, %dma_start3A_247] : memref<125x80xi32, #tpu.memory_space<vmem>> -> memref<1x80xi32, #tpu.memory_space<vmem>>
        %dma_start3A_249 = tpu.memref_squeeze %dma_start3A_248 : memref<1x80xi32, #tpu.memory_space<vmem>> -> memref<80xi32, #tpu.memory_space<vmem>>
        %dma_start3A_250 = arith.constant 0 : i32
        %dma_start3A_251 = tpu.memref_slice %arg9[%dma_start3A_250] : memref<10240xf32, #tpu.memory_space<vmem_shared>> -> memref<10240xf32, #tpu.memory_space<vmem_shared>>
        %dma_start3A_252 = tpu.memref_slice %arg10[%dma_start3A_246] : memref<5x!tpu.dma_semaphore, #tpu.memory_space<semaphore_mem>> -> memref<1x!tpu.dma_semaphore, #tpu.memory_space<semaphore_mem>>
        %dma_start3A_253 = tpu.memref_squeeze %dma_start3A_252 : memref<1x!tpu.dma_semaphore, #tpu.memory_space<semaphore_mem>> -> memref<!tpu.dma_semaphore, #tpu.memory_space<semaphore_mem>>
        tpu.enqueue_indirect_dma source(%arg6 : memref<80xf32, #tpu.memory_space<vmem>>) target(%dma_start3A_251 : memref<10240xf32, #tpu.memory_space<vmem_shared>>) offsets(%dma_start3A_249 : memref<80xi32, #tpu.memory_space<vmem>>) semaphore(%dma_start3A_253 : memref<!tpu.dma_semaphore, #tpu.memory_space<semaphore_mem>>) {add = true}
      } else {
      }
      %mul3A_179 = arith.constant 5 : i32
      %mul3A_180 = arith.muli %scan3A_95, %mul3A_179 : i32
      %add3A_181 = arith.constant 3 : i32
      %add3A_182 = arith.addi %mul3A_180, %add3A_181 : i32
      %dma_wait3A_183 = arith.constant 3 : i32
      %dma_wait3A_184 = arith.constant 0 : i32
      %dma_wait3A_185 = tpu.memref_slice %arg4[%add3A_182, %dma_wait3A_184] : memref<125x80xi32, #tpu.memory_space<vmem>> -> memref<1x80xi32, #tpu.memory_space<vmem>>
      %dma_wait3A_186 = tpu.memref_squeeze %dma_wait3A_185 : memref<1x80xi32, #tpu.memory_space<vmem>> -> memref<80xi32, #tpu.memory_space<vmem>>
      %dma_wait3A_187 = arith.constant 0 : i32
      %dma_wait3A_188 = tpu.memref_slice %arg8[%dma_wait3A_187] : memref<10240xf32, #tpu.memory_space<vmem_shared>> -> memref<10240xf32, #tpu.memory_space<vmem_shared>>
      %dma_wait3A_189 = tpu.memref_slice %arg10[%dma_wait3A_183] : memref<5x!tpu.dma_semaphore, #tpu.memory_space<semaphore_mem>> -> memref<1x!tpu.dma_semaphore, #tpu.memory_space<semaphore_mem>>
      %dma_wait3A_190 = tpu.memref_squeeze %dma_wait3A_189 : memref<1x!tpu.dma_semaphore, #tpu.memory_space<semaphore_mem>> -> memref<!tpu.dma_semaphore, #tpu.memory_space<semaphore_mem>>
      tpu.wait_indirect_dma semaphore(%dma_wait3A_190 : memref<!tpu.dma_semaphore, #tpu.memory_space<semaphore_mem>>) src(%arg6 : memref<80xf32, #tpu.memory_space<vmem>>) dst(%dma_wait3A_188 : memref<10240xf32, #tpu.memory_space<vmem_shared>>)
      %dma_wait3A_191 = arith.constant 3 : i32
      %dma_wait3A_192 = arith.constant 0 : i32
      %dma_wait3A_193 = tpu.memref_slice %arg5[%add3A_182, %dma_wait3A_192] : memref<125x80xi32, #tpu.memory_space<vmem>> -> memref<1x80xi32, #tpu.memory_space<vmem>>
      %dma_wait3A_194 = tpu.memref_squeeze %dma_wait3A_193 : memref<1x80xi32, #tpu.memory_space<vmem>> -> memref<80xi32, #tpu.memory_space<vmem>>
      %dma_wait3A_195 = arith.constant 0 : i32
      %dma_wait3A_196 = tpu.memref_slice %arg9[%dma_wait3A_195] : memref<10240xf32, #tpu.memory_space<vmem_shared>> -> memref<10240xf32, #tpu.memory_space<vmem_shared>>
      %dma_wait3A_197 = tpu.memref_slice %arg10[%dma_wait3A_191] : memref<5x!tpu.dma_semaphore, #tpu.memory_space<semaphore_mem>> -> memref<1x!tpu.dma_semaphore, #tpu.memory_space<semaphore_mem>>
      %dma_wait3A_198 = tpu.memref_squeeze %dma_wait3A_197 : memref<1x!tpu.dma_semaphore, #tpu.memory_space<semaphore_mem>> -> memref<!tpu.dma_semaphore, #tpu.memory_space<semaphore_mem>>
      tpu.wait_indirect_dma semaphore(%dma_wait3A_198 : memref<!tpu.dma_semaphore, #tpu.memory_space<semaphore_mem>>) src(%arg6 : memref<80xf32, #tpu.memory_space<vmem>>) dst(%dma_wait3A_196 : memref<10240xf32, #tpu.memory_space<vmem_shared>>)
      %add3A_199 = arith.constant 5 : i32
      %add3A_200 = arith.addi %add3A_182, %add3A_199 : i32
      %sub3A_201 = arith.constant 1 : i32
      %sub3A_202 = arith.subi %add3A_200, %sub3A_201 : i32
      %lt3A_203 = arith.constant 125 : i32
      %lt3A_204 = arith.cmpi slt, %sub3A_202, %lt3A_203 : i32
      %convert_element_type3A_205 = arith.extui %lt3A_204 : i1 to i32
      %cond3A_206 = arith.constant 0 : i32
      %cond3A_207 = arith.cmpi ne, %convert_element_type3A_205, %cond3A_206 : i32
      scf.if %cond3A_207 {
        %dma_start3A_238 = arith.constant 2 : i32
        %dma_start3A_239 = arith.constant 0 : i32
        %dma_start3A_240 = tpu.memref_slice %arg4[%sub3A_202, %dma_start3A_239] : memref<125x80xi32, #tpu.memory_space<vmem>> -> memref<1x80xi32, #tpu.memory_space<vmem>>
        %dma_start3A_241 = tpu.memref_squeeze %dma_start3A_240 : memref<1x80xi32, #tpu.memory_space<vmem>> -> memref<80xi32, #tpu.memory_space<vmem>>
        %dma_start3A_242 = arith.constant 0 : i32
        %dma_start3A_243 = tpu.memref_slice %arg8[%dma_start3A_242] : memref<10240xf32, #tpu.memory_space<vmem_shared>> -> memref<10240xf32, #tpu.memory_space<vmem_shared>>
        %dma_start3A_244 = tpu.memref_slice %arg10[%dma_start3A_238] : memref<5x!tpu.dma_semaphore, #tpu.memory_space<semaphore_mem>> -> memref<1x!tpu.dma_semaphore, #tpu.memory_space<semaphore_mem>>
        %dma_start3A_245 = tpu.memref_squeeze %dma_start3A_244 : memref<1x!tpu.dma_semaphore, #tpu.memory_space<semaphore_mem>> -> memref<!tpu.dma_semaphore, #tpu.memory_space<semaphore_mem>>
        tpu.enqueue_indirect_dma source(%arg6 : memref<80xf32, #tpu.memory_space<vmem>>) target(%dma_start3A_243 : memref<10240xf32, #tpu.memory_space<vmem_shared>>) offsets(%dma_start3A_241 : memref<80xi32, #tpu.memory_space<vmem>>) semaphore(%dma_start3A_245 : memref<!tpu.dma_semaphore, #tpu.memory_space<semaphore_mem>>) {add = true}
        %dma_start3A_246 = arith.constant 2 : i32
        %dma_start3A_247 = arith.constant 0 : i32
        %dma_start3A_248 = tpu.memref_slice %arg5[%sub3A_202, %dma_start3A_247] : memref<125x80xi32, #tpu.memory_space<vmem>> -> memref<1x80xi32, #tpu.memory_space<vmem>>
        %dma_start3A_249 = tpu.memref_squeeze %dma_start3A_248 : memref<1x80xi32, #tpu.memory_space<vmem>> -> memref<80xi32, #tpu.memory_space<vmem>>
        %dma_start3A_250 = arith.constant 0 : i32
        %dma_start3A_251 = tpu.memref_slice %arg9[%dma_start3A_250] : memref<10240xf32, #tpu.memory_space<vmem_shared>> -> memref<10240xf32, #tpu.memory_space<vmem_shared>>
        %dma_start3A_252 = tpu.memref_slice %arg10[%dma_start3A_246] : memref<5x!tpu.dma_semaphore, #tpu.memory_space<semaphore_mem>> -> memref<1x!tpu.dma_semaphore, #tpu.memory_space<semaphore_mem>>
        %dma_start3A_253 = tpu.memref_squeeze %dma_start3A_252 : memref<1x!tpu.dma_semaphore, #tpu.memory_space<semaphore_mem>> -> memref<!tpu.dma_semaphore, #tpu.memory_space<semaphore_mem>>
        tpu.enqueue_indirect_dma source(%arg6 : memref<80xf32, #tpu.memory_space<vmem>>) target(%dma_start3A_251 : memref<10240xf32, #tpu.memory_space<vmem_shared>>) offsets(%dma_start3A_249 : memref<80xi32, #tpu.memory_space<vmem>>) semaphore(%dma_start3A_253 : memref<!tpu.dma_semaphore, #tpu.memory_space<semaphore_mem>>) {add = true}
      } else {
      }
      %mul3A_208 = arith.constant 5 : i32
      %mul3A_209 = arith.muli %scan3A_95, %mul3A_208 : i32
      %add3A_210 = arith.constant 4 : i32
      %add3A_211 = arith.addi %mul3A_209, %add3A_210 : i32
      %dma_wait3A_212 = arith.constant 4 : i32
      %dma_wait3A_213 = arith.constant 0 : i32
      %dma_wait3A_214 = tpu.memref_slice %arg4[%add3A_211, %dma_wait3A_213] : memref<125x80xi32, #tpu.memory_space<vmem>> -> memref<1x80xi32, #tpu.memory_space<vmem>>
      %dma_wait3A_215 = tpu.memref_squeeze %dma_wait3A_214 : memref<1x80xi32, #tpu.memory_space<vmem>> -> memref<80xi32, #tpu.memory_space<vmem>>
      %dma_wait3A_216 = arith.constant 0 : i32
      %dma_wait3A_217 = tpu.memref_slice %arg8[%dma_wait3A_216] : memref<10240xf32, #tpu.memory_space<vmem_shared>> -> memref<10240xf32, #tpu.memory_space<vmem_shared>>
      %dma_wait3A_218 = tpu.memref_slice %arg10[%dma_wait3A_212] : memref<5x!tpu.dma_semaphore, #tpu.memory_space<semaphore_mem>> -> memref<1x!tpu.dma_semaphore, #tpu.memory_space<semaphore_mem>>
      %dma_wait3A_219 = tpu.memref_squeeze %dma_wait3A_218 : memref<1x!tpu.dma_semaphore, #tpu.memory_space<semaphore_mem>> -> memref<!tpu.dma_semaphore, #tpu.memory_space<semaphore_mem>>
      tpu.wait_indirect_dma semaphore(%dma_wait3A_219 : memref<!tpu.dma_semaphore, #tpu.memory_space<semaphore_mem>>) src(%arg6 : memref<80xf32, #tpu.memory_space<vmem>>) dst(%dma_wait3A_217 : memref<10240xf32, #tpu.memory_space<vmem_shared>>)
      %dma_wait3A_220 = arith.constant 4 : i32
      %dma_wait3A_221 = arith.constant 0 : i32
      %dma_wait3A_222 = tpu.memref_slice %arg5[%add3A_211, %dma_wait3A_221] : memref<125x80xi32, #tpu.memory_space<vmem>> -> memref<1x80xi32, #tpu.memory_space<vmem>>
      %dma_wait3A_223 = tpu.memref_squeeze %dma_wait3A_222 : memref<1x80xi32, #tpu.memory_space<vmem>> -> memref<80xi32, #tpu.memory_space<vmem>>
      %dma_wait3A_224 = arith.constant 0 : i32
      %dma_wait3A_225 = tpu.memref_slice %arg9[%dma_wait3A_224] : memref<10240xf32, #tpu.memory_space<vmem_shared>> -> memref<10240xf32, #tpu.memory_space<vmem_shared>>
      %dma_wait3A_226 = tpu.memref_slice %arg10[%dma_wait3A_220] : memref<5x!tpu.dma_semaphore, #tpu.memory_space<semaphore_mem>> -> memref<1x!tpu.dma_semaphore, #tpu.memory_space<semaphore_mem>>
      %dma_wait3A_227 = tpu.memref_squeeze %dma_wait3A_226 : memref<1x!tpu.dma_semaphore, #tpu.memory_space<semaphore_mem>> -> memref<!tpu.dma_semaphore, #tpu.memory_space<semaphore_mem>>
      tpu.wait_indirect_dma semaphore(%dma_wait3A_227 : memref<!tpu.dma_semaphore, #tpu.memory_space<semaphore_mem>>) src(%arg6 : memref<80xf32, #tpu.memory_space<vmem>>) dst(%dma_wait3A_225 : memref<10240xf32, #tpu.memory_space<vmem_shared>>)
      %add3A_228 = arith.constant 5 : i32
      %add3A_229 = arith.addi %add3A_211, %add3A_228 : i32
      %sub3A_230 = arith.constant 1 : i32
      %sub3A_231 = arith.subi %add3A_229, %sub3A_230 : i32
      %lt3A_232 = arith.constant 125 : i32
      %lt3A_233 = arith.cmpi slt, %sub3A_231, %lt3A_232 : i32
      %convert_element_type3A_234 = arith.extui %lt3A_233 : i1 to i32
      %cond3A_235 = arith.constant 0 : i32
      %cond3A_236 = arith.cmpi ne, %convert_element_type3A_234, %cond3A_235 : i32
      scf.if %cond3A_236 {
        %dma_start3A_238 = arith.constant 3 : i32
        %dma_start3A_239 = arith.constant 0 : i32
        %dma_start3A_240 = tpu.memref_slice %arg4[%sub3A_231, %dma_start3A_239] : memref<125x80xi32, #tpu.memory_space<vmem>> -> memref<1x80xi32, #tpu.memory_space<vmem>>
        %dma_start3A_241 = tpu.memref_squeeze %dma_start3A_240 : memref<1x80xi32, #tpu.memory_space<vmem>> -> memref<80xi32, #tpu.memory_space<vmem>>
        %dma_start3A_242 = arith.constant 0 : i32
        %dma_start3A_243 = tpu.memref_slice %arg8[%dma_start3A_242] : memref<10240xf32, #tpu.memory_space<vmem_shared>> -> memref<10240xf32, #tpu.memory_space<vmem_shared>>
        %dma_start3A_244 = tpu.memref_slice %arg10[%dma_start3A_238] : memref<5x!tpu.dma_semaphore, #tpu.memory_space<semaphore_mem>> -> memref<1x!tpu.dma_semaphore, #tpu.memory_space<semaphore_mem>>
        %dma_start3A_245 = tpu.memref_squeeze %dma_start3A_244 : memref<1x!tpu.dma_semaphore, #tpu.memory_space<semaphore_mem>> -> memref<!tpu.dma_semaphore, #tpu.memory_space<semaphore_mem>>
        tpu.enqueue_indirect_dma source(%arg6 : memref<80xf32, #tpu.memory_space<vmem>>) target(%dma_start3A_243 : memref<10240xf32, #tpu.memory_space<vmem_shared>>) offsets(%dma_start3A_241 : memref<80xi32, #tpu.memory_space<vmem>>) semaphore(%dma_start3A_245 : memref<!tpu.dma_semaphore, #tpu.memory_space<semaphore_mem>>) {add = true}
        %dma_start3A_246 = arith.constant 3 : i32
        %dma_start3A_247 = arith.constant 0 : i32
        %dma_start3A_248 = tpu.memref_slice %arg5[%sub3A_231, %dma_start3A_247] : memref<125x80xi32, #tpu.memory_space<vmem>> -> memref<1x80xi32, #tpu.memory_space<vmem>>
        %dma_start3A_249 = tpu.memref_squeeze %dma_start3A_248 : memref<1x80xi32, #tpu.memory_space<vmem>> -> memref<80xi32, #tpu.memory_space<vmem>>
        %dma_start3A_250 = arith.constant 0 : i32
        %dma_start3A_251 = tpu.memref_slice %arg9[%dma_start3A_250] : memref<10240xf32, #tpu.memory_space<vmem_shared>> -> memref<10240xf32, #tpu.memory_space<vmem_shared>>
        %dma_start3A_252 = tpu.memref_slice %arg10[%dma_start3A_246] : memref<5x!tpu.dma_semaphore, #tpu.memory_space<semaphore_mem>> -> memref<1x!tpu.dma_semaphore, #tpu.memory_space<semaphore_mem>>
        %dma_start3A_253 = tpu.memref_squeeze %dma_start3A_252 : memref<1x!tpu.dma_semaphore, #tpu.memory_space<semaphore_mem>> -> memref<!tpu.dma_semaphore, #tpu.memory_space<semaphore_mem>>
        tpu.enqueue_indirect_dma source(%arg6 : memref<80xf32, #tpu.memory_space<vmem>>) target(%dma_start3A_251 : memref<10240xf32, #tpu.memory_space<vmem_shared>>) offsets(%dma_start3A_249 : memref<80xi32, #tpu.memory_space<vmem>>) semaphore(%dma_start3A_253 : memref<!tpu.dma_semaphore, #tpu.memory_space<semaphore_mem>>) {add = true}
      } else {
      }
      %scan3A_237 = arith.constant 0 : i32
      scf.yield %scan3A_237 : i32
    }
    %scan3A_89 = arith.constant 25 : i32
    %barrier3A_90 = arith.constant 0 : index
    tpu.barrier barrier_id(%barrier3A_90)
    %mul3A_91 = arith.constant 640 : i32
    %mul3A_92 = arith.muli %arg1, %mul3A_91 : i32
    %run_scoped3A_93 = arith.constant 0 : i32
    "tpu.region"() ({
      %run_scoped3A_95 = tpu.sem_alloc : memref<!tpu.dma_semaphore, #tpu.memory_space<semaphore_mem>>
      %dma_start3A_96 = tpu.memref_slice %arg3[%arg0, %run_scoped3A_93, %mul3A_92] : memref<2x2x10240xf32, #tpu.memory_space<hbm>> -> memref<1x1x640xf32, #tpu.memory_space<hbm>>
      %dma_start3A_97 = tpu.memref_squeeze %dma_start3A_96 : memref<1x1x640xf32, #tpu.memory_space<hbm>> -> memref<640xf32, #tpu.memory_space<hbm>>
      %dma_start3A_98 = tpu.memref_slice %arg8[%mul3A_92] : memref<10240xf32, #tpu.memory_space<vmem_shared>> -> memref<640xf32, #tpu.memory_space<vmem_shared>>
      tpu.enqueue_dma source(%dma_start3A_98 : memref<640xf32, #tpu.memory_space<vmem_shared>>) target(%dma_start3A_97 : memref<640xf32, #tpu.memory_space<hbm>>) target_semaphore(%run_scoped3A_95 : memref<!tpu.dma_semaphore, #tpu.memory_space<semaphore_mem>>)
      %dma_wait3A = tpu.memref_slice %arg3[%arg0, %run_scoped3A_93, %mul3A_92] : memref<2x2x10240xf32, #tpu.memory_space<hbm>> -> memref<1x1x640xf32, #tpu.memory_space<hbm>>
      %dma_wait3A_99 = tpu.memref_squeeze %dma_wait3A : memref<1x1x640xf32, #tpu.memory_space<hbm>> -> memref<640xf32, #tpu.memory_space<hbm>>
      %dma_wait3A_100 = tpu.memref_slice %arg8[%mul3A_92] : memref<10240xf32, #tpu.memory_space<vmem_shared>> -> memref<640xf32, #tpu.memory_space<vmem_shared>>
      tpu.wait_dma2 semaphore(%run_scoped3A_95 : memref<!tpu.dma_semaphore, #tpu.memory_space<semaphore_mem>>) src(%dma_wait3A_100 : memref<640xf32, #tpu.memory_space<vmem_shared>>) dst(%dma_wait3A_99 : memref<640xf32, #tpu.memory_space<hbm>>)
      tpu.yield
    }) : () -> ()
    %run_scoped3A_94 = arith.constant 1 : i32
    "tpu.region"() ({
      %run_scoped3A_95 = tpu.sem_alloc : memref<!tpu.dma_semaphore, #tpu.memory_space<semaphore_mem>>
      %dma_start3A_96 = tpu.memref_slice %arg3[%arg0, %run_scoped3A_94, %mul3A_92] : memref<2x2x10240xf32, #tpu.memory_space<hbm>> -> memref<1x1x640xf32, #tpu.memory_space<hbm>>
      %dma_start3A_97 = tpu.memref_squeeze %dma_start3A_96 : memref<1x1x640xf32, #tpu.memory_space<hbm>> -> memref<640xf32, #tpu.memory_space<hbm>>
      %dma_start3A_98 = tpu.memref_slice %arg9[%mul3A_92] : memref<10240xf32, #tpu.memory_space<vmem_shared>> -> memref<640xf32, #tpu.memory_space<vmem_shared>>
      tpu.enqueue_dma source(%dma_start3A_98 : memref<640xf32, #tpu.memory_space<vmem_shared>>) target(%dma_start3A_97 : memref<640xf32, #tpu.memory_space<hbm>>) target_semaphore(%run_scoped3A_95 : memref<!tpu.dma_semaphore, #tpu.memory_space<semaphore_mem>>)
      %dma_wait3A = tpu.memref_slice %arg3[%arg0, %run_scoped3A_94, %mul3A_92] : memref<2x2x10240xf32, #tpu.memory_space<hbm>> -> memref<1x1x640xf32, #tpu.memory_space<hbm>>
      %dma_wait3A_99 = tpu.memref_squeeze %dma_wait3A : memref<1x1x640xf32, #tpu.memory_space<hbm>> -> memref<640xf32, #tpu.memory_space<hbm>>
      %dma_wait3A_100 = tpu.memref_slice %arg9[%mul3A_92] : memref<10240xf32, #tpu.memory_space<vmem_shared>> -> memref<640xf32, #tpu.memory_space<vmem_shared>>
      tpu.wait_dma2 semaphore(%run_scoped3A_95 : memref<!tpu.dma_semaphore, #tpu.memory_space<semaphore_mem>>) src(%dma_wait3A_100 : memref<640xf32, #tpu.memory_space<vmem_shared>>) dst(%dma_wait3A_99 : memref<640xf32, #tpu.memory_space<hbm>>)
      tpu.yield
    }) : () -> ()
    return
  }
}

#map = affine_map<(d0, d1) -> (0, 0)>
#map1 = affine_map<(d0, d1) -> (0, 0, 0, 0)>
#map2 = affine_map<(d0, d1) -> (0, 0, 0)>
module attributes {stable_mosaic.version = 14 : i64} {
  func.func @_agg_kernel(%arg0: i32, %arg1: i32, %arg2: memref<10000x128xf32, #tpu.memory_space<hbm>>, %arg3: memref<32x125x2x80xi32, #tpu.memory_space<hbm>>, %arg4: memref<2x10240x128xf32, #tpu.memory_space<hbm>>, %arg5: memref<5x2x80xi32, #tpu.memory_space<vmem>>, %arg6: memref<3x80x128xf32, #tpu.memory_space<vmem>>, %arg7: memref<32x128xf32, #tpu.memory_space<vmem>>, %arg8: memref<10240x128xf32, #tpu.memory_space<vmem_shared>>, %arg9: memref<5x!tpu.dma_semaphore, #tpu.memory_space<semaphore_mem>>, %arg10: memref<3x!tpu.dma_semaphore, #tpu.memory_space<semaphore_mem>>, %arg11: memref<3x!tpu.dma_semaphore, #tpu.memory_space<semaphore_mem>>, %arg12: memref<!tpu.dma_semaphore, #tpu.memory_space<semaphore_mem>>) attributes {dimension_semantics = [#tpu.dimension_semantics<core_parallel>, #tpu.dimension_semantics<subcore_parallel>], iteration_bounds = array<i64: 2, 16>, scalar_prefetch = 0 : i64, scratch_operands = 8 : i64, tpu.core_type = #tpu.core_type<sc_vector_subcore>, window_params = [{transform_indices = #map}, {transform_indices = #map1}, {transform_indices = #map2}]} {
    %mul3A = arith.constant 16 : i32
    %mul3A_0 = arith.muli %arg0, %mul3A : i32
    %add3A = arith.addi %mul3A_0, %arg1 : i32
    %dma_start3A = arith.constant 0 : i32
    %dma_start3A_1 = arith.constant 0 : i32
    %dma_start3A_2 = arith.constant 0 : i32
    %dma_start3A_3 = arith.constant 0 : i32
    %dma_start3A_4 = arith.constant 0 : i32
    %dma_start3A_5 = tpu.memref_slice %arg5[%dma_start3A_1, %dma_start3A_3, %dma_start3A_4] : memref<5x2x80xi32, #tpu.memory_space<vmem>> -> memref<1x2x80xi32, #tpu.memory_space<vmem>>
    %dma_start3A_6 = tpu.memref_squeeze %dma_start3A_5 : memref<1x2x80xi32, #tpu.memory_space<vmem>> -> memref<2x80xi32, #tpu.memory_space<vmem>>
    %dma_start3A_7 = arith.constant 0 : i32
    %dma_start3A_8 = arith.constant 0 : i32
    %dma_start3A_9 = tpu.memref_slice %arg3[%add3A, %dma_start3A, %dma_start3A_7, %dma_start3A_8] : memref<32x125x2x80xi32, #tpu.memory_space<hbm>> -> memref<1x1x2x80xi32, #tpu.memory_space<hbm>>
    %dma_start3A_10 = tpu.memref_squeeze %dma_start3A_9 : memref<1x1x2x80xi32, #tpu.memory_space<hbm>> -> memref<2x80xi32, #tpu.memory_space<hbm>>
    %dma_start3A_11 = tpu.memref_slice %arg9[%dma_start3A_2] : memref<5x!tpu.dma_semaphore, #tpu.memory_space<semaphore_mem>> -> memref<1x!tpu.dma_semaphore, #tpu.memory_space<semaphore_mem>>
    %dma_start3A_12 = tpu.memref_squeeze %dma_start3A_11 : memref<1x!tpu.dma_semaphore, #tpu.memory_space<semaphore_mem>> -> memref<!tpu.dma_semaphore, #tpu.memory_space<semaphore_mem>>
    %dma_start3A_13 = arith.constant 0 : i32
    %dma_start3A_14 = arith.constant 0 : i32
    %dma_start3A_15 = tpu.memref_slice %arg5[%dma_start3A_1, %dma_start3A_13, %dma_start3A_14] : memref<5x2x80xi32, #tpu.memory_space<vmem>> -> memref<1x2x80xi32, #tpu.memory_space<vmem>>
    %dma_start3A_16 = tpu.memref_squeeze %dma_start3A_15 : memref<1x2x80xi32, #tpu.memory_space<vmem>> -> memref<2x80xi32, #tpu.memory_space<vmem>>
    %dma_start3A_17 = arith.constant 0 : i32
    %dma_start3A_18 = arith.constant 0 : i32
    %dma_start3A_19 = tpu.memref_slice %arg3[%add3A, %dma_start3A, %dma_start3A_17, %dma_start3A_18] : memref<32x125x2x80xi32, #tpu.memory_space<hbm>> -> memref<1x1x2x80xi32, #tpu.memory_space<hbm>>
    %dma_start3A_20 = tpu.memref_squeeze %dma_start3A_19 : memref<1x1x2x80xi32, #tpu.memory_space<hbm>> -> memref<2x80xi32, #tpu.memory_space<hbm>>
    tpu.enqueue_dma source(%dma_start3A_20 : memref<2x80xi32, #tpu.memory_space<hbm>>) target(%dma_start3A_16 : memref<2x80xi32, #tpu.memory_space<vmem>>) target_semaphore(%dma_start3A_12 : memref<!tpu.dma_semaphore, #tpu.memory_space<semaphore_mem>>)
    %dma_start3A_21 = arith.constant 1 : i32
    %dma_start3A_22 = arith.constant 1 : i32
    %dma_start3A_23 = arith.constant 1 : i32
    %dma_start3A_24 = arith.constant 0 : i32
    %dma_start3A_25 = arith.constant 0 : i32
    %dma_start3A_26 = tpu.memref_slice %arg5[%dma_start3A_22, %dma_start3A_24, %dma_start3A_25] : memref<5x2x80xi32, #tpu.memory_space<vmem>> -> memref<1x2x80xi32, #tpu.memory_space<vmem>>
    %dma_start3A_27 = tpu.memref_squeeze %dma_start3A_26 : memref<1x2x80xi32, #tpu.memory_space<vmem>> -> memref<2x80xi32, #tpu.memory_space<vmem>>
    %dma_start3A_28 = arith.constant 0 : i32
    %dma_start3A_29 = arith.constant 0 : i32
    %dma_start3A_30 = tpu.memref_slice %arg3[%add3A, %dma_start3A_21, %dma_start3A_28, %dma_start3A_29] : memref<32x125x2x80xi32, #tpu.memory_space<hbm>> -> memref<1x1x2x80xi32, #tpu.memory_space<hbm>>
    %dma_start3A_31 = tpu.memref_squeeze %dma_start3A_30 : memref<1x1x2x80xi32, #tpu.memory_space<hbm>> -> memref<2x80xi32, #tpu.memory_space<hbm>>
    %dma_start3A_32 = tpu.memref_slice %arg9[%dma_start3A_23] : memref<5x!tpu.dma_semaphore, #tpu.memory_space<semaphore_mem>> -> memref<1x!tpu.dma_semaphore, #tpu.memory_space<semaphore_mem>>
    %dma_start3A_33 = tpu.memref_squeeze %dma_start3A_32 : memref<1x!tpu.dma_semaphore, #tpu.memory_space<semaphore_mem>> -> memref<!tpu.dma_semaphore, #tpu.memory_space<semaphore_mem>>
    %dma_start3A_34 = arith.constant 0 : i32
    %dma_start3A_35 = arith.constant 0 : i32
    %dma_start3A_36 = tpu.memref_slice %arg5[%dma_start3A_22, %dma_start3A_34, %dma_start3A_35] : memref<5x2x80xi32, #tpu.memory_space<vmem>> -> memref<1x2x80xi32, #tpu.memory_space<vmem>>
    %dma_start3A_37 = tpu.memref_squeeze %dma_start3A_36 : memref<1x2x80xi32, #tpu.memory_space<vmem>> -> memref<2x80xi32, #tpu.memory_space<vmem>>
    %dma_start3A_38 = arith.constant 0 : i32
    %dma_start3A_39 = arith.constant 0 : i32
    %dma_start3A_40 = tpu.memref_slice %arg3[%add3A, %dma_start3A_21, %dma_start3A_38, %dma_start3A_39] : memref<32x125x2x80xi32, #tpu.memory_space<hbm>> -> memref<1x1x2x80xi32, #tpu.memory_space<hbm>>
    %dma_start3A_41 = tpu.memref_squeeze %dma_start3A_40 : memref<1x1x2x80xi32, #tpu.memory_space<hbm>> -> memref<2x80xi32, #tpu.memory_space<hbm>>
    tpu.enqueue_dma source(%dma_start3A_41 : memref<2x80xi32, #tpu.memory_space<hbm>>) target(%dma_start3A_37 : memref<2x80xi32, #tpu.memory_space<vmem>>) target_semaphore(%dma_start3A_33 : memref<!tpu.dma_semaphore, #tpu.memory_space<semaphore_mem>>)
    %dma_start3A_42 = arith.constant 2 : i32
    %dma_start3A_43 = arith.constant 2 : i32
    %dma_start3A_44 = arith.constant 2 : i32
    %dma_start3A_45 = arith.constant 0 : i32
    %dma_start3A_46 = arith.constant 0 : i32
    %dma_start3A_47 = tpu.memref_slice %arg5[%dma_start3A_43, %dma_start3A_45, %dma_start3A_46] : memref<5x2x80xi32, #tpu.memory_space<vmem>> -> memref<1x2x80xi32, #tpu.memory_space<vmem>>
    %dma_start3A_48 = tpu.memref_squeeze %dma_start3A_47 : memref<1x2x80xi32, #tpu.memory_space<vmem>> -> memref<2x80xi32, #tpu.memory_space<vmem>>
    %dma_start3A_49 = arith.constant 0 : i32
    %dma_start3A_50 = arith.constant 0 : i32
    %dma_start3A_51 = tpu.memref_slice %arg3[%add3A, %dma_start3A_42, %dma_start3A_49, %dma_start3A_50] : memref<32x125x2x80xi32, #tpu.memory_space<hbm>> -> memref<1x1x2x80xi32, #tpu.memory_space<hbm>>
    %dma_start3A_52 = tpu.memref_squeeze %dma_start3A_51 : memref<1x1x2x80xi32, #tpu.memory_space<hbm>> -> memref<2x80xi32, #tpu.memory_space<hbm>>
    %dma_start3A_53 = tpu.memref_slice %arg9[%dma_start3A_44] : memref<5x!tpu.dma_semaphore, #tpu.memory_space<semaphore_mem>> -> memref<1x!tpu.dma_semaphore, #tpu.memory_space<semaphore_mem>>
    %dma_start3A_54 = tpu.memref_squeeze %dma_start3A_53 : memref<1x!tpu.dma_semaphore, #tpu.memory_space<semaphore_mem>> -> memref<!tpu.dma_semaphore, #tpu.memory_space<semaphore_mem>>
    %dma_start3A_55 = arith.constant 0 : i32
    %dma_start3A_56 = arith.constant 0 : i32
    %dma_start3A_57 = tpu.memref_slice %arg5[%dma_start3A_43, %dma_start3A_55, %dma_start3A_56] : memref<5x2x80xi32, #tpu.memory_space<vmem>> -> memref<1x2x80xi32, #tpu.memory_space<vmem>>
    %dma_start3A_58 = tpu.memref_squeeze %dma_start3A_57 : memref<1x2x80xi32, #tpu.memory_space<vmem>> -> memref<2x80xi32, #tpu.memory_space<vmem>>
    %dma_start3A_59 = arith.constant 0 : i32
    %dma_start3A_60 = arith.constant 0 : i32
    %dma_start3A_61 = tpu.memref_slice %arg3[%add3A, %dma_start3A_42, %dma_start3A_59, %dma_start3A_60] : memref<32x125x2x80xi32, #tpu.memory_space<hbm>> -> memref<1x1x2x80xi32, #tpu.memory_space<hbm>>
    %dma_start3A_62 = tpu.memref_squeeze %dma_start3A_61 : memref<1x1x2x80xi32, #tpu.memory_space<hbm>> -> memref<2x80xi32, #tpu.memory_space<hbm>>
    tpu.enqueue_dma source(%dma_start3A_62 : memref<2x80xi32, #tpu.memory_space<hbm>>) target(%dma_start3A_58 : memref<2x80xi32, #tpu.memory_space<vmem>>) target_semaphore(%dma_start3A_54 : memref<!tpu.dma_semaphore, #tpu.memory_space<semaphore_mem>>)
    %dma_start3A_63 = arith.constant 3 : i32
    %dma_start3A_64 = arith.constant 3 : i32
    %dma_start3A_65 = arith.constant 3 : i32
    %dma_start3A_66 = arith.constant 0 : i32
    %dma_start3A_67 = arith.constant 0 : i32
    %dma_start3A_68 = tpu.memref_slice %arg5[%dma_start3A_64, %dma_start3A_66, %dma_start3A_67] : memref<5x2x80xi32, #tpu.memory_space<vmem>> -> memref<1x2x80xi32, #tpu.memory_space<vmem>>
    %dma_start3A_69 = tpu.memref_squeeze %dma_start3A_68 : memref<1x2x80xi32, #tpu.memory_space<vmem>> -> memref<2x80xi32, #tpu.memory_space<vmem>>
    %dma_start3A_70 = arith.constant 0 : i32
    %dma_start3A_71 = arith.constant 0 : i32
    %dma_start3A_72 = tpu.memref_slice %arg3[%add3A, %dma_start3A_63, %dma_start3A_70, %dma_start3A_71] : memref<32x125x2x80xi32, #tpu.memory_space<hbm>> -> memref<1x1x2x80xi32, #tpu.memory_space<hbm>>
    %dma_start3A_73 = tpu.memref_squeeze %dma_start3A_72 : memref<1x1x2x80xi32, #tpu.memory_space<hbm>> -> memref<2x80xi32, #tpu.memory_space<hbm>>
    %dma_start3A_74 = tpu.memref_slice %arg9[%dma_start3A_65] : memref<5x!tpu.dma_semaphore, #tpu.memory_space<semaphore_mem>> -> memref<1x!tpu.dma_semaphore, #tpu.memory_space<semaphore_mem>>
    %dma_start3A_75 = tpu.memref_squeeze %dma_start3A_74 : memref<1x!tpu.dma_semaphore, #tpu.memory_space<semaphore_mem>> -> memref<!tpu.dma_semaphore, #tpu.memory_space<semaphore_mem>>
    %dma_start3A_76 = arith.constant 0 : i32
    %dma_start3A_77 = arith.constant 0 : i32
    %dma_start3A_78 = tpu.memref_slice %arg5[%dma_start3A_64, %dma_start3A_76, %dma_start3A_77] : memref<5x2x80xi32, #tpu.memory_space<vmem>> -> memref<1x2x80xi32, #tpu.memory_space<vmem>>
    %dma_start3A_79 = tpu.memref_squeeze %dma_start3A_78 : memref<1x2x80xi32, #tpu.memory_space<vmem>> -> memref<2x80xi32, #tpu.memory_space<vmem>>
    %dma_start3A_80 = arith.constant 0 : i32
    %dma_start3A_81 = arith.constant 0 : i32
    %dma_start3A_82 = tpu.memref_slice %arg3[%add3A, %dma_start3A_63, %dma_start3A_80, %dma_start3A_81] : memref<32x125x2x80xi32, #tpu.memory_space<hbm>> -> memref<1x1x2x80xi32, #tpu.memory_space<hbm>>
    %dma_start3A_83 = tpu.memref_squeeze %dma_start3A_82 : memref<1x1x2x80xi32, #tpu.memory_space<hbm>> -> memref<2x80xi32, #tpu.memory_space<hbm>>
    tpu.enqueue_dma source(%dma_start3A_83 : memref<2x80xi32, #tpu.memory_space<hbm>>) target(%dma_start3A_79 : memref<2x80xi32, #tpu.memory_space<vmem>>) target_semaphore(%dma_start3A_75 : memref<!tpu.dma_semaphore, #tpu.memory_space<semaphore_mem>>)
    %dma_start3A_84 = arith.constant 4 : i32
    %dma_start3A_85 = arith.constant 4 : i32
    %dma_start3A_86 = arith.constant 4 : i32
    %dma_start3A_87 = arith.constant 0 : i32
    %dma_start3A_88 = arith.constant 0 : i32
    %dma_start3A_89 = tpu.memref_slice %arg5[%dma_start3A_85, %dma_start3A_87, %dma_start3A_88] : memref<5x2x80xi32, #tpu.memory_space<vmem>> -> memref<1x2x80xi32, #tpu.memory_space<vmem>>
    %dma_start3A_90 = tpu.memref_squeeze %dma_start3A_89 : memref<1x2x80xi32, #tpu.memory_space<vmem>> -> memref<2x80xi32, #tpu.memory_space<vmem>>
    %dma_start3A_91 = arith.constant 0 : i32
    %dma_start3A_92 = arith.constant 0 : i32
    %dma_start3A_93 = tpu.memref_slice %arg3[%add3A, %dma_start3A_84, %dma_start3A_91, %dma_start3A_92] : memref<32x125x2x80xi32, #tpu.memory_space<hbm>> -> memref<1x1x2x80xi32, #tpu.memory_space<hbm>>
    %dma_start3A_94 = tpu.memref_squeeze %dma_start3A_93 : memref<1x1x2x80xi32, #tpu.memory_space<hbm>> -> memref<2x80xi32, #tpu.memory_space<hbm>>
    %dma_start3A_95 = tpu.memref_slice %arg9[%dma_start3A_86] : memref<5x!tpu.dma_semaphore, #tpu.memory_space<semaphore_mem>> -> memref<1x!tpu.dma_semaphore, #tpu.memory_space<semaphore_mem>>
    %dma_start3A_96 = tpu.memref_squeeze %dma_start3A_95 : memref<1x!tpu.dma_semaphore, #tpu.memory_space<semaphore_mem>> -> memref<!tpu.dma_semaphore, #tpu.memory_space<semaphore_mem>>
    %dma_start3A_97 = arith.constant 0 : i32
    %dma_start3A_98 = arith.constant 0 : i32
    %dma_start3A_99 = tpu.memref_slice %arg5[%dma_start3A_85, %dma_start3A_97, %dma_start3A_98] : memref<5x2x80xi32, #tpu.memory_space<vmem>> -> memref<1x2x80xi32, #tpu.memory_space<vmem>>
    %dma_start3A_100 = tpu.memref_squeeze %dma_start3A_99 : memref<1x2x80xi32, #tpu.memory_space<vmem>> -> memref<2x80xi32, #tpu.memory_space<vmem>>
    %dma_start3A_101 = arith.constant 0 : i32
    %dma_start3A_102 = arith.constant 0 : i32
    %dma_start3A_103 = tpu.memref_slice %arg3[%add3A, %dma_start3A_84, %dma_start3A_101, %dma_start3A_102] : memref<32x125x2x80xi32, #tpu.memory_space<hbm>> -> memref<1x1x2x80xi32, #tpu.memory_space<hbm>>
    %dma_start3A_104 = tpu.memref_squeeze %dma_start3A_103 : memref<1x1x2x80xi32, #tpu.memory_space<hbm>> -> memref<2x80xi32, #tpu.memory_space<hbm>>
    tpu.enqueue_dma source(%dma_start3A_104 : memref<2x80xi32, #tpu.memory_space<hbm>>) target(%dma_start3A_100 : memref<2x80xi32, #tpu.memory_space<vmem>>) target_semaphore(%dma_start3A_96 : memref<!tpu.dma_semaphore, #tpu.memory_space<semaphore_mem>>)
    %scan3A = arith.constant 0 : i32
    %scan3A_105 = arith.constant 0 : i32
    %scan3A_106 = arith.constant 256 : i32
    %scan3A_107 = arith.addi %scan3A_105, %scan3A_106 : i32
    %scan3A_108 = arith.constant 1 : i32
    %scan3A_109 = scf.for %scan3A_236 = %scan3A_105 to %scan3A_107 step %scan3A_108 iter_args(%scan3A_237 = %scan3A) -> (i32)  : i32 {
      %broadcast_in_dim3A = arith.constant 0.000000e+00 : f32
      %broadcast_in_dim3A_238 = vector.broadcast %broadcast_in_dim3A : f32 to vector<16xf32>
      %jit3A = arith.constant 8 : i32
      %div3A = arith.divsi %scan3A_236, %jit3A : i32
      %sign3A = arith.constant 0 : i32
      %sign3A_239 = arith.cmpi sgt, %scan3A_236, %sign3A : i32
      %sign3A_240 = arith.extui %sign3A_239 : i1 to i32
      %sign3A_241 = arith.constant 0 : i32
      %sign3A_242 = arith.cmpi slt, %scan3A_236, %sign3A_241 : i32
      %sign3A_243 = arith.extui %sign3A_242 : i1 to i32
      %sign3A_244 = arith.subi %sign3A_240, %sign3A_243 : i32
      %sign3A_245 = arith.constant 0 : i32
      %sign3A_246 = arith.cmpi sgt, %jit3A, %sign3A_245 : i32
      %sign3A_247 = arith.extui %sign3A_246 : i1 to i32
      %sign3A_248 = arith.constant 0 : i32
      %sign3A_249 = arith.cmpi slt, %jit3A, %sign3A_248 : i32
      %sign3A_250 = arith.extui %sign3A_249 : i1 to i32
      %sign3A_251 = arith.subi %sign3A_247, %sign3A_250 : i32
      %ne3A = arith.cmpi ne, %sign3A_244, %sign3A_251 : i32
      %rem3A = arith.remsi %scan3A_236, %jit3A : i32
      %ne3A_252 = arith.constant 0 : i32
      %ne3A_253 = arith.cmpi ne, %rem3A, %ne3A_252 : i32
      %and3A = arith.andi %ne3A, %ne3A_253 : i1
      %sub3A = arith.constant 1 : i32
      %sub3A_254 = arith.subi %div3A, %sub3A : i32
      %select_n3A = arith.select %and3A, %sub3A_254, %div3A : i32
      %jit3A_255 = arith.constant 8 : i32
      %eq3A = arith.constant 0 : i32
      %eq3A_256 = arith.cmpi eq, %jit3A_255, %eq3A : i32
      %jit3A_257 = arith.constant 1 : i32
      %select_n3A_258 = arith.select %eq3A_256, %jit3A_257, %jit3A_255 : i32
      %rem3A_259 = arith.remsi %scan3A_236, %select_n3A_258 : i32
      %ne3A_260 = arith.constant 0 : i32
      %ne3A_261 = arith.cmpi ne, %rem3A_259, %ne3A_260 : i32
      %lt3A = arith.constant 0 : i32
      %lt3A_262 = arith.cmpi slt, %rem3A_259, %lt3A : i32
      %lt3A_263 = arith.constant 0 : i32
      %lt3A_264 = arith.cmpi slt, %select_n3A_258, %lt3A_263 : i32
      %ne3A_265 = arith.xori %lt3A_262, %lt3A_264 : i1
      %and3A_266 = arith.andi %ne3A_265, %ne3A_261 : i1
      %add3A_267 = arith.addi %rem3A_259, %select_n3A_258 : i32
      %select_n3A_268 = arith.select %and3A_266, %add3A_267, %rem3A_259 : i32
      %mul3A_269 = arith.constant 16 : i32
      %mul3A_270 = arith.muli %select_n3A_268, %mul3A_269 : i32
      %swap3A = arith.index_cast %select_n3A : i32 to index
      %swap3A_271 = arith.index_cast %mul3A_270 : i32 to index
      %swap3A_272 = tpu.vector_load %arg7[%swap3A, %swap3A_271] {strides = array<i32>} : memref<32x128xf32, #tpu.memory_space<vmem>>, vector<1x16xf32>,
      %swap3A_273 = vector.shape_cast %swap3A_272 : vector<1x16xf32> to vector<16xf32>
      %swap3A_274 = vector.shape_cast %broadcast_in_dim3A_238 : vector<16xf32> to vector<1x16xf32>
      tpu.vector_store %arg7[%swap3A, %swap3A_271], %swap3A_274 {strides = array<i32>} : memref<32x128xf32, #tpu.memory_space<vmem>>, vector<1x16xf32>,
      %scan3A_275 = arith.constant 0 : i32
      scf.yield %scan3A_275 : i32
    }
    %scan3A_110 = arith.constant 256 : i32
    %scan3A_111 = arith.constant 0 : i32
    %scan3A_112 = arith.constant 0 : i32
    %scan3A_113 = arith.constant 20 : i32
    %scan3A_114 = arith.addi %scan3A_112, %scan3A_113 : i32
    %scan3A_115 = arith.constant 1 : i32
    %scan3A_116 = scf.for %scan3A_236 = %scan3A_112 to %scan3A_114 step %scan3A_115 iter_args(%scan3A_237 = %scan3A_111) -> (i32)  : i32 {
      %mul3A_238 = arith.constant 640 : i32
      %mul3A_239 = arith.muli %arg1, %mul3A_238 : i32
      %mul3A_240 = arith.constant 32 : i32
      %mul3A_241 = arith.muli %scan3A_236, %mul3A_240 : i32
      %add3A_242 = arith.addi %mul3A_239, %mul3A_241 : i32
      %dma_start3A_243 = arith.constant 0 : i32
      %dma_start3A_244 = tpu.memref_slice %arg8[%add3A_242, %dma_start3A_243] : memref<10240x128xf32, #tpu.memory_space<vmem_shared>> -> memref<32x128xf32, #tpu.memory_space<vmem_shared>>
      %dma_start3A_245 = arith.constant 0 : i32
      %dma_start3A_246 = tpu.memref_slice %arg8[%add3A_242, %dma_start3A_245] : memref<10240x128xf32, #tpu.memory_space<vmem_shared>> -> memref<32x128xf32, #tpu.memory_space<vmem_shared>>
      tpu.enqueue_dma source(%arg7 : memref<32x128xf32, #tpu.memory_space<vmem>>) target(%dma_start3A_246 : memref<32x128xf32, #tpu.memory_space<vmem_shared>>) target_semaphore(%arg12 : memref<!tpu.dma_semaphore, #tpu.memory_space<semaphore_mem>>)
      %scan3A_247 = arith.constant 0 : i32
      scf.yield %scan3A_247 : i32
    }
    %scan3A_117 = arith.constant 20 : i32
    %dma_wait3A = arith.constant 0 : i32
    %dma_wait3A_118 = arith.constant 0 : i32
    %dma_wait3A_119 = arith.constant 0 : i32
    %dma_wait3A_120 = arith.constant 0 : i32
    %dma_wait3A_121 = arith.constant 0 : i32
    %dma_wait3A_122 = tpu.memref_slice %arg5[%dma_wait3A_118, %dma_wait3A_120, %dma_wait3A_121] : memref<5x2x80xi32, #tpu.memory_space<vmem>> -> memref<1x2x80xi32, #tpu.memory_space<vmem>>
    %dma_wait3A_123 = tpu.memref_squeeze %dma_wait3A_122 : memref<1x2x80xi32, #tpu.memory_space<vmem>> -> memref<2x80xi32, #tpu.memory_space<vmem>>
    %dma_wait3A_124 = arith.constant 0 : i32
    %dma_wait3A_125 = arith.constant 0 : i32
    %dma_wait3A_126 = tpu.memref_slice %arg3[%add3A, %dma_wait3A, %dma_wait3A_124, %dma_wait3A_125] : memref<32x125x2x80xi32, #tpu.memory_space<hbm>> -> memref<1x1x2x80xi32, #tpu.memory_space<hbm>>
    %dma_wait3A_127 = tpu.memref_squeeze %dma_wait3A_126 : memref<1x1x2x80xi32, #tpu.memory_space<hbm>> -> memref<2x80xi32, #tpu.memory_space<hbm>>
    %dma_wait3A_128 = tpu.memref_slice %arg9[%dma_wait3A_119] : memref<5x!tpu.dma_semaphore, #tpu.memory_space<semaphore_mem>> -> memref<1x!tpu.dma_semaphore, #tpu.memory_space<semaphore_mem>>
    %dma_wait3A_129 = tpu.memref_squeeze %dma_wait3A_128 : memref<1x!tpu.dma_semaphore, #tpu.memory_space<semaphore_mem>> -> memref<!tpu.dma_semaphore, #tpu.memory_space<semaphore_mem>>
    %dma_wait3A_130 = arith.constant 0 : i32
    %dma_wait3A_131 = arith.constant 0 : i32
    %dma_wait3A_132 = tpu.memref_slice %arg5[%dma_wait3A_118, %dma_wait3A_130, %dma_wait3A_131] : memref<5x2x80xi32, #tpu.memory_space<vmem>> -> memref<1x2x80xi32, #tpu.memory_space<vmem>>
    %dma_wait3A_133 = tpu.memref_squeeze %dma_wait3A_132 : memref<1x2x80xi32, #tpu.memory_space<vmem>> -> memref<2x80xi32, #tpu.memory_space<vmem>>
    %dma_wait3A_134 = arith.constant 0 : i32
    %dma_wait3A_135 = arith.constant 0 : i32
    %dma_wait3A_136 = tpu.memref_slice %arg3[%add3A, %dma_wait3A, %dma_wait3A_134, %dma_wait3A_135] : memref<32x125x2x80xi32, #tpu.memory_space<hbm>> -> memref<1x1x2x80xi32, #tpu.memory_space<hbm>>
    %dma_wait3A_137 = tpu.memref_squeeze %dma_wait3A_136 : memref<1x1x2x80xi32, #tpu.memory_space<hbm>> -> memref<2x80xi32, #tpu.memory_space<hbm>>
    tpu.wait_dma2 semaphore(%dma_wait3A_129 : memref<!tpu.dma_semaphore, #tpu.memory_space<semaphore_mem>>) src(%dma_wait3A_137 : memref<2x80xi32, #tpu.memory_space<hbm>>) dst(%dma_wait3A_133 : memref<2x80xi32, #tpu.memory_space<vmem>>)
    %dma_start3A_138 = arith.constant 0 : i32
    %dma_start3A_139 = arith.constant 0 : i32
    %dma_start3A_140 = arith.constant 0 : i32
    %dma_start3A_141 = arith.constant 0 : i32
    %dma_start3A_142 = arith.constant 0 : i32
    %dma_start3A_143 = arith.constant 0 : i32
    %dma_start3A_144 = tpu.memref_slice %arg6[%dma_start3A_140, %dma_start3A_142, %dma_start3A_143] : memref<3x80x128xf32, #tpu.memory_space<vmem>> -> memref<1x80x128xf32, #tpu.memory_space<vmem>>
    %dma_start3A_145 = tpu.memref_squeeze %dma_start3A_144 : memref<1x80x128xf32, #tpu.memory_space<vmem>> -> memref<80x128xf32, #tpu.memory_space<vmem>>
    %dma_start3A_146 = arith.constant 0 : i32
    %dma_start3A_147 = tpu.memref_slice %arg5[%dma_start3A_138, %dma_start3A_139, %dma_start3A_146] : memref<5x2x80xi32, #tpu.memory_space<vmem>> -> memref<1x1x80xi32, #tpu.memory_space<vmem>>
    %dma_start3A_148 = tpu.memref_squeeze %dma_start3A_147 : memref<1x1x80xi32, #tpu.memory_space<vmem>> -> memref<80xi32, #tpu.memory_space<vmem>>
    %dma_start3A_149 = arith.constant 0 : i32
    %dma_start3A_150 = arith.constant 0 : i32
    %dma_start3A_151 = tpu.memref_slice %arg2[%dma_start3A_149, %dma_start3A_150] : memref<10000x128xf32, #tpu.memory_space<hbm>> -> memref<10000x128xf32, #tpu.memory_space<hbm>>
    %dma_start3A_152 = tpu.memref_slice %arg10[%dma_start3A_141] : memref<3x!tpu.dma_semaphore, #tpu.memory_space<semaphore_mem>> -> memref<1x!tpu.dma_semaphore, #tpu.memory_space<semaphore_mem>>
    %dma_start3A_153 = tpu.memref_squeeze %dma_start3A_152 : memref<1x!tpu.dma_semaphore, #tpu.memory_space<semaphore_mem>> -> memref<!tpu.dma_semaphore, #tpu.memory_space<semaphore_mem>>
    tpu.enqueue_indirect_dma source(%dma_start3A_151 : memref<10000x128xf32, #tpu.memory_space<hbm>>) target(%dma_start3A_145 : memref<80x128xf32, #tpu.memory_space<vmem>>) offsets(%dma_start3A_148 : memref<80xi32, #tpu.memory_space<vmem>>) semaphore(%dma_start3A_153 : memref<!tpu.dma_semaphore, #tpu.memory_space<semaphore_mem>>)
    %dma_wait3A_154 = arith.constant 1 : i32
    %dma_wait3A_155 = arith.constant 1 : i32
    %dma_wait3A_156 = arith.constant 1 : i32
    %dma_wait3A_157 = arith.constant 0 : i32
    %dma_wait3A_158 = arith.constant 0 : i32
    %dma_wait3A_159 = tpu.memref_slice %arg5[%dma_wait3A_155, %dma_wait3A_157, %dma_wait3A_158] : memref<5x2x80xi32, #tpu.memory_space<vmem>> -> memref<1x2x80xi32, #tpu.memory_space<vmem>>
    %dma_wait3A_160 = tpu.memref_squeeze %dma_wait3A_159 : memref<1x2x80xi32, #tpu.memory_space<vmem>> -> memref<2x80xi32, #tpu.memory_space<vmem>>
    %dma_wait3A_161 = arith.constant 0 : i32
    %dma_wait3A_162 = arith.constant 0 : i32
    %dma_wait3A_163 = tpu.memref_slice %arg3[%add3A, %dma_wait3A_154, %dma_wait3A_161, %dma_wait3A_162] : memref<32x125x2x80xi32, #tpu.memory_space<hbm>> -> memref<1x1x2x80xi32, #tpu.memory_space<hbm>>
    %dma_wait3A_164 = tpu.memref_squeeze %dma_wait3A_163 : memref<1x1x2x80xi32, #tpu.memory_space<hbm>> -> memref<2x80xi32, #tpu.memory_space<hbm>>
    %dma_wait3A_165 = tpu.memref_slice %arg9[%dma_wait3A_156] : memref<5x!tpu.dma_semaphore, #tpu.memory_space<semaphore_mem>> -> memref<1x!tpu.dma_semaphore, #tpu.memory_space<semaphore_mem>>
    %dma_wait3A_166 = tpu.memref_squeeze %dma_wait3A_165 : memref<1x!tpu.dma_semaphore, #tpu.memory_space<semaphore_mem>> -> memref<!tpu.dma_semaphore, #tpu.memory_space<semaphore_mem>>
    %dma_wait3A_167 = arith.constant 0 : i32
    %dma_wait3A_168 = arith.constant 0 : i32
    %dma_wait3A_169 = tpu.memref_slice %arg5[%dma_wait3A_155, %dma_wait3A_167, %dma_wait3A_168] : memref<5x2x80xi32, #tpu.memory_space<vmem>> -> memref<1x2x80xi32, #tpu.memory_space<vmem>>
    %dma_wait3A_170 = tpu.memref_squeeze %dma_wait3A_169 : memref<1x2x80xi32, #tpu.memory_space<vmem>> -> memref<2x80xi32, #tpu.memory_space<vmem>>
    %dma_wait3A_171 = arith.constant 0 : i32
    %dma_wait3A_172 = arith.constant 0 : i32
    %dma_wait3A_173 = tpu.memref_slice %arg3[%add3A, %dma_wait3A_154, %dma_wait3A_171, %dma_wait3A_172] : memref<32x125x2x80xi32, #tpu.memory_space<hbm>> -> memref<1x1x2x80xi32, #tpu.memory_space<hbm>>
    %dma_wait3A_174 = tpu.memref_squeeze %dma_wait3A_173 : memref<1x1x2x80xi32, #tpu.memory_space<hbm>> -> memref<2x80xi32, #tpu.memory_space<hbm>>
    tpu.wait_dma2 semaphore(%dma_wait3A_166 : memref<!tpu.dma_semaphore, #tpu.memory_space<semaphore_mem>>) src(%dma_wait3A_174 : memref<2x80xi32, #tpu.memory_space<hbm>>) dst(%dma_wait3A_170 : memref<2x80xi32, #tpu.memory_space<vmem>>)
    %dma_start3A_175 = arith.constant 1 : i32
    %dma_start3A_176 = arith.constant 0 : i32
    %dma_start3A_177 = arith.constant 1 : i32
    %dma_start3A_178 = arith.constant 1 : i32
    %dma_start3A_179 = arith.constant 0 : i32
    %dma_start3A_180 = arith.constant 0 : i32
    %dma_start3A_181 = tpu.memref_slice %arg6[%dma_start3A_177, %dma_start3A_179, %dma_start3A_180] : memref<3x80x128xf32, #tpu.memory_space<vmem>> -> memref<1x80x128xf32, #tpu.memory_space<vmem>>
    %dma_start3A_182 = tpu.memref_squeeze %dma_start3A_181 : memref<1x80x128xf32, #tpu.memory_space<vmem>> -> memref<80x128xf32, #tpu.memory_space<vmem>>
    %dma_start3A_183 = arith.constant 0 : i32
    %dma_start3A_184 = tpu.memref_slice %arg5[%dma_start3A_175, %dma_start3A_176, %dma_start3A_183] : memref<5x2x80xi32, #tpu.memory_space<vmem>> -> memref<1x1x80xi32, #tpu.memory_space<vmem>>
    %dma_start3A_185 = tpu.memref_squeeze %dma_start3A_184 : memref<1x1x80xi32, #tpu.memory_space<vmem>> -> memref<80xi32, #tpu.memory_space<vmem>>
    %dma_start3A_186 = arith.constant 0 : i32
    %dma_start3A_187 = arith.constant 0 : i32
    %dma_start3A_188 = tpu.memref_slice %arg2[%dma_start3A_186, %dma_start3A_187] : memref<10000x128xf32, #tpu.memory_space<hbm>> -> memref<10000x128xf32, #tpu.memory_space<hbm>>
    %dma_start3A_189 = tpu.memref_slice %arg10[%dma_start3A_178] : memref<3x!tpu.dma_semaphore, #tpu.memory_space<semaphore_mem>> -> memref<1x!tpu.dma_semaphore, #tpu.memory_space<semaphore_mem>>
    %dma_start3A_190 = tpu.memref_squeeze %dma_start3A_189 : memref<1x!tpu.dma_semaphore, #tpu.memory_space<semaphore_mem>> -> memref<!tpu.dma_semaphore, #tpu.memory_space<semaphore_mem>>
    tpu.enqueue_indirect_dma source(%dma_start3A_188 : memref<10000x128xf32, #tpu.memory_space<hbm>>) target(%dma_start3A_182 : memref<80x128xf32, #tpu.memory_space<vmem>>) offsets(%dma_start3A_185 : memref<80xi32, #tpu.memory_space<vmem>>) semaphore(%dma_start3A_190 : memref<!tpu.dma_semaphore, #tpu.memory_space<semaphore_mem>>)
    %scan3A_191 = arith.constant 0 : i32
    %scan3A_192 = arith.constant 0 : i32
    %scan3A_193 = arith.constant 20 : i32
    %scan3A_194 = arith.addi %scan3A_192, %scan3A_193 : i32
    %scan3A_195 = arith.constant 1 : i32
    %scan3A_196 = scf.for %scan3A_236 = %scan3A_192 to %scan3A_194 step %scan3A_195 iter_args(%scan3A_237 = %scan3A_191) -> (i32)  : i32 {
      %mul3A_238 = arith.constant 640 : i32
      %mul3A_239 = arith.muli %arg1, %mul3A_238 : i32
      %dma_wait3A_240 = arith.constant 0 : i32
      %dma_wait3A_241 = tpu.memref_slice %arg8[%mul3A_239, %dma_wait3A_240] : memref<10240x128xf32, #tpu.memory_space<vmem_shared>> -> memref<32x128xf32, #tpu.memory_space<vmem_shared>>
      %dma_wait3A_242 = arith.constant 0 : i32
      %dma_wait3A_243 = tpu.memref_slice %arg8[%mul3A_239, %dma_wait3A_242] : memref<10240x128xf32, #tpu.memory_space<vmem_shared>> -> memref<32x128xf32, #tpu.memory_space<vmem_shared>>
      tpu.wait_dma2 semaphore(%arg12 : memref<!tpu.dma_semaphore, #tpu.memory_space<semaphore_mem>>) src(%arg7 : memref<32x128xf32, #tpu.memory_space<vmem>>) dst(%dma_wait3A_243 : memref<32x128xf32, #tpu.memory_space<vmem_shared>>)
      %scan3A_244 = arith.constant 0 : i32
      scf.yield %scan3A_244 : i32
    }
    %scan3A_197 = arith.constant 20 : i32
    %barrier3A = arith.constant 0 : index
    tpu.barrier barrier_id(%barrier3A)
    %scan3A_198 = arith.constant 0 : i32
    %scan3A_199 = arith.constant 0 : i32
    %scan3A_200 = arith.constant 125 : i32
    %scan3A_201 = arith.addi %scan3A_199, %scan3A_200 : i32
    %scan3A_202 = arith.constant 1 : i32
    %scan3A_203 = scf.for %scan3A_236 = %scan3A_199 to %scan3A_201 step %scan3A_202 iter_args(%scan3A_237 = %scan3A_198) -> (i32)  : i32 {
      %rem3A = arith.constant 3 : i32
      %rem3A_238 = arith.remsi %scan3A_236, %rem3A : i32
      %rem3A_239 = arith.constant 5 : i32
      %rem3A_240 = arith.remsi %scan3A_236, %rem3A_239 : i32
      %dma_wait3A_241 = arith.constant 0 : i32
      %dma_wait3A_242 = arith.constant 0 : i32
      %dma_wait3A_243 = arith.constant 0 : i32
      %dma_wait3A_244 = tpu.memref_slice %arg6[%rem3A_238, %dma_wait3A_242, %dma_wait3A_243] : memref<3x80x128xf32, #tpu.memory_space<vmem>> -> memref<1x80x128xf32, #tpu.memory_space<vmem>>
      %dma_wait3A_245 = tpu.memref_squeeze %dma_wait3A_244 : memref<1x80x128xf32, #tpu.memory_space<vmem>> -> memref<80x128xf32, #tpu.memory_space<vmem>>
      %dma_wait3A_246 = arith.constant 0 : i32
      %dma_wait3A_247 = tpu.memref_slice %arg5[%rem3A_240, %dma_wait3A_241, %dma_wait3A_246] : memref<5x2x80xi32, #tpu.memory_space<vmem>> -> memref<1x1x80xi32, #tpu.memory_space<vmem>>
      %dma_wait3A_248 = tpu.memref_squeeze %dma_wait3A_247 : memref<1x1x80xi32, #tpu.memory_space<vmem>> -> memref<80xi32, #tpu.memory_space<vmem>>
      %dma_wait3A_249 = arith.constant 0 : i32
      %dma_wait3A_250 = arith.constant 0 : i32
      %dma_wait3A_251 = tpu.memref_slice %arg2[%dma_wait3A_249, %dma_wait3A_250] : memref<10000x128xf32, #tpu.memory_space<hbm>> -> memref<10000x128xf32, #tpu.memory_space<hbm>>
      %dma_wait3A_252 = tpu.memref_slice %arg10[%rem3A_238] : memref<3x!tpu.dma_semaphore, #tpu.memory_space<semaphore_mem>> -> memref<1x!tpu.dma_semaphore, #tpu.memory_space<semaphore_mem>>
      %dma_wait3A_253 = tpu.memref_squeeze %dma_wait3A_252 : memref<1x!tpu.dma_semaphore, #tpu.memory_space<semaphore_mem>> -> memref<!tpu.dma_semaphore, #tpu.memory_space<semaphore_mem>>
      tpu.wait_indirect_dma semaphore(%dma_wait3A_253 : memref<!tpu.dma_semaphore, #tpu.memory_space<semaphore_mem>>) src(%dma_wait3A_251 : memref<10000x128xf32, #tpu.memory_space<hbm>>) dst(%dma_wait3A_245 : memref<80x128xf32, #tpu.memory_space<vmem>>)
      %ge3A = arith.constant 1 : i32
      %ge3A_254 = arith.cmpi sge, %scan3A_236, %ge3A : i32
      %convert_element_type3A = arith.extui %ge3A_254 : i1 to i32
      %cond3A = arith.constant 0 : i32
      %cond3A_255 = arith.cmpi ne, %convert_element_type3A, %cond3A : i32
      scf.if %cond3A_255 {
        %add3A_285 = arith.constant 2 : i32
        %add3A_286 = arith.addi %scan3A_236, %add3A_285 : i32
        %rem3A_287 = arith.constant 3 : i32
        %rem3A_288 = arith.remsi %add3A_286, %rem3A_287 : i32
        %add3A_289 = arith.constant 4 : i32
        %add3A_290 = arith.addi %scan3A_236, %add3A_289 : i32
        %rem3A_291 = arith.constant 5 : i32
        %rem3A_292 = arith.remsi %add3A_290, %rem3A_291 : i32
        %dma_wait3A_293 = arith.constant 1 : i32
        %dma_wait3A_294 = arith.constant 0 : i32
        %dma_wait3A_295 = arith.constant 0 : i32
        %dma_wait3A_296 = tpu.memref_slice %arg6[%rem3A_288, %dma_wait3A_294, %dma_wait3A_295] : memref<3x80x128xf32, #tpu.memory_space<vmem>> -> memref<1x80x128xf32, #tpu.memory_space<vmem>>
        %dma_wait3A_297 = tpu.memref_squeeze %dma_wait3A_296 : memref<1x80x128xf32, #tpu.memory_space<vmem>> -> memref<80x128xf32, #tpu.memory_space<vmem>>
        %dma_wait3A_298 = arith.constant 0 : i32
        %dma_wait3A_299 = tpu.memref_slice %arg5[%rem3A_292, %dma_wait3A_293, %dma_wait3A_298] : memref<5x2x80xi32, #tpu.memory_space<vmem>> -> memref<1x1x80xi32, #tpu.memory_space<vmem>>
        %dma_wait3A_300 = tpu.memref_squeeze %dma_wait3A_299 : memref<1x1x80xi32, #tpu.memory_space<vmem>> -> memref<80xi32, #tpu.memory_space<vmem>>
        %dma_wait3A_301 = arith.constant 0 : i32
        %dma_wait3A_302 = arith.constant 0 : i32
        %dma_wait3A_303 = tpu.memref_slice %arg8[%dma_wait3A_301, %dma_wait3A_302] : memref<10240x128xf32, #tpu.memory_space<vmem_shared>> -> memref<10240x128xf32, #tpu.memory_space<vmem_shared>>
        %dma_wait3A_304 = tpu.memref_slice %arg11[%rem3A_288] : memref<3x!tpu.dma_semaphore, #tpu.memory_space<semaphore_mem>> -> memref<1x!tpu.dma_semaphore, #tpu.memory_space<semaphore_mem>>
        %dma_wait3A_305 = tpu.memref_squeeze %dma_wait3A_304 : memref<1x!tpu.dma_semaphore, #tpu.memory_space<semaphore_mem>> -> memref<!tpu.dma_semaphore, #tpu.memory_space<semaphore_mem>>
        tpu.wait_indirect_dma semaphore(%dma_wait3A_305 : memref<!tpu.dma_semaphore, #tpu.memory_space<semaphore_mem>>) src(%dma_wait3A_297 : memref<80x128xf32, #tpu.memory_space<vmem>>) dst(%dma_wait3A_303 : memref<10240x128xf32, #tpu.memory_space<vmem_shared>>)
      } else {
      }
      %ge3A_256 = arith.constant 1 : i32
      %ge3A_257 = arith.cmpi sge, %scan3A_236, %ge3A_256 : i32
      %add3A_258 = arith.constant 4 : i32
      %add3A_259 = arith.addi %scan3A_236, %add3A_258 : i32
      %lt3A = arith.constant 125 : i32
      %lt3A_260 = arith.cmpi slt, %add3A_259, %lt3A : i32
      %and3A = arith.andi %ge3A_257, %lt3A_260 : i1
      %convert_element_type3A_261 = arith.extui %and3A : i1 to i32
      %cond3A_262 = arith.constant 0 : i32
      %cond3A_263 = arith.cmpi ne, %convert_element_type3A_261, %cond3A_262 : i32
      scf.if %cond3A_263 {
        %add3A_285 = arith.constant 4 : i32
        %add3A_286 = arith.addi %scan3A_236, %add3A_285 : i32
        %rem3A_287 = arith.constant 5 : i32
        %rem3A_288 = arith.remsi %add3A_286, %rem3A_287 : i32
        %add3A_289 = arith.constant 4 : i32
        %add3A_290 = arith.addi %scan3A_236, %add3A_289 : i32
        %dma_start3A_291 = arith.constant 0 : i32
        %dma_start3A_292 = arith.constant 0 : i32
        %dma_start3A_293 = tpu.memref_slice %arg5[%rem3A_288, %dma_start3A_291, %dma_start3A_292] : memref<5x2x80xi32, #tpu.memory_space<vmem>> -> memref<1x2x80xi32, #tpu.memory_space<vmem>>
        %dma_start3A_294 = tpu.memref_squeeze %dma_start3A_293 : memref<1x2x80xi32, #tpu.memory_space<vmem>> -> memref<2x80xi32, #tpu.memory_space<vmem>>
        %dma_start3A_295 = arith.constant 0 : i32
        %dma_start3A_296 = arith.constant 0 : i32
        %dma_start3A_297 = tpu.memref_slice %arg3[%add3A, %add3A_290, %dma_start3A_295, %dma_start3A_296] : memref<32x125x2x80xi32, #tpu.memory_space<hbm>> -> memref<1x1x2x80xi32, #tpu.memory_space<hbm>>
        %dma_start3A_298 = tpu.memref_squeeze %dma_start3A_297 : memref<1x1x2x80xi32, #tpu.memory_space<hbm>> -> memref<2x80xi32, #tpu.memory_space<hbm>>
        %dma_start3A_299 = tpu.memref_slice %arg9[%rem3A_288] : memref<5x!tpu.dma_semaphore, #tpu.memory_space<semaphore_mem>> -> memref<1x!tpu.dma_semaphore, #tpu.memory_space<semaphore_mem>>
        %dma_start3A_300 = tpu.memref_squeeze %dma_start3A_299 : memref<1x!tpu.dma_semaphore, #tpu.memory_space<semaphore_mem>> -> memref<!tpu.dma_semaphore, #tpu.memory_space<semaphore_mem>>
        %dma_start3A_301 = arith.constant 0 : i32
        %dma_start3A_302 = arith.constant 0 : i32
        %dma_start3A_303 = tpu.memref_slice %arg5[%rem3A_288, %dma_start3A_301, %dma_start3A_302] : memref<5x2x80xi32, #tpu.memory_space<vmem>> -> memref<1x2x80xi32, #tpu.memory_space<vmem>>
        %dma_start3A_304 = tpu.memref_squeeze %dma_start3A_303 : memref<1x2x80xi32, #tpu.memory_space<vmem>> -> memref<2x80xi32, #tpu.memory_space<vmem>>
        %dma_start3A_305 = arith.constant 0 : i32
        %dma_start3A_306 = arith.constant 0 : i32
        %dma_start3A_307 = tpu.memref_slice %arg3[%add3A, %add3A_290, %dma_start3A_305, %dma_start3A_306] : memref<32x125x2x80xi32, #tpu.memory_space<hbm>> -> memref<1x1x2x80xi32, #tpu.memory_space<hbm>>
        %dma_start3A_308 = tpu.memref_squeeze %dma_start3A_307 : memref<1x1x2x80xi32, #tpu.memory_space<hbm>> -> memref<2x80xi32, #tpu.memory_space<hbm>>
        tpu.enqueue_dma source(%dma_start3A_308 : memref<2x80xi32, #tpu.memory_space<hbm>>) target(%dma_start3A_304 : memref<2x80xi32, #tpu.memory_space<vmem>>) target_semaphore(%dma_start3A_300 : memref<!tpu.dma_semaphore, #tpu.memory_space<semaphore_mem>>)
      } else {
      }
      %add3A_264 = arith.constant 2 : i32
      %add3A_265 = arith.addi %scan3A_236, %add3A_264 : i32
      %lt3A_266 = arith.constant 125 : i32
      %lt3A_267 = arith.cmpi slt, %add3A_265, %lt3A_266 : i32
      %convert_element_type3A_268 = arith.extui %lt3A_267 : i1 to i32
      %cond3A_269 = arith.constant 0 : i32
      %cond3A_270 = arith.cmpi ne, %convert_element_type3A_268, %cond3A_269 : i32
      scf.if %cond3A_270 {
        %add3A_285 = arith.constant 2 : i32
        %add3A_286 = arith.addi %scan3A_236, %add3A_285 : i32
        %rem3A_287 = arith.constant 5 : i32
        %rem3A_288 = arith.remsi %add3A_286, %rem3A_287 : i32
        %add3A_289 = arith.constant 2 : i32
        %add3A_290 = arith.addi %scan3A_236, %add3A_289 : i32
        %rem3A_291 = arith.constant 3 : i32
        %rem3A_292 = arith.remsi %add3A_290, %rem3A_291 : i32
        %add3A_293 = arith.constant 2 : i32
        %add3A_294 = arith.addi %scan3A_236, %add3A_293 : i32
        %dma_wait3A_295 = arith.constant 0 : i32
        %dma_wait3A_296 = arith.constant 0 : i32
        %dma_wait3A_297 = tpu.memref_slice %arg5[%rem3A_288, %dma_wait3A_295, %dma_wait3A_296] : memref<5x2x80xi32, #tpu.memory_space<vmem>> -> memref<1x2x80xi32, #tpu.memory_space<vmem>>
        %dma_wait3A_298 = tpu.memref_squeeze %dma_wait3A_297 : memref<1x2x80xi32, #tpu.memory_space<vmem>> -> memref<2x80xi32, #tpu.memory_space<vmem>>
        %dma_wait3A_299 = arith.constant 0 : i32
        %dma_wait3A_300 = arith.constant 0 : i32
        %dma_wait3A_301 = tpu.memref_slice %arg3[%add3A, %add3A_294, %dma_wait3A_299, %dma_wait3A_300] : memref<32x125x2x80xi32, #tpu.memory_space<hbm>> -> memref<1x1x2x80xi32, #tpu.memory_space<hbm>>
        %dma_wait3A_302 = tpu.memref_squeeze %dma_wait3A_301 : memref<1x1x2x80xi32, #tpu.memory_space<hbm>> -> memref<2x80xi32, #tpu.memory_space<hbm>>
        %dma_wait3A_303 = tpu.memref_slice %arg9[%rem3A_288] : memref<5x!tpu.dma_semaphore, #tpu.memory_space<semaphore_mem>> -> memref<1x!tpu.dma_semaphore, #tpu.memory_space<semaphore_mem>>
        %dma_wait3A_304 = tpu.memref_squeeze %dma_wait3A_303 : memref<1x!tpu.dma_semaphore, #tpu.memory_space<semaphore_mem>> -> memref<!tpu.dma_semaphore, #tpu.memory_space<semaphore_mem>>
        %dma_wait3A_305 = arith.constant 0 : i32
        %dma_wait3A_306 = arith.constant 0 : i32
        %dma_wait3A_307 = tpu.memref_slice %arg5[%rem3A_288, %dma_wait3A_305, %dma_wait3A_306] : memref<5x2x80xi32, #tpu.memory_space<vmem>> -> memref<1x2x80xi32, #tpu.memory_space<vmem>>
        %dma_wait3A_308 = tpu.memref_squeeze %dma_wait3A_307 : memref<1x2x80xi32, #tpu.memory_space<vmem>> -> memref<2x80xi32, #tpu.memory_space<vmem>>
        %dma_wait3A_309 = arith.constant 0 : i32
        %dma_wait3A_310 = arith.constant 0 : i32
        %dma_wait3A_311 = tpu.memref_slice %arg3[%add3A, %add3A_294, %dma_wait3A_309, %dma_wait3A_310] : memref<32x125x2x80xi32, #tpu.memory_space<hbm>> -> memref<1x1x2x80xi32, #tpu.memory_space<hbm>>
        %dma_wait3A_312 = tpu.memref_squeeze %dma_wait3A_311 : memref<1x1x2x80xi32, #tpu.memory_space<hbm>> -> memref<2x80xi32, #tpu.memory_space<hbm>>
        tpu.wait_dma2 semaphore(%dma_wait3A_304 : memref<!tpu.dma_semaphore, #tpu.memory_space<semaphore_mem>>) src(%dma_wait3A_312 : memref<2x80xi32, #tpu.memory_space<hbm>>) dst(%dma_wait3A_308 : memref<2x80xi32, #tpu.memory_space<vmem>>)
        %dma_start3A_313 = arith.constant 0 : i32
        %dma_start3A_314 = arith.constant 0 : i32
        %dma_start3A_315 = arith.constant 0 : i32
        %dma_start3A_316 = tpu.memref_slice %arg6[%rem3A_292, %dma_start3A_314, %dma_start3A_315] : memref<3x80x128xf32, #tpu.memory_space<vmem>> -> memref<1x80x128xf32, #tpu.memory_space<vmem>>
        %dma_start3A_317 = tpu.memref_squeeze %dma_start3A_316 : memref<1x80x128xf32, #tpu.memory_space<vmem>> -> memref<80x128xf32, #tpu.memory_space<vmem>>
        %dma_start3A_318 = arith.constant 0 : i32
        %dma_start3A_319 = tpu.memref_slice %arg5[%rem3A_288, %dma_start3A_313, %dma_start3A_318] : memref<5x2x80xi32, #tpu.memory_space<vmem>> -> memref<1x1x80xi32, #tpu.memory_space<vmem>>
        %dma_start3A_320 = tpu.memref_squeeze %dma_start3A_319 : memref<1x1x80xi32, #tpu.memory_space<vmem>> -> memref<80xi32, #tpu.memory_space<vmem>>
        %dma_start3A_321 = arith.constant 0 : i32
        %dma_start3A_322 = arith.constant 0 : i32
        %dma_start3A_323 = tpu.memref_slice %arg2[%dma_start3A_321, %dma_start3A_322] : memref<10000x128xf32, #tpu.memory_space<hbm>> -> memref<10000x128xf32, #tpu.memory_space<hbm>>
        %dma_start3A_324 = tpu.memref_slice %arg10[%rem3A_292] : memref<3x!tpu.dma_semaphore, #tpu.memory_space<semaphore_mem>> -> memref<1x!tpu.dma_semaphore, #tpu.memory_space<semaphore_mem>>
        %dma_start3A_325 = tpu.memref_squeeze %dma_start3A_324 : memref<1x!tpu.dma_semaphore, #tpu.memory_space<semaphore_mem>> -> memref<!tpu.dma_semaphore, #tpu.memory_space<semaphore_mem>>
        tpu.enqueue_indirect_dma source(%dma_start3A_323 : memref<10000x128xf32, #tpu.memory_space<hbm>>) target(%dma_start3A_317 : memref<80x128xf32, #tpu.memory_space<vmem>>) offsets(%dma_start3A_320 : memref<80xi32, #tpu.memory_space<vmem>>) semaphore(%dma_start3A_325 : memref<!tpu.dma_semaphore, #tpu.memory_space<semaphore_mem>>)
      } else {
      }
      %dma_start3A_271 = arith.constant 1 : i32
      %dma_start3A_272 = arith.constant 0 : i32
      %dma_start3A_273 = arith.constant 0 : i32
      %dma_start3A_274 = tpu.memref_slice %arg6[%rem3A_238, %dma_start3A_272, %dma_start3A_273] : memref<3x80x128xf32, #tpu.memory_space<vmem>> -> memref<1x80x128xf32, #tpu.memory_space<vmem>>
      %dma_start3A_275 = tpu.memref_squeeze %dma_start3A_274 : memref<1x80x128xf32, #tpu.memory_space<vmem>> -> memref<80x128xf32, #tpu.memory_space<vmem>>
      %dma_start3A_276 = arith.constant 0 : i32
      %dma_start3A_277 = tpu.memref_slice %arg5[%rem3A_240, %dma_start3A_271, %dma_start3A_276] : memref<5x2x80xi32, #tpu.memory_space<vmem>> -> memref<1x1x80xi32, #tpu.memory_space<vmem>>
      %dma_start3A_278 = tpu.memref_squeeze %dma_start3A_277 : memref<1x1x80xi32, #tpu.memory_space<vmem>> -> memref<80xi32, #tpu.memory_space<vmem>>
      %dma_start3A_279 = arith.constant 0 : i32
      %dma_start3A_280 = arith.constant 0 : i32
      %dma_start3A_281 = tpu.memref_slice %arg8[%dma_start3A_279, %dma_start3A_280] : memref<10240x128xf32, #tpu.memory_space<vmem_shared>> -> memref<10240x128xf32, #tpu.memory_space<vmem_shared>>
      %dma_start3A_282 = tpu.memref_slice %arg11[%rem3A_238] : memref<3x!tpu.dma_semaphore, #tpu.memory_space<semaphore_mem>> -> memref<1x!tpu.dma_semaphore, #tpu.memory_space<semaphore_mem>>
      %dma_start3A_283 = tpu.memref_squeeze %dma_start3A_282 : memref<1x!tpu.dma_semaphore, #tpu.memory_space<semaphore_mem>> -> memref<!tpu.dma_semaphore, #tpu.memory_space<semaphore_mem>>
      tpu.enqueue_indirect_dma source(%dma_start3A_275 : memref<80x128xf32, #tpu.memory_space<vmem>>) target(%dma_start3A_281 : memref<10240x128xf32, #tpu.memory_space<vmem_shared>>) offsets(%dma_start3A_278 : memref<80xi32, #tpu.memory_space<vmem>>) semaphore(%dma_start3A_283 : memref<!tpu.dma_semaphore, #tpu.memory_space<semaphore_mem>>) {add = true}
      %scan3A_284 = arith.constant 0 : i32
      scf.yield %scan3A_284 : i32
    }
    %scan3A_204 = arith.constant 125 : i32
    %dma_wait3A_205 = arith.constant 1 : i32
    %dma_wait3A_206 = arith.constant 4 : i32
    %dma_wait3A_207 = arith.constant 1 : i32
    %dma_wait3A_208 = arith.constant 1 : i32
    %dma_wait3A_209 = arith.constant 0 : i32
    %dma_wait3A_210 = arith.constant 0 : i32
    %dma_wait3A_211 = tpu.memref_slice %arg6[%dma_wait3A_205, %dma_wait3A_209, %dma_wait3A_210] : memref<3x80x128xf32, #tpu.memory_space<vmem>> -> memref<1x80x128xf32, #tpu.memory_space<vmem>>
    %dma_wait3A_212 = tpu.memref_squeeze %dma_wait3A_211 : memref<1x80x128xf32, #tpu.memory_space<vmem>> -> memref<80x128xf32, #tpu.memory_space<vmem>>
    %dma_wait3A_213 = arith.constant 0 : i32
    %dma_wait3A_214 = tpu.memref_slice %arg5[%dma_wait3A_206, %dma_wait3A_207, %dma_wait3A_213] : memref<5x2x80xi32, #tpu.memory_space<vmem>> -> memref<1x1x80xi32, #tpu.memory_space<vmem>>
    %dma_wait3A_215 = tpu.memref_squeeze %dma_wait3A_214 : memref<1x1x80xi32, #tpu.memory_space<vmem>> -> memref<80xi32, #tpu.memory_space<vmem>>
    %dma_wait3A_216 = arith.constant 0 : i32
    %dma_wait3A_217 = arith.constant 0 : i32
    %dma_wait3A_218 = tpu.memref_slice %arg8[%dma_wait3A_216, %dma_wait3A_217] : memref<10240x128xf32, #tpu.memory_space<vmem_shared>> -> memref<10240x128xf32, #tpu.memory_space<vmem_shared>>
    %dma_wait3A_219 = tpu.memref_slice %arg11[%dma_wait3A_208] : memref<3x!tpu.dma_semaphore, #tpu.memory_space<semaphore_mem>> -> memref<1x!tpu.dma_semaphore, #tpu.memory_space<semaphore_mem>>
    %dma_wait3A_220 = tpu.memref_squeeze %dma_wait3A_219 : memref<1x!tpu.dma_semaphore, #tpu.memory_space<semaphore_mem>> -> memref<!tpu.dma_semaphore, #tpu.memory_space<semaphore_mem>>
    tpu.wait_indirect_dma semaphore(%dma_wait3A_220 : memref<!tpu.dma_semaphore, #tpu.memory_space<semaphore_mem>>) src(%dma_wait3A_212 : memref<80x128xf32, #tpu.memory_space<vmem>>) dst(%dma_wait3A_218 : memref<10240x128xf32, #tpu.memory_space<vmem_shared>>)
    %barrier3A_221 = arith.constant 0 : index
    tpu.barrier barrier_id(%barrier3A_221)
    %scan3A_222 = arith.constant 0 : i32
    %scan3A_223 = arith.constant 0 : i32
    %scan3A_224 = arith.constant 20 : i32
    %scan3A_225 = arith.addi %scan3A_223, %scan3A_224 : i32
    %scan3A_226 = arith.constant 1 : i32
    %scan3A_227 = scf.for %scan3A_236 = %scan3A_223 to %scan3A_225 step %scan3A_226 iter_args(%scan3A_237 = %scan3A_222) -> (i32)  : i32 {
      %mul3A_238 = arith.constant 640 : i32
      %mul3A_239 = arith.muli %arg1, %mul3A_238 : i32
      %mul3A_240 = arith.constant 32 : i32
      %mul3A_241 = arith.muli %scan3A_236, %mul3A_240 : i32
      %add3A_242 = arith.addi %mul3A_239, %mul3A_241 : i32
      %dma_start3A_243 = arith.constant 0 : i32
      %dma_start3A_244 = tpu.memref_slice %arg4[%arg0, %add3A_242, %dma_start3A_243] : memref<2x10240x128xf32, #tpu.memory_space<hbm>> -> memref<1x32x128xf32, #tpu.memory_space<hbm>>
      %dma_start3A_245 = tpu.memref_squeeze %dma_start3A_244 : memref<1x32x128xf32, #tpu.memory_space<hbm>> -> memref<32x128xf32, #tpu.memory_space<hbm>>
      %dma_start3A_246 = arith.constant 0 : i32
      %dma_start3A_247 = tpu.memref_slice %arg8[%add3A_242, %dma_start3A_246] : memref<10240x128xf32, #tpu.memory_space<vmem_shared>> -> memref<32x128xf32, #tpu.memory_space<vmem_shared>>
      tpu.enqueue_dma source(%dma_start3A_247 : memref<32x128xf32, #tpu.memory_space<vmem_shared>>) target(%dma_start3A_245 : memref<32x128xf32, #tpu.memory_space<hbm>>) target_semaphore(%arg12 : memref<!tpu.dma_semaphore, #tpu.memory_space<semaphore_mem>>)
      %scan3A_248 = arith.constant 0 : i32
      scf.yield %scan3A_248 : i32
    }
    %scan3A_228 = arith.constant 20 : i32
    %scan3A_229 = arith.constant 0 : i32
    %scan3A_230 = arith.constant 0 : i32
    %scan3A_231 = arith.constant 20 : i32
    %scan3A_232 = arith.addi %scan3A_230, %scan3A_231 : i32
    %scan3A_233 = arith.constant 1 : i32
    %scan3A_234 = scf.for %scan3A_236 = %scan3A_230 to %scan3A_232 step %scan3A_233 iter_args(%scan3A_237 = %scan3A_229) -> (i32)  : i32 {
      %mul3A_238 = arith.constant 640 : i32
      %mul3A_239 = arith.muli %arg1, %mul3A_238 : i32
      %dma_wait3A_240 = arith.constant 0 : i32
      %dma_wait3A_241 = tpu.memref_slice %arg4[%arg0, %mul3A_239, %dma_wait3A_240] : memref<2x10240x128xf32, #tpu.memory_space<hbm>> -> memref<1x32x128xf32, #tpu.memory_space<hbm>>
      %dma_wait3A_242 = tpu.memref_squeeze %dma_wait3A_241 : memref<1x32x128xf32, #tpu.memory_space<hbm>> -> memref<32x128xf32, #tpu.memory_space<hbm>>
      %dma_wait3A_243 = arith.constant 0 : i32
      %dma_wait3A_244 = tpu.memref_slice %arg8[%mul3A_239, %dma_wait3A_243] : memref<10240x128xf32, #tpu.memory_space<vmem_shared>> -> memref<32x128xf32, #tpu.memory_space<vmem_shared>>
      tpu.wait_dma2 semaphore(%arg12 : memref<!tpu.dma_semaphore, #tpu.memory_space<semaphore_mem>>) src(%dma_wait3A_244 : memref<32x128xf32, #tpu.memory_space<vmem_shared>>) dst(%dma_wait3A_242 : memref<32x128xf32, #tpu.memory_space<hbm>>)
      %scan3A_245 = arith.constant 0 : i32
      scf.yield %scan3A_245 : i32
    }
    %scan3A_235 = arith.constant 20 : i32
    return
  }
}

#map = affine_map<(d0, d1) -> (0, 0)>
#map1 = affine_map<(d0, d1) -> (0, 0, 0, 0)>
#map2 = affine_map<(d0, d1) -> (0, 0, 0)>
module attributes {stable_mosaic.version = 14 : i64} {
  func.func @_agg_kernel(%arg0: i32, %arg1: i32, %arg2: memref<10000x128xf32, #tpu.memory_space<hbm>>, %arg3: memref<32x125x2x80xi32, #tpu.memory_space<hbm>>, %arg4: memref<2x10240x128xf32, #tpu.memory_space<hbm>>, %arg5: memref<5x2x80xi32, #tpu.memory_space<vmem>>, %arg6: memref<3x80x128xf32, #tpu.memory_space<vmem>>, %arg7: memref<32x128xf32, #tpu.memory_space<vmem>>, %arg8: memref<10240x128xf32, #tpu.memory_space<vmem_shared>>, %arg9: memref<5x!tpu.dma_semaphore, #tpu.memory_space<semaphore_mem>>, %arg10: memref<3x!tpu.dma_semaphore, #tpu.memory_space<semaphore_mem>>, %arg11: memref<3x!tpu.dma_semaphore, #tpu.memory_space<semaphore_mem>>, %arg12: memref<!tpu.dma_semaphore, #tpu.memory_space<semaphore_mem>>) attributes {dimension_semantics = [#tpu.dimension_semantics<core_parallel>, #tpu.dimension_semantics<subcore_parallel>], iteration_bounds = array<i64: 2, 16>, scalar_prefetch = 0 : i64, scratch_operands = 8 : i64, tpu.core_type = #tpu.core_type<sc_vector_subcore>, window_params = [{transform_indices = #map}, {transform_indices = #map1}, {transform_indices = #map2}]} {
    %mul3A = arith.constant 16 : i32
    %mul3A_0 = arith.muli %arg0, %mul3A : i32
    %add3A = arith.addi %mul3A_0, %arg1 : i32
    %dma_start3A = arith.constant 0 : i32
    %dma_start3A_1 = arith.constant 0 : i32
    %dma_start3A_2 = arith.constant 0 : i32
    %dma_start3A_3 = arith.constant 0 : i32
    %dma_start3A_4 = arith.constant 0 : i32
    %dma_start3A_5 = tpu.memref_slice %arg5[%dma_start3A_1, %dma_start3A_3, %dma_start3A_4] : memref<5x2x80xi32, #tpu.memory_space<vmem>> -> memref<1x2x80xi32, #tpu.memory_space<vmem>>
    %dma_start3A_6 = tpu.memref_squeeze %dma_start3A_5 : memref<1x2x80xi32, #tpu.memory_space<vmem>> -> memref<2x80xi32, #tpu.memory_space<vmem>>
    %dma_start3A_7 = arith.constant 0 : i32
    %dma_start3A_8 = arith.constant 0 : i32
    %dma_start3A_9 = tpu.memref_slice %arg3[%add3A, %dma_start3A, %dma_start3A_7, %dma_start3A_8] : memref<32x125x2x80xi32, #tpu.memory_space<hbm>> -> memref<1x1x2x80xi32, #tpu.memory_space<hbm>>
    %dma_start3A_10 = tpu.memref_squeeze %dma_start3A_9 : memref<1x1x2x80xi32, #tpu.memory_space<hbm>> -> memref<2x80xi32, #tpu.memory_space<hbm>>
    %dma_start3A_11 = tpu.memref_slice %arg9[%dma_start3A_2] : memref<5x!tpu.dma_semaphore, #tpu.memory_space<semaphore_mem>> -> memref<1x!tpu.dma_semaphore, #tpu.memory_space<semaphore_mem>>
    %dma_start3A_12 = tpu.memref_squeeze %dma_start3A_11 : memref<1x!tpu.dma_semaphore, #tpu.memory_space<semaphore_mem>> -> memref<!tpu.dma_semaphore, #tpu.memory_space<semaphore_mem>>
    %dma_start3A_13 = arith.constant 0 : i32
    %dma_start3A_14 = arith.constant 0 : i32
    %dma_start3A_15 = tpu.memref_slice %arg5[%dma_start3A_1, %dma_start3A_13, %dma_start3A_14] : memref<5x2x80xi32, #tpu.memory_space<vmem>> -> memref<1x2x80xi32, #tpu.memory_space<vmem>>
    %dma_start3A_16 = tpu.memref_squeeze %dma_start3A_15 : memref<1x2x80xi32, #tpu.memory_space<vmem>> -> memref<2x80xi32, #tpu.memory_space<vmem>>
    %dma_start3A_17 = arith.constant 0 : i32
    %dma_start3A_18 = arith.constant 0 : i32
    %dma_start3A_19 = tpu.memref_slice %arg3[%add3A, %dma_start3A, %dma_start3A_17, %dma_start3A_18] : memref<32x125x2x80xi32, #tpu.memory_space<hbm>> -> memref<1x1x2x80xi32, #tpu.memory_space<hbm>>
    %dma_start3A_20 = tpu.memref_squeeze %dma_start3A_19 : memref<1x1x2x80xi32, #tpu.memory_space<hbm>> -> memref<2x80xi32, #tpu.memory_space<hbm>>
    tpu.enqueue_dma source(%dma_start3A_20 : memref<2x80xi32, #tpu.memory_space<hbm>>) target(%dma_start3A_16 : memref<2x80xi32, #tpu.memory_space<vmem>>) target_semaphore(%dma_start3A_12 : memref<!tpu.dma_semaphore, #tpu.memory_space<semaphore_mem>>)
    %dma_start3A_21 = arith.constant 1 : i32
    %dma_start3A_22 = arith.constant 1 : i32
    %dma_start3A_23 = arith.constant 1 : i32
    %dma_start3A_24 = arith.constant 0 : i32
    %dma_start3A_25 = arith.constant 0 : i32
    %dma_start3A_26 = tpu.memref_slice %arg5[%dma_start3A_22, %dma_start3A_24, %dma_start3A_25] : memref<5x2x80xi32, #tpu.memory_space<vmem>> -> memref<1x2x80xi32, #tpu.memory_space<vmem>>
    %dma_start3A_27 = tpu.memref_squeeze %dma_start3A_26 : memref<1x2x80xi32, #tpu.memory_space<vmem>> -> memref<2x80xi32, #tpu.memory_space<vmem>>
    %dma_start3A_28 = arith.constant 0 : i32
    %dma_start3A_29 = arith.constant 0 : i32
    %dma_start3A_30 = tpu.memref_slice %arg3[%add3A, %dma_start3A_21, %dma_start3A_28, %dma_start3A_29] : memref<32x125x2x80xi32, #tpu.memory_space<hbm>> -> memref<1x1x2x80xi32, #tpu.memory_space<hbm>>
    %dma_start3A_31 = tpu.memref_squeeze %dma_start3A_30 : memref<1x1x2x80xi32, #tpu.memory_space<hbm>> -> memref<2x80xi32, #tpu.memory_space<hbm>>
    %dma_start3A_32 = tpu.memref_slice %arg9[%dma_start3A_23] : memref<5x!tpu.dma_semaphore, #tpu.memory_space<semaphore_mem>> -> memref<1x!tpu.dma_semaphore, #tpu.memory_space<semaphore_mem>>
    %dma_start3A_33 = tpu.memref_squeeze %dma_start3A_32 : memref<1x!tpu.dma_semaphore, #tpu.memory_space<semaphore_mem>> -> memref<!tpu.dma_semaphore, #tpu.memory_space<semaphore_mem>>
    %dma_start3A_34 = arith.constant 0 : i32
    %dma_start3A_35 = arith.constant 0 : i32
    %dma_start3A_36 = tpu.memref_slice %arg5[%dma_start3A_22, %dma_start3A_34, %dma_start3A_35] : memref<5x2x80xi32, #tpu.memory_space<vmem>> -> memref<1x2x80xi32, #tpu.memory_space<vmem>>
    %dma_start3A_37 = tpu.memref_squeeze %dma_start3A_36 : memref<1x2x80xi32, #tpu.memory_space<vmem>> -> memref<2x80xi32, #tpu.memory_space<vmem>>
    %dma_start3A_38 = arith.constant 0 : i32
    %dma_start3A_39 = arith.constant 0 : i32
    %dma_start3A_40 = tpu.memref_slice %arg3[%add3A, %dma_start3A_21, %dma_start3A_38, %dma_start3A_39] : memref<32x125x2x80xi32, #tpu.memory_space<hbm>> -> memref<1x1x2x80xi32, #tpu.memory_space<hbm>>
    %dma_start3A_41 = tpu.memref_squeeze %dma_start3A_40 : memref<1x1x2x80xi32, #tpu.memory_space<hbm>> -> memref<2x80xi32, #tpu.memory_space<hbm>>
    tpu.enqueue_dma source(%dma_start3A_41 : memref<2x80xi32, #tpu.memory_space<hbm>>) target(%dma_start3A_37 : memref<2x80xi32, #tpu.memory_space<vmem>>) target_semaphore(%dma_start3A_33 : memref<!tpu.dma_semaphore, #tpu.memory_space<semaphore_mem>>)
    %dma_start3A_42 = arith.constant 2 : i32
    %dma_start3A_43 = arith.constant 2 : i32
    %dma_start3A_44 = arith.constant 2 : i32
    %dma_start3A_45 = arith.constant 0 : i32
    %dma_start3A_46 = arith.constant 0 : i32
    %dma_start3A_47 = tpu.memref_slice %arg5[%dma_start3A_43, %dma_start3A_45, %dma_start3A_46] : memref<5x2x80xi32, #tpu.memory_space<vmem>> -> memref<1x2x80xi32, #tpu.memory_space<vmem>>
    %dma_start3A_48 = tpu.memref_squeeze %dma_start3A_47 : memref<1x2x80xi32, #tpu.memory_space<vmem>> -> memref<2x80xi32, #tpu.memory_space<vmem>>
    %dma_start3A_49 = arith.constant 0 : i32
    %dma_start3A_50 = arith.constant 0 : i32
    %dma_start3A_51 = tpu.memref_slice %arg3[%add3A, %dma_start3A_42, %dma_start3A_49, %dma_start3A_50] : memref<32x125x2x80xi32, #tpu.memory_space<hbm>> -> memref<1x1x2x80xi32, #tpu.memory_space<hbm>>
    %dma_start3A_52 = tpu.memref_squeeze %dma_start3A_51 : memref<1x1x2x80xi32, #tpu.memory_space<hbm>> -> memref<2x80xi32, #tpu.memory_space<hbm>>
    %dma_start3A_53 = tpu.memref_slice %arg9[%dma_start3A_44] : memref<5x!tpu.dma_semaphore, #tpu.memory_space<semaphore_mem>> -> memref<1x!tpu.dma_semaphore, #tpu.memory_space<semaphore_mem>>
    %dma_start3A_54 = tpu.memref_squeeze %dma_start3A_53 : memref<1x!tpu.dma_semaphore, #tpu.memory_space<semaphore_mem>> -> memref<!tpu.dma_semaphore, #tpu.memory_space<semaphore_mem>>
    %dma_start3A_55 = arith.constant 0 : i32
    %dma_start3A_56 = arith.constant 0 : i32
    %dma_start3A_57 = tpu.memref_slice %arg5[%dma_start3A_43, %dma_start3A_55, %dma_start3A_56] : memref<5x2x80xi32, #tpu.memory_space<vmem>> -> memref<1x2x80xi32, #tpu.memory_space<vmem>>
    %dma_start3A_58 = tpu.memref_squeeze %dma_start3A_57 : memref<1x2x80xi32, #tpu.memory_space<vmem>> -> memref<2x80xi32, #tpu.memory_space<vmem>>
    %dma_start3A_59 = arith.constant 0 : i32
    %dma_start3A_60 = arith.constant 0 : i32
    %dma_start3A_61 = tpu.memref_slice %arg3[%add3A, %dma_start3A_42, %dma_start3A_59, %dma_start3A_60] : memref<32x125x2x80xi32, #tpu.memory_space<hbm>> -> memref<1x1x2x80xi32, #tpu.memory_space<hbm>>
    %dma_start3A_62 = tpu.memref_squeeze %dma_start3A_61 : memref<1x1x2x80xi32, #tpu.memory_space<hbm>> -> memref<2x80xi32, #tpu.memory_space<hbm>>
    tpu.enqueue_dma source(%dma_start3A_62 : memref<2x80xi32, #tpu.memory_space<hbm>>) target(%dma_start3A_58 : memref<2x80xi32, #tpu.memory_space<vmem>>) target_semaphore(%dma_start3A_54 : memref<!tpu.dma_semaphore, #tpu.memory_space<semaphore_mem>>)
    %dma_start3A_63 = arith.constant 3 : i32
    %dma_start3A_64 = arith.constant 3 : i32
    %dma_start3A_65 = arith.constant 3 : i32
    %dma_start3A_66 = arith.constant 0 : i32
    %dma_start3A_67 = arith.constant 0 : i32
    %dma_start3A_68 = tpu.memref_slice %arg5[%dma_start3A_64, %dma_start3A_66, %dma_start3A_67] : memref<5x2x80xi32, #tpu.memory_space<vmem>> -> memref<1x2x80xi32, #tpu.memory_space<vmem>>
    %dma_start3A_69 = tpu.memref_squeeze %dma_start3A_68 : memref<1x2x80xi32, #tpu.memory_space<vmem>> -> memref<2x80xi32, #tpu.memory_space<vmem>>
    %dma_start3A_70 = arith.constant 0 : i32
    %dma_start3A_71 = arith.constant 0 : i32
    %dma_start3A_72 = tpu.memref_slice %arg3[%add3A, %dma_start3A_63, %dma_start3A_70, %dma_start3A_71] : memref<32x125x2x80xi32, #tpu.memory_space<hbm>> -> memref<1x1x2x80xi32, #tpu.memory_space<hbm>>
    %dma_start3A_73 = tpu.memref_squeeze %dma_start3A_72 : memref<1x1x2x80xi32, #tpu.memory_space<hbm>> -> memref<2x80xi32, #tpu.memory_space<hbm>>
    %dma_start3A_74 = tpu.memref_slice %arg9[%dma_start3A_65] : memref<5x!tpu.dma_semaphore, #tpu.memory_space<semaphore_mem>> -> memref<1x!tpu.dma_semaphore, #tpu.memory_space<semaphore_mem>>
    %dma_start3A_75 = tpu.memref_squeeze %dma_start3A_74 : memref<1x!tpu.dma_semaphore, #tpu.memory_space<semaphore_mem>> -> memref<!tpu.dma_semaphore, #tpu.memory_space<semaphore_mem>>
    %dma_start3A_76 = arith.constant 0 : i32
    %dma_start3A_77 = arith.constant 0 : i32
    %dma_start3A_78 = tpu.memref_slice %arg5[%dma_start3A_64, %dma_start3A_76, %dma_start3A_77] : memref<5x2x80xi32, #tpu.memory_space<vmem>> -> memref<1x2x80xi32, #tpu.memory_space<vmem>>
    %dma_start3A_79 = tpu.memref_squeeze %dma_start3A_78 : memref<1x2x80xi32, #tpu.memory_space<vmem>> -> memref<2x80xi32, #tpu.memory_space<vmem>>
    %dma_start3A_80 = arith.constant 0 : i32
    %dma_start3A_81 = arith.constant 0 : i32
    %dma_start3A_82 = tpu.memref_slice %arg3[%add3A, %dma_start3A_63, %dma_start3A_80, %dma_start3A_81] : memref<32x125x2x80xi32, #tpu.memory_space<hbm>> -> memref<1x1x2x80xi32, #tpu.memory_space<hbm>>
    %dma_start3A_83 = tpu.memref_squeeze %dma_start3A_82 : memref<1x1x2x80xi32, #tpu.memory_space<hbm>> -> memref<2x80xi32, #tpu.memory_space<hbm>>
    tpu.enqueue_dma source(%dma_start3A_83 : memref<2x80xi32, #tpu.memory_space<hbm>>) target(%dma_start3A_79 : memref<2x80xi32, #tpu.memory_space<vmem>>) target_semaphore(%dma_start3A_75 : memref<!tpu.dma_semaphore, #tpu.memory_space<semaphore_mem>>)
    %dma_start3A_84 = arith.constant 4 : i32
    %dma_start3A_85 = arith.constant 4 : i32
    %dma_start3A_86 = arith.constant 4 : i32
    %dma_start3A_87 = arith.constant 0 : i32
    %dma_start3A_88 = arith.constant 0 : i32
    %dma_start3A_89 = tpu.memref_slice %arg5[%dma_start3A_85, %dma_start3A_87, %dma_start3A_88] : memref<5x2x80xi32, #tpu.memory_space<vmem>> -> memref<1x2x80xi32, #tpu.memory_space<vmem>>
    %dma_start3A_90 = tpu.memref_squeeze %dma_start3A_89 : memref<1x2x80xi32, #tpu.memory_space<vmem>> -> memref<2x80xi32, #tpu.memory_space<vmem>>
    %dma_start3A_91 = arith.constant 0 : i32
    %dma_start3A_92 = arith.constant 0 : i32
    %dma_start3A_93 = tpu.memref_slice %arg3[%add3A, %dma_start3A_84, %dma_start3A_91, %dma_start3A_92] : memref<32x125x2x80xi32, #tpu.memory_space<hbm>> -> memref<1x1x2x80xi32, #tpu.memory_space<hbm>>
    %dma_start3A_94 = tpu.memref_squeeze %dma_start3A_93 : memref<1x1x2x80xi32, #tpu.memory_space<hbm>> -> memref<2x80xi32, #tpu.memory_space<hbm>>
    %dma_start3A_95 = tpu.memref_slice %arg9[%dma_start3A_86] : memref<5x!tpu.dma_semaphore, #tpu.memory_space<semaphore_mem>> -> memref<1x!tpu.dma_semaphore, #tpu.memory_space<semaphore_mem>>
    %dma_start3A_96 = tpu.memref_squeeze %dma_start3A_95 : memref<1x!tpu.dma_semaphore, #tpu.memory_space<semaphore_mem>> -> memref<!tpu.dma_semaphore, #tpu.memory_space<semaphore_mem>>
    %dma_start3A_97 = arith.constant 0 : i32
    %dma_start3A_98 = arith.constant 0 : i32
    %dma_start3A_99 = tpu.memref_slice %arg5[%dma_start3A_85, %dma_start3A_97, %dma_start3A_98] : memref<5x2x80xi32, #tpu.memory_space<vmem>> -> memref<1x2x80xi32, #tpu.memory_space<vmem>>
    %dma_start3A_100 = tpu.memref_squeeze %dma_start3A_99 : memref<1x2x80xi32, #tpu.memory_space<vmem>> -> memref<2x80xi32, #tpu.memory_space<vmem>>
    %dma_start3A_101 = arith.constant 0 : i32
    %dma_start3A_102 = arith.constant 0 : i32
    %dma_start3A_103 = tpu.memref_slice %arg3[%add3A, %dma_start3A_84, %dma_start3A_101, %dma_start3A_102] : memref<32x125x2x80xi32, #tpu.memory_space<hbm>> -> memref<1x1x2x80xi32, #tpu.memory_space<hbm>>
    %dma_start3A_104 = tpu.memref_squeeze %dma_start3A_103 : memref<1x1x2x80xi32, #tpu.memory_space<hbm>> -> memref<2x80xi32, #tpu.memory_space<hbm>>
    tpu.enqueue_dma source(%dma_start3A_104 : memref<2x80xi32, #tpu.memory_space<hbm>>) target(%dma_start3A_100 : memref<2x80xi32, #tpu.memory_space<vmem>>) target_semaphore(%dma_start3A_96 : memref<!tpu.dma_semaphore, #tpu.memory_space<semaphore_mem>>)
    %scan3A = arith.constant 0 : i32
    %scan3A_105 = arith.constant 0 : i32
    %scan3A_106 = arith.constant 256 : i32
    %scan3A_107 = arith.addi %scan3A_105, %scan3A_106 : i32
    %scan3A_108 = arith.constant 1 : i32
    %scan3A_109 = scf.for %scan3A_236 = %scan3A_105 to %scan3A_107 step %scan3A_108 iter_args(%scan3A_237 = %scan3A) -> (i32)  : i32 {
      %broadcast_in_dim3A = arith.constant 0.000000e+00 : f32
      %broadcast_in_dim3A_238 = vector.broadcast %broadcast_in_dim3A : f32 to vector<16xf32>
      %jit3A = arith.constant 8 : i32
      %div3A = arith.divsi %scan3A_236, %jit3A : i32
      %sign3A = arith.constant 0 : i32
      %sign3A_239 = arith.cmpi sgt, %scan3A_236, %sign3A : i32
      %sign3A_240 = arith.extui %sign3A_239 : i1 to i32
      %sign3A_241 = arith.constant 0 : i32
      %sign3A_242 = arith.cmpi slt, %scan3A_236, %sign3A_241 : i32
      %sign3A_243 = arith.extui %sign3A_242 : i1 to i32
      %sign3A_244 = arith.subi %sign3A_240, %sign3A_243 : i32
      %sign3A_245 = arith.constant 0 : i32
      %sign3A_246 = arith.cmpi sgt, %jit3A, %sign3A_245 : i32
      %sign3A_247 = arith.extui %sign3A_246 : i1 to i32
      %sign3A_248 = arith.constant 0 : i32
      %sign3A_249 = arith.cmpi slt, %jit3A, %sign3A_248 : i32
      %sign3A_250 = arith.extui %sign3A_249 : i1 to i32
      %sign3A_251 = arith.subi %sign3A_247, %sign3A_250 : i32
      %ne3A = arith.cmpi ne, %sign3A_244, %sign3A_251 : i32
      %rem3A = arith.remsi %scan3A_236, %jit3A : i32
      %ne3A_252 = arith.constant 0 : i32
      %ne3A_253 = arith.cmpi ne, %rem3A, %ne3A_252 : i32
      %and3A = arith.andi %ne3A, %ne3A_253 : i1
      %sub3A = arith.constant 1 : i32
      %sub3A_254 = arith.subi %div3A, %sub3A : i32
      %select_n3A = arith.select %and3A, %sub3A_254, %div3A : i32
      %jit3A_255 = arith.constant 8 : i32
      %eq3A = arith.constant 0 : i32
      %eq3A_256 = arith.cmpi eq, %jit3A_255, %eq3A : i32
      %jit3A_257 = arith.constant 1 : i32
      %select_n3A_258 = arith.select %eq3A_256, %jit3A_257, %jit3A_255 : i32
      %rem3A_259 = arith.remsi %scan3A_236, %select_n3A_258 : i32
      %ne3A_260 = arith.constant 0 : i32
      %ne3A_261 = arith.cmpi ne, %rem3A_259, %ne3A_260 : i32
      %lt3A = arith.constant 0 : i32
      %lt3A_262 = arith.cmpi slt, %rem3A_259, %lt3A : i32
      %lt3A_263 = arith.constant 0 : i32
      %lt3A_264 = arith.cmpi slt, %select_n3A_258, %lt3A_263 : i32
      %ne3A_265 = arith.xori %lt3A_262, %lt3A_264 : i1
      %and3A_266 = arith.andi %ne3A_265, %ne3A_261 : i1
      %add3A_267 = arith.addi %rem3A_259, %select_n3A_258 : i32
      %select_n3A_268 = arith.select %and3A_266, %add3A_267, %rem3A_259 : i32
      %mul3A_269 = arith.constant 16 : i32
      %mul3A_270 = arith.muli %select_n3A_268, %mul3A_269 : i32
      %swap3A = arith.index_cast %select_n3A : i32 to index
      %swap3A_271 = arith.index_cast %mul3A_270 : i32 to index
      %swap3A_272 = tpu.vector_load %arg7[%swap3A, %swap3A_271] {strides = array<i32>} : memref<32x128xf32, #tpu.memory_space<vmem>>, vector<1x16xf32>,
      %swap3A_273 = vector.shape_cast %swap3A_272 : vector<1x16xf32> to vector<16xf32>
      %swap3A_274 = vector.shape_cast %broadcast_in_dim3A_238 : vector<16xf32> to vector<1x16xf32>
      tpu.vector_store %arg7[%swap3A, %swap3A_271], %swap3A_274 {strides = array<i32>} : memref<32x128xf32, #tpu.memory_space<vmem>>, vector<1x16xf32>,
      %scan3A_275 = arith.constant 0 : i32
      scf.yield %scan3A_275 : i32
    }
    %scan3A_110 = arith.constant 256 : i32
    %scan3A_111 = arith.constant 0 : i32
    %scan3A_112 = arith.constant 0 : i32
    %scan3A_113 = arith.constant 20 : i32
    %scan3A_114 = arith.addi %scan3A_112, %scan3A_113 : i32
    %scan3A_115 = arith.constant 1 : i32
    %scan3A_116 = scf.for %scan3A_236 = %scan3A_112 to %scan3A_114 step %scan3A_115 iter_args(%scan3A_237 = %scan3A_111) -> (i32)  : i32 {
      %mul3A_238 = arith.constant 640 : i32
      %mul3A_239 = arith.muli %arg1, %mul3A_238 : i32
      %mul3A_240 = arith.constant 32 : i32
      %mul3A_241 = arith.muli %scan3A_236, %mul3A_240 : i32
      %add3A_242 = arith.addi %mul3A_239, %mul3A_241 : i32
      %dma_start3A_243 = arith.constant 0 : i32
      %dma_start3A_244 = tpu.memref_slice %arg8[%add3A_242, %dma_start3A_243] : memref<10240x128xf32, #tpu.memory_space<vmem_shared>> -> memref<32x128xf32, #tpu.memory_space<vmem_shared>>
      %dma_start3A_245 = arith.constant 0 : i32
      %dma_start3A_246 = tpu.memref_slice %arg8[%add3A_242, %dma_start3A_245] : memref<10240x128xf32, #tpu.memory_space<vmem_shared>> -> memref<32x128xf32, #tpu.memory_space<vmem_shared>>
      tpu.enqueue_dma source(%arg7 : memref<32x128xf32, #tpu.memory_space<vmem>>) target(%dma_start3A_246 : memref<32x128xf32, #tpu.memory_space<vmem_shared>>) target_semaphore(%arg12 : memref<!tpu.dma_semaphore, #tpu.memory_space<semaphore_mem>>)
      %scan3A_247 = arith.constant 0 : i32
      scf.yield %scan3A_247 : i32
    }
    %scan3A_117 = arith.constant 20 : i32
    %dma_wait3A = arith.constant 0 : i32
    %dma_wait3A_118 = arith.constant 0 : i32
    %dma_wait3A_119 = arith.constant 0 : i32
    %dma_wait3A_120 = arith.constant 0 : i32
    %dma_wait3A_121 = arith.constant 0 : i32
    %dma_wait3A_122 = tpu.memref_slice %arg5[%dma_wait3A_118, %dma_wait3A_120, %dma_wait3A_121] : memref<5x2x80xi32, #tpu.memory_space<vmem>> -> memref<1x2x80xi32, #tpu.memory_space<vmem>>
    %dma_wait3A_123 = tpu.memref_squeeze %dma_wait3A_122 : memref<1x2x80xi32, #tpu.memory_space<vmem>> -> memref<2x80xi32, #tpu.memory_space<vmem>>
    %dma_wait3A_124 = arith.constant 0 : i32
    %dma_wait3A_125 = arith.constant 0 : i32
    %dma_wait3A_126 = tpu.memref_slice %arg3[%add3A, %dma_wait3A, %dma_wait3A_124, %dma_wait3A_125] : memref<32x125x2x80xi32, #tpu.memory_space<hbm>> -> memref<1x1x2x80xi32, #tpu.memory_space<hbm>>
    %dma_wait3A_127 = tpu.memref_squeeze %dma_wait3A_126 : memref<1x1x2x80xi32, #tpu.memory_space<hbm>> -> memref<2x80xi32, #tpu.memory_space<hbm>>
    %dma_wait3A_128 = tpu.memref_slice %arg9[%dma_wait3A_119] : memref<5x!tpu.dma_semaphore, #tpu.memory_space<semaphore_mem>> -> memref<1x!tpu.dma_semaphore, #tpu.memory_space<semaphore_mem>>
    %dma_wait3A_129 = tpu.memref_squeeze %dma_wait3A_128 : memref<1x!tpu.dma_semaphore, #tpu.memory_space<semaphore_mem>> -> memref<!tpu.dma_semaphore, #tpu.memory_space<semaphore_mem>>
    %dma_wait3A_130 = arith.constant 0 : i32
    %dma_wait3A_131 = arith.constant 0 : i32
    %dma_wait3A_132 = tpu.memref_slice %arg5[%dma_wait3A_118, %dma_wait3A_130, %dma_wait3A_131] : memref<5x2x80xi32, #tpu.memory_space<vmem>> -> memref<1x2x80xi32, #tpu.memory_space<vmem>>
    %dma_wait3A_133 = tpu.memref_squeeze %dma_wait3A_132 : memref<1x2x80xi32, #tpu.memory_space<vmem>> -> memref<2x80xi32, #tpu.memory_space<vmem>>
    %dma_wait3A_134 = arith.constant 0 : i32
    %dma_wait3A_135 = arith.constant 0 : i32
    %dma_wait3A_136 = tpu.memref_slice %arg3[%add3A, %dma_wait3A, %dma_wait3A_134, %dma_wait3A_135] : memref<32x125x2x80xi32, #tpu.memory_space<hbm>> -> memref<1x1x2x80xi32, #tpu.memory_space<hbm>>
    %dma_wait3A_137 = tpu.memref_squeeze %dma_wait3A_136 : memref<1x1x2x80xi32, #tpu.memory_space<hbm>> -> memref<2x80xi32, #tpu.memory_space<hbm>>
    tpu.wait_dma2 semaphore(%dma_wait3A_129 : memref<!tpu.dma_semaphore, #tpu.memory_space<semaphore_mem>>) src(%dma_wait3A_137 : memref<2x80xi32, #tpu.memory_space<hbm>>) dst(%dma_wait3A_133 : memref<2x80xi32, #tpu.memory_space<vmem>>)
    %dma_start3A_138 = arith.constant 0 : i32
    %dma_start3A_139 = arith.constant 0 : i32
    %dma_start3A_140 = arith.constant 0 : i32
    %dma_start3A_141 = arith.constant 0 : i32
    %dma_start3A_142 = arith.constant 0 : i32
    %dma_start3A_143 = arith.constant 0 : i32
    %dma_start3A_144 = tpu.memref_slice %arg6[%dma_start3A_140, %dma_start3A_142, %dma_start3A_143] : memref<3x80x128xf32, #tpu.memory_space<vmem>> -> memref<1x80x128xf32, #tpu.memory_space<vmem>>
    %dma_start3A_145 = tpu.memref_squeeze %dma_start3A_144 : memref<1x80x128xf32, #tpu.memory_space<vmem>> -> memref<80x128xf32, #tpu.memory_space<vmem>>
    %dma_start3A_146 = arith.constant 0 : i32
    %dma_start3A_147 = tpu.memref_slice %arg5[%dma_start3A_138, %dma_start3A_139, %dma_start3A_146] : memref<5x2x80xi32, #tpu.memory_space<vmem>> -> memref<1x1x80xi32, #tpu.memory_space<vmem>>
    %dma_start3A_148 = tpu.memref_squeeze %dma_start3A_147 : memref<1x1x80xi32, #tpu.memory_space<vmem>> -> memref<80xi32, #tpu.memory_space<vmem>>
    %dma_start3A_149 = arith.constant 0 : i32
    %dma_start3A_150 = arith.constant 0 : i32
    %dma_start3A_151 = tpu.memref_slice %arg2[%dma_start3A_149, %dma_start3A_150] : memref<10000x128xf32, #tpu.memory_space<hbm>> -> memref<10000x128xf32, #tpu.memory_space<hbm>>
    %dma_start3A_152 = tpu.memref_slice %arg10[%dma_start3A_141] : memref<3x!tpu.dma_semaphore, #tpu.memory_space<semaphore_mem>> -> memref<1x!tpu.dma_semaphore, #tpu.memory_space<semaphore_mem>>
    %dma_start3A_153 = tpu.memref_squeeze %dma_start3A_152 : memref<1x!tpu.dma_semaphore, #tpu.memory_space<semaphore_mem>> -> memref<!tpu.dma_semaphore, #tpu.memory_space<semaphore_mem>>
    tpu.enqueue_indirect_dma source(%dma_start3A_151 : memref<10000x128xf32, #tpu.memory_space<hbm>>) target(%dma_start3A_145 : memref<80x128xf32, #tpu.memory_space<vmem>>) offsets(%dma_start3A_148 : memref<80xi32, #tpu.memory_space<vmem>>) semaphore(%dma_start3A_153 : memref<!tpu.dma_semaphore, #tpu.memory_space<semaphore_mem>>)
    %dma_wait3A_154 = arith.constant 1 : i32
    %dma_wait3A_155 = arith.constant 1 : i32
    %dma_wait3A_156 = arith.constant 1 : i32
    %dma_wait3A_157 = arith.constant 0 : i32
    %dma_wait3A_158 = arith.constant 0 : i32
    %dma_wait3A_159 = tpu.memref_slice %arg5[%dma_wait3A_155, %dma_wait3A_157, %dma_wait3A_158] : memref<5x2x80xi32, #tpu.memory_space<vmem>> -> memref<1x2x80xi32, #tpu.memory_space<vmem>>
    %dma_wait3A_160 = tpu.memref_squeeze %dma_wait3A_159 : memref<1x2x80xi32, #tpu.memory_space<vmem>> -> memref<2x80xi32, #tpu.memory_space<vmem>>
    %dma_wait3A_161 = arith.constant 0 : i32
    %dma_wait3A_162 = arith.constant 0 : i32
    %dma_wait3A_163 = tpu.memref_slice %arg3[%add3A, %dma_wait3A_154, %dma_wait3A_161, %dma_wait3A_162] : memref<32x125x2x80xi32, #tpu.memory_space<hbm>> -> memref<1x1x2x80xi32, #tpu.memory_space<hbm>>
    %dma_wait3A_164 = tpu.memref_squeeze %dma_wait3A_163 : memref<1x1x2x80xi32, #tpu.memory_space<hbm>> -> memref<2x80xi32, #tpu.memory_space<hbm>>
    %dma_wait3A_165 = tpu.memref_slice %arg9[%dma_wait3A_156] : memref<5x!tpu.dma_semaphore, #tpu.memory_space<semaphore_mem>> -> memref<1x!tpu.dma_semaphore, #tpu.memory_space<semaphore_mem>>
    %dma_wait3A_166 = tpu.memref_squeeze %dma_wait3A_165 : memref<1x!tpu.dma_semaphore, #tpu.memory_space<semaphore_mem>> -> memref<!tpu.dma_semaphore, #tpu.memory_space<semaphore_mem>>
    %dma_wait3A_167 = arith.constant 0 : i32
    %dma_wait3A_168 = arith.constant 0 : i32
    %dma_wait3A_169 = tpu.memref_slice %arg5[%dma_wait3A_155, %dma_wait3A_167, %dma_wait3A_168] : memref<5x2x80xi32, #tpu.memory_space<vmem>> -> memref<1x2x80xi32, #tpu.memory_space<vmem>>
    %dma_wait3A_170 = tpu.memref_squeeze %dma_wait3A_169 : memref<1x2x80xi32, #tpu.memory_space<vmem>> -> memref<2x80xi32, #tpu.memory_space<vmem>>
    %dma_wait3A_171 = arith.constant 0 : i32
    %dma_wait3A_172 = arith.constant 0 : i32
    %dma_wait3A_173 = tpu.memref_slice %arg3[%add3A, %dma_wait3A_154, %dma_wait3A_171, %dma_wait3A_172] : memref<32x125x2x80xi32, #tpu.memory_space<hbm>> -> memref<1x1x2x80xi32, #tpu.memory_space<hbm>>
    %dma_wait3A_174 = tpu.memref_squeeze %dma_wait3A_173 : memref<1x1x2x80xi32, #tpu.memory_space<hbm>> -> memref<2x80xi32, #tpu.memory_space<hbm>>
    tpu.wait_dma2 semaphore(%dma_wait3A_166 : memref<!tpu.dma_semaphore, #tpu.memory_space<semaphore_mem>>) src(%dma_wait3A_174 : memref<2x80xi32, #tpu.memory_space<hbm>>) dst(%dma_wait3A_170 : memref<2x80xi32, #tpu.memory_space<vmem>>)
    %dma_start3A_175 = arith.constant 1 : i32
    %dma_start3A_176 = arith.constant 0 : i32
    %dma_start3A_177 = arith.constant 1 : i32
    %dma_start3A_178 = arith.constant 1 : i32
    %dma_start3A_179 = arith.constant 0 : i32
    %dma_start3A_180 = arith.constant 0 : i32
    %dma_start3A_181 = tpu.memref_slice %arg6[%dma_start3A_177, %dma_start3A_179, %dma_start3A_180] : memref<3x80x128xf32, #tpu.memory_space<vmem>> -> memref<1x80x128xf32, #tpu.memory_space<vmem>>
    %dma_start3A_182 = tpu.memref_squeeze %dma_start3A_181 : memref<1x80x128xf32, #tpu.memory_space<vmem>> -> memref<80x128xf32, #tpu.memory_space<vmem>>
    %dma_start3A_183 = arith.constant 0 : i32
    %dma_start3A_184 = tpu.memref_slice %arg5[%dma_start3A_175, %dma_start3A_176, %dma_start3A_183] : memref<5x2x80xi32, #tpu.memory_space<vmem>> -> memref<1x1x80xi32, #tpu.memory_space<vmem>>
    %dma_start3A_185 = tpu.memref_squeeze %dma_start3A_184 : memref<1x1x80xi32, #tpu.memory_space<vmem>> -> memref<80xi32, #tpu.memory_space<vmem>>
    %dma_start3A_186 = arith.constant 0 : i32
    %dma_start3A_187 = arith.constant 0 : i32
    %dma_start3A_188 = tpu.memref_slice %arg2[%dma_start3A_186, %dma_start3A_187] : memref<10000x128xf32, #tpu.memory_space<hbm>> -> memref<10000x128xf32, #tpu.memory_space<hbm>>
    %dma_start3A_189 = tpu.memref_slice %arg10[%dma_start3A_178] : memref<3x!tpu.dma_semaphore, #tpu.memory_space<semaphore_mem>> -> memref<1x!tpu.dma_semaphore, #tpu.memory_space<semaphore_mem>>
    %dma_start3A_190 = tpu.memref_squeeze %dma_start3A_189 : memref<1x!tpu.dma_semaphore, #tpu.memory_space<semaphore_mem>> -> memref<!tpu.dma_semaphore, #tpu.memory_space<semaphore_mem>>
    tpu.enqueue_indirect_dma source(%dma_start3A_188 : memref<10000x128xf32, #tpu.memory_space<hbm>>) target(%dma_start3A_182 : memref<80x128xf32, #tpu.memory_space<vmem>>) offsets(%dma_start3A_185 : memref<80xi32, #tpu.memory_space<vmem>>) semaphore(%dma_start3A_190 : memref<!tpu.dma_semaphore, #tpu.memory_space<semaphore_mem>>)
    %scan3A_191 = arith.constant 0 : i32
    %scan3A_192 = arith.constant 0 : i32
    %scan3A_193 = arith.constant 20 : i32
    %scan3A_194 = arith.addi %scan3A_192, %scan3A_193 : i32
    %scan3A_195 = arith.constant 1 : i32
    %scan3A_196 = scf.for %scan3A_236 = %scan3A_192 to %scan3A_194 step %scan3A_195 iter_args(%scan3A_237 = %scan3A_191) -> (i32)  : i32 {
      %mul3A_238 = arith.constant 640 : i32
      %mul3A_239 = arith.muli %arg1, %mul3A_238 : i32
      %dma_wait3A_240 = arith.constant 0 : i32
      %dma_wait3A_241 = tpu.memref_slice %arg8[%mul3A_239, %dma_wait3A_240] : memref<10240x128xf32, #tpu.memory_space<vmem_shared>> -> memref<32x128xf32, #tpu.memory_space<vmem_shared>>
      %dma_wait3A_242 = arith.constant 0 : i32
      %dma_wait3A_243 = tpu.memref_slice %arg8[%mul3A_239, %dma_wait3A_242] : memref<10240x128xf32, #tpu.memory_space<vmem_shared>> -> memref<32x128xf32, #tpu.memory_space<vmem_shared>>
      tpu.wait_dma2 semaphore(%arg12 : memref<!tpu.dma_semaphore, #tpu.memory_space<semaphore_mem>>) src(%arg7 : memref<32x128xf32, #tpu.memory_space<vmem>>) dst(%dma_wait3A_243 : memref<32x128xf32, #tpu.memory_space<vmem_shared>>)
      %scan3A_244 = arith.constant 0 : i32
      scf.yield %scan3A_244 : i32
    }
    %scan3A_197 = arith.constant 20 : i32
    %barrier3A = arith.constant 0 : index
    tpu.barrier barrier_id(%barrier3A)
    %scan3A_198 = arith.constant 0 : i32
    %scan3A_199 = arith.constant 0 : i32
    %scan3A_200 = arith.constant 125 : i32
    %scan3A_201 = arith.addi %scan3A_199, %scan3A_200 : i32
    %scan3A_202 = arith.constant 1 : i32
    %scan3A_203 = scf.for %scan3A_236 = %scan3A_199 to %scan3A_201 step %scan3A_202 iter_args(%scan3A_237 = %scan3A_198) -> (i32)  : i32 {
      %rem3A = arith.constant 3 : i32
      %rem3A_238 = arith.remsi %scan3A_236, %rem3A : i32
      %rem3A_239 = arith.constant 5 : i32
      %rem3A_240 = arith.remsi %scan3A_236, %rem3A_239 : i32
      %dma_wait3A_241 = arith.constant 0 : i32
      %dma_wait3A_242 = arith.constant 0 : i32
      %dma_wait3A_243 = arith.constant 0 : i32
      %dma_wait3A_244 = tpu.memref_slice %arg6[%rem3A_238, %dma_wait3A_242, %dma_wait3A_243] : memref<3x80x128xf32, #tpu.memory_space<vmem>> -> memref<1x80x128xf32, #tpu.memory_space<vmem>>
      %dma_wait3A_245 = tpu.memref_squeeze %dma_wait3A_244 : memref<1x80x128xf32, #tpu.memory_space<vmem>> -> memref<80x128xf32, #tpu.memory_space<vmem>>
      %dma_wait3A_246 = arith.constant 0 : i32
      %dma_wait3A_247 = tpu.memref_slice %arg5[%rem3A_240, %dma_wait3A_241, %dma_wait3A_246] : memref<5x2x80xi32, #tpu.memory_space<vmem>> -> memref<1x1x80xi32, #tpu.memory_space<vmem>>
      %dma_wait3A_248 = tpu.memref_squeeze %dma_wait3A_247 : memref<1x1x80xi32, #tpu.memory_space<vmem>> -> memref<80xi32, #tpu.memory_space<vmem>>
      %dma_wait3A_249 = arith.constant 0 : i32
      %dma_wait3A_250 = arith.constant 0 : i32
      %dma_wait3A_251 = tpu.memref_slice %arg2[%dma_wait3A_249, %dma_wait3A_250] : memref<10000x128xf32, #tpu.memory_space<hbm>> -> memref<10000x128xf32, #tpu.memory_space<hbm>>
      %dma_wait3A_252 = tpu.memref_slice %arg10[%rem3A_238] : memref<3x!tpu.dma_semaphore, #tpu.memory_space<semaphore_mem>> -> memref<1x!tpu.dma_semaphore, #tpu.memory_space<semaphore_mem>>
      %dma_wait3A_253 = tpu.memref_squeeze %dma_wait3A_252 : memref<1x!tpu.dma_semaphore, #tpu.memory_space<semaphore_mem>> -> memref<!tpu.dma_semaphore, #tpu.memory_space<semaphore_mem>>
      tpu.wait_indirect_dma semaphore(%dma_wait3A_253 : memref<!tpu.dma_semaphore, #tpu.memory_space<semaphore_mem>>) src(%dma_wait3A_251 : memref<10000x128xf32, #tpu.memory_space<hbm>>) dst(%dma_wait3A_245 : memref<80x128xf32, #tpu.memory_space<vmem>>)
      %ge3A = arith.constant 1 : i32
      %ge3A_254 = arith.cmpi sge, %scan3A_236, %ge3A : i32
      %convert_element_type3A = arith.extui %ge3A_254 : i1 to i32
      %cond3A = arith.constant 0 : i32
      %cond3A_255 = arith.cmpi ne, %convert_element_type3A, %cond3A : i32
      scf.if %cond3A_255 {
        %add3A_285 = arith.constant 2 : i32
        %add3A_286 = arith.addi %scan3A_236, %add3A_285 : i32
        %rem3A_287 = arith.constant 3 : i32
        %rem3A_288 = arith.remsi %add3A_286, %rem3A_287 : i32
        %add3A_289 = arith.constant 4 : i32
        %add3A_290 = arith.addi %scan3A_236, %add3A_289 : i32
        %rem3A_291 = arith.constant 5 : i32
        %rem3A_292 = arith.remsi %add3A_290, %rem3A_291 : i32
        %dma_wait3A_293 = arith.constant 1 : i32
        %dma_wait3A_294 = arith.constant 0 : i32
        %dma_wait3A_295 = arith.constant 0 : i32
        %dma_wait3A_296 = tpu.memref_slice %arg6[%rem3A_288, %dma_wait3A_294, %dma_wait3A_295] : memref<3x80x128xf32, #tpu.memory_space<vmem>> -> memref<1x80x128xf32, #tpu.memory_space<vmem>>
        %dma_wait3A_297 = tpu.memref_squeeze %dma_wait3A_296 : memref<1x80x128xf32, #tpu.memory_space<vmem>> -> memref<80x128xf32, #tpu.memory_space<vmem>>
        %dma_wait3A_298 = arith.constant 0 : i32
        %dma_wait3A_299 = tpu.memref_slice %arg5[%rem3A_292, %dma_wait3A_293, %dma_wait3A_298] : memref<5x2x80xi32, #tpu.memory_space<vmem>> -> memref<1x1x80xi32, #tpu.memory_space<vmem>>
        %dma_wait3A_300 = tpu.memref_squeeze %dma_wait3A_299 : memref<1x1x80xi32, #tpu.memory_space<vmem>> -> memref<80xi32, #tpu.memory_space<vmem>>
        %dma_wait3A_301 = arith.constant 0 : i32
        %dma_wait3A_302 = arith.constant 0 : i32
        %dma_wait3A_303 = tpu.memref_slice %arg8[%dma_wait3A_301, %dma_wait3A_302] : memref<10240x128xf32, #tpu.memory_space<vmem_shared>> -> memref<10240x128xf32, #tpu.memory_space<vmem_shared>>
        %dma_wait3A_304 = tpu.memref_slice %arg11[%rem3A_288] : memref<3x!tpu.dma_semaphore, #tpu.memory_space<semaphore_mem>> -> memref<1x!tpu.dma_semaphore, #tpu.memory_space<semaphore_mem>>
        %dma_wait3A_305 = tpu.memref_squeeze %dma_wait3A_304 : memref<1x!tpu.dma_semaphore, #tpu.memory_space<semaphore_mem>> -> memref<!tpu.dma_semaphore, #tpu.memory_space<semaphore_mem>>
        tpu.wait_indirect_dma semaphore(%dma_wait3A_305 : memref<!tpu.dma_semaphore, #tpu.memory_space<semaphore_mem>>) src(%dma_wait3A_297 : memref<80x128xf32, #tpu.memory_space<vmem>>) dst(%dma_wait3A_303 : memref<10240x128xf32, #tpu.memory_space<vmem_shared>>)
      } else {
      }
      %ge3A_256 = arith.constant 1 : i32
      %ge3A_257 = arith.cmpi sge, %scan3A_236, %ge3A_256 : i32
      %add3A_258 = arith.constant 4 : i32
      %add3A_259 = arith.addi %scan3A_236, %add3A_258 : i32
      %lt3A = arith.constant 125 : i32
      %lt3A_260 = arith.cmpi slt, %add3A_259, %lt3A : i32
      %and3A = arith.andi %ge3A_257, %lt3A_260 : i1
      %convert_element_type3A_261 = arith.extui %and3A : i1 to i32
      %cond3A_262 = arith.constant 0 : i32
      %cond3A_263 = arith.cmpi ne, %convert_element_type3A_261, %cond3A_262 : i32
      scf.if %cond3A_263 {
        %add3A_285 = arith.constant 4 : i32
        %add3A_286 = arith.addi %scan3A_236, %add3A_285 : i32
        %rem3A_287 = arith.constant 5 : i32
        %rem3A_288 = arith.remsi %add3A_286, %rem3A_287 : i32
        %add3A_289 = arith.constant 4 : i32
        %add3A_290 = arith.addi %scan3A_236, %add3A_289 : i32
        %dma_start3A_291 = arith.constant 0 : i32
        %dma_start3A_292 = arith.constant 0 : i32
        %dma_start3A_293 = tpu.memref_slice %arg5[%rem3A_288, %dma_start3A_291, %dma_start3A_292] : memref<5x2x80xi32, #tpu.memory_space<vmem>> -> memref<1x2x80xi32, #tpu.memory_space<vmem>>
        %dma_start3A_294 = tpu.memref_squeeze %dma_start3A_293 : memref<1x2x80xi32, #tpu.memory_space<vmem>> -> memref<2x80xi32, #tpu.memory_space<vmem>>
        %dma_start3A_295 = arith.constant 0 : i32
        %dma_start3A_296 = arith.constant 0 : i32
        %dma_start3A_297 = tpu.memref_slice %arg3[%add3A, %add3A_290, %dma_start3A_295, %dma_start3A_296] : memref<32x125x2x80xi32, #tpu.memory_space<hbm>> -> memref<1x1x2x80xi32, #tpu.memory_space<hbm>>
        %dma_start3A_298 = tpu.memref_squeeze %dma_start3A_297 : memref<1x1x2x80xi32, #tpu.memory_space<hbm>> -> memref<2x80xi32, #tpu.memory_space<hbm>>
        %dma_start3A_299 = tpu.memref_slice %arg9[%rem3A_288] : memref<5x!tpu.dma_semaphore, #tpu.memory_space<semaphore_mem>> -> memref<1x!tpu.dma_semaphore, #tpu.memory_space<semaphore_mem>>
        %dma_start3A_300 = tpu.memref_squeeze %dma_start3A_299 : memref<1x!tpu.dma_semaphore, #tpu.memory_space<semaphore_mem>> -> memref<!tpu.dma_semaphore, #tpu.memory_space<semaphore_mem>>
        %dma_start3A_301 = arith.constant 0 : i32
        %dma_start3A_302 = arith.constant 0 : i32
        %dma_start3A_303 = tpu.memref_slice %arg5[%rem3A_288, %dma_start3A_301, %dma_start3A_302] : memref<5x2x80xi32, #tpu.memory_space<vmem>> -> memref<1x2x80xi32, #tpu.memory_space<vmem>>
        %dma_start3A_304 = tpu.memref_squeeze %dma_start3A_303 : memref<1x2x80xi32, #tpu.memory_space<vmem>> -> memref<2x80xi32, #tpu.memory_space<vmem>>
        %dma_start3A_305 = arith.constant 0 : i32
        %dma_start3A_306 = arith.constant 0 : i32
        %dma_start3A_307 = tpu.memref_slice %arg3[%add3A, %add3A_290, %dma_start3A_305, %dma_start3A_306] : memref<32x125x2x80xi32, #tpu.memory_space<hbm>> -> memref<1x1x2x80xi32, #tpu.memory_space<hbm>>
        %dma_start3A_308 = tpu.memref_squeeze %dma_start3A_307 : memref<1x1x2x80xi32, #tpu.memory_space<hbm>> -> memref<2x80xi32, #tpu.memory_space<hbm>>
        tpu.enqueue_dma source(%dma_start3A_308 : memref<2x80xi32, #tpu.memory_space<hbm>>) target(%dma_start3A_304 : memref<2x80xi32, #tpu.memory_space<vmem>>) target_semaphore(%dma_start3A_300 : memref<!tpu.dma_semaphore, #tpu.memory_space<semaphore_mem>>)
      } else {
      }
      %add3A_264 = arith.constant 2 : i32
      %add3A_265 = arith.addi %scan3A_236, %add3A_264 : i32
      %lt3A_266 = arith.constant 125 : i32
      %lt3A_267 = arith.cmpi slt, %add3A_265, %lt3A_266 : i32
      %convert_element_type3A_268 = arith.extui %lt3A_267 : i1 to i32
      %cond3A_269 = arith.constant 0 : i32
      %cond3A_270 = arith.cmpi ne, %convert_element_type3A_268, %cond3A_269 : i32
      scf.if %cond3A_270 {
        %add3A_285 = arith.constant 2 : i32
        %add3A_286 = arith.addi %scan3A_236, %add3A_285 : i32
        %rem3A_287 = arith.constant 5 : i32
        %rem3A_288 = arith.remsi %add3A_286, %rem3A_287 : i32
        %add3A_289 = arith.constant 2 : i32
        %add3A_290 = arith.addi %scan3A_236, %add3A_289 : i32
        %rem3A_291 = arith.constant 3 : i32
        %rem3A_292 = arith.remsi %add3A_290, %rem3A_291 : i32
        %add3A_293 = arith.constant 2 : i32
        %add3A_294 = arith.addi %scan3A_236, %add3A_293 : i32
        %dma_wait3A_295 = arith.constant 0 : i32
        %dma_wait3A_296 = arith.constant 0 : i32
        %dma_wait3A_297 = tpu.memref_slice %arg5[%rem3A_288, %dma_wait3A_295, %dma_wait3A_296] : memref<5x2x80xi32, #tpu.memory_space<vmem>> -> memref<1x2x80xi32, #tpu.memory_space<vmem>>
        %dma_wait3A_298 = tpu.memref_squeeze %dma_wait3A_297 : memref<1x2x80xi32, #tpu.memory_space<vmem>> -> memref<2x80xi32, #tpu.memory_space<vmem>>
        %dma_wait3A_299 = arith.constant 0 : i32
        %dma_wait3A_300 = arith.constant 0 : i32
        %dma_wait3A_301 = tpu.memref_slice %arg3[%add3A, %add3A_294, %dma_wait3A_299, %dma_wait3A_300] : memref<32x125x2x80xi32, #tpu.memory_space<hbm>> -> memref<1x1x2x80xi32, #tpu.memory_space<hbm>>
        %dma_wait3A_302 = tpu.memref_squeeze %dma_wait3A_301 : memref<1x1x2x80xi32, #tpu.memory_space<hbm>> -> memref<2x80xi32, #tpu.memory_space<hbm>>
        %dma_wait3A_303 = tpu.memref_slice %arg9[%rem3A_288] : memref<5x!tpu.dma_semaphore, #tpu.memory_space<semaphore_mem>> -> memref<1x!tpu.dma_semaphore, #tpu.memory_space<semaphore_mem>>
        %dma_wait3A_304 = tpu.memref_squeeze %dma_wait3A_303 : memref<1x!tpu.dma_semaphore, #tpu.memory_space<semaphore_mem>> -> memref<!tpu.dma_semaphore, #tpu.memory_space<semaphore_mem>>
        %dma_wait3A_305 = arith.constant 0 : i32
        %dma_wait3A_306 = arith.constant 0 : i32
        %dma_wait3A_307 = tpu.memref_slice %arg5[%rem3A_288, %dma_wait3A_305, %dma_wait3A_306] : memref<5x2x80xi32, #tpu.memory_space<vmem>> -> memref<1x2x80xi32, #tpu.memory_space<vmem>>
        %dma_wait3A_308 = tpu.memref_squeeze %dma_wait3A_307 : memref<1x2x80xi32, #tpu.memory_space<vmem>> -> memref<2x80xi32, #tpu.memory_space<vmem>>
        %dma_wait3A_309 = arith.constant 0 : i32
        %dma_wait3A_310 = arith.constant 0 : i32
        %dma_wait3A_311 = tpu.memref_slice %arg3[%add3A, %add3A_294, %dma_wait3A_309, %dma_wait3A_310] : memref<32x125x2x80xi32, #tpu.memory_space<hbm>> -> memref<1x1x2x80xi32, #tpu.memory_space<hbm>>
        %dma_wait3A_312 = tpu.memref_squeeze %dma_wait3A_311 : memref<1x1x2x80xi32, #tpu.memory_space<hbm>> -> memref<2x80xi32, #tpu.memory_space<hbm>>
        tpu.wait_dma2 semaphore(%dma_wait3A_304 : memref<!tpu.dma_semaphore, #tpu.memory_space<semaphore_mem>>) src(%dma_wait3A_312 : memref<2x80xi32, #tpu.memory_space<hbm>>) dst(%dma_wait3A_308 : memref<2x80xi32, #tpu.memory_space<vmem>>)
        %dma_start3A_313 = arith.constant 0 : i32
        %dma_start3A_314 = arith.constant 0 : i32
        %dma_start3A_315 = arith.constant 0 : i32
        %dma_start3A_316 = tpu.memref_slice %arg6[%rem3A_292, %dma_start3A_314, %dma_start3A_315] : memref<3x80x128xf32, #tpu.memory_space<vmem>> -> memref<1x80x128xf32, #tpu.memory_space<vmem>>
        %dma_start3A_317 = tpu.memref_squeeze %dma_start3A_316 : memref<1x80x128xf32, #tpu.memory_space<vmem>> -> memref<80x128xf32, #tpu.memory_space<vmem>>
        %dma_start3A_318 = arith.constant 0 : i32
        %dma_start3A_319 = tpu.memref_slice %arg5[%rem3A_288, %dma_start3A_313, %dma_start3A_318] : memref<5x2x80xi32, #tpu.memory_space<vmem>> -> memref<1x1x80xi32, #tpu.memory_space<vmem>>
        %dma_start3A_320 = tpu.memref_squeeze %dma_start3A_319 : memref<1x1x80xi32, #tpu.memory_space<vmem>> -> memref<80xi32, #tpu.memory_space<vmem>>
        %dma_start3A_321 = arith.constant 0 : i32
        %dma_start3A_322 = arith.constant 0 : i32
        %dma_start3A_323 = tpu.memref_slice %arg2[%dma_start3A_321, %dma_start3A_322] : memref<10000x128xf32, #tpu.memory_space<hbm>> -> memref<10000x128xf32, #tpu.memory_space<hbm>>
        %dma_start3A_324 = tpu.memref_slice %arg10[%rem3A_292] : memref<3x!tpu.dma_semaphore, #tpu.memory_space<semaphore_mem>> -> memref<1x!tpu.dma_semaphore, #tpu.memory_space<semaphore_mem>>
        %dma_start3A_325 = tpu.memref_squeeze %dma_start3A_324 : memref<1x!tpu.dma_semaphore, #tpu.memory_space<semaphore_mem>> -> memref<!tpu.dma_semaphore, #tpu.memory_space<semaphore_mem>>
        tpu.enqueue_indirect_dma source(%dma_start3A_323 : memref<10000x128xf32, #tpu.memory_space<hbm>>) target(%dma_start3A_317 : memref<80x128xf32, #tpu.memory_space<vmem>>) offsets(%dma_start3A_320 : memref<80xi32, #tpu.memory_space<vmem>>) semaphore(%dma_start3A_325 : memref<!tpu.dma_semaphore, #tpu.memory_space<semaphore_mem>>)
      } else {
      }
      %dma_start3A_271 = arith.constant 1 : i32
      %dma_start3A_272 = arith.constant 0 : i32
      %dma_start3A_273 = arith.constant 0 : i32
      %dma_start3A_274 = tpu.memref_slice %arg6[%rem3A_238, %dma_start3A_272, %dma_start3A_273] : memref<3x80x128xf32, #tpu.memory_space<vmem>> -> memref<1x80x128xf32, #tpu.memory_space<vmem>>
      %dma_start3A_275 = tpu.memref_squeeze %dma_start3A_274 : memref<1x80x128xf32, #tpu.memory_space<vmem>> -> memref<80x128xf32, #tpu.memory_space<vmem>>
      %dma_start3A_276 = arith.constant 0 : i32
      %dma_start3A_277 = tpu.memref_slice %arg5[%rem3A_240, %dma_start3A_271, %dma_start3A_276] : memref<5x2x80xi32, #tpu.memory_space<vmem>> -> memref<1x1x80xi32, #tpu.memory_space<vmem>>
      %dma_start3A_278 = tpu.memref_squeeze %dma_start3A_277 : memref<1x1x80xi32, #tpu.memory_space<vmem>> -> memref<80xi32, #tpu.memory_space<vmem>>
      %dma_start3A_279 = arith.constant 0 : i32
      %dma_start3A_280 = arith.constant 0 : i32
      %dma_start3A_281 = tpu.memref_slice %arg8[%dma_start3A_279, %dma_start3A_280] : memref<10240x128xf32, #tpu.memory_space<vmem_shared>> -> memref<10240x128xf32, #tpu.memory_space<vmem_shared>>
      %dma_start3A_282 = tpu.memref_slice %arg11[%rem3A_238] : memref<3x!tpu.dma_semaphore, #tpu.memory_space<semaphore_mem>> -> memref<1x!tpu.dma_semaphore, #tpu.memory_space<semaphore_mem>>
      %dma_start3A_283 = tpu.memref_squeeze %dma_start3A_282 : memref<1x!tpu.dma_semaphore, #tpu.memory_space<semaphore_mem>> -> memref<!tpu.dma_semaphore, #tpu.memory_space<semaphore_mem>>
      tpu.enqueue_indirect_dma source(%dma_start3A_275 : memref<80x128xf32, #tpu.memory_space<vmem>>) target(%dma_start3A_281 : memref<10240x128xf32, #tpu.memory_space<vmem_shared>>) offsets(%dma_start3A_278 : memref<80xi32, #tpu.memory_space<vmem>>) semaphore(%dma_start3A_283 : memref<!tpu.dma_semaphore, #tpu.memory_space<semaphore_mem>>) {add = true}
      %scan3A_284 = arith.constant 0 : i32
      scf.yield %scan3A_284 : i32
    }
    %scan3A_204 = arith.constant 125 : i32
    %dma_wait3A_205 = arith.constant 1 : i32
    %dma_wait3A_206 = arith.constant 4 : i32
    %dma_wait3A_207 = arith.constant 1 : i32
    %dma_wait3A_208 = arith.constant 1 : i32
    %dma_wait3A_209 = arith.constant 0 : i32
    %dma_wait3A_210 = arith.constant 0 : i32
    %dma_wait3A_211 = tpu.memref_slice %arg6[%dma_wait3A_205, %dma_wait3A_209, %dma_wait3A_210] : memref<3x80x128xf32, #tpu.memory_space<vmem>> -> memref<1x80x128xf32, #tpu.memory_space<vmem>>
    %dma_wait3A_212 = tpu.memref_squeeze %dma_wait3A_211 : memref<1x80x128xf32, #tpu.memory_space<vmem>> -> memref<80x128xf32, #tpu.memory_space<vmem>>
    %dma_wait3A_213 = arith.constant 0 : i32
    %dma_wait3A_214 = tpu.memref_slice %arg5[%dma_wait3A_206, %dma_wait3A_207, %dma_wait3A_213] : memref<5x2x80xi32, #tpu.memory_space<vmem>> -> memref<1x1x80xi32, #tpu.memory_space<vmem>>
    %dma_wait3A_215 = tpu.memref_squeeze %dma_wait3A_214 : memref<1x1x80xi32, #tpu.memory_space<vmem>> -> memref<80xi32, #tpu.memory_space<vmem>>
    %dma_wait3A_216 = arith.constant 0 : i32
    %dma_wait3A_217 = arith.constant 0 : i32
    %dma_wait3A_218 = tpu.memref_slice %arg8[%dma_wait3A_216, %dma_wait3A_217] : memref<10240x128xf32, #tpu.memory_space<vmem_shared>> -> memref<10240x128xf32, #tpu.memory_space<vmem_shared>>
    %dma_wait3A_219 = tpu.memref_slice %arg11[%dma_wait3A_208] : memref<3x!tpu.dma_semaphore, #tpu.memory_space<semaphore_mem>> -> memref<1x!tpu.dma_semaphore, #tpu.memory_space<semaphore_mem>>
    %dma_wait3A_220 = tpu.memref_squeeze %dma_wait3A_219 : memref<1x!tpu.dma_semaphore, #tpu.memory_space<semaphore_mem>> -> memref<!tpu.dma_semaphore, #tpu.memory_space<semaphore_mem>>
    tpu.wait_indirect_dma semaphore(%dma_wait3A_220 : memref<!tpu.dma_semaphore, #tpu.memory_space<semaphore_mem>>) src(%dma_wait3A_212 : memref<80x128xf32, #tpu.memory_space<vmem>>) dst(%dma_wait3A_218 : memref<10240x128xf32, #tpu.memory_space<vmem_shared>>)
    %barrier3A_221 = arith.constant 0 : index
    tpu.barrier barrier_id(%barrier3A_221)
    %scan3A_222 = arith.constant 0 : i32
    %scan3A_223 = arith.constant 0 : i32
    %scan3A_224 = arith.constant 20 : i32
    %scan3A_225 = arith.addi %scan3A_223, %scan3A_224 : i32
    %scan3A_226 = arith.constant 1 : i32
    %scan3A_227 = scf.for %scan3A_236 = %scan3A_223 to %scan3A_225 step %scan3A_226 iter_args(%scan3A_237 = %scan3A_222) -> (i32)  : i32 {
      %mul3A_238 = arith.constant 640 : i32
      %mul3A_239 = arith.muli %arg1, %mul3A_238 : i32
      %mul3A_240 = arith.constant 32 : i32
      %mul3A_241 = arith.muli %scan3A_236, %mul3A_240 : i32
      %add3A_242 = arith.addi %mul3A_239, %mul3A_241 : i32
      %dma_start3A_243 = arith.constant 0 : i32
      %dma_start3A_244 = tpu.memref_slice %arg4[%arg0, %add3A_242, %dma_start3A_243] : memref<2x10240x128xf32, #tpu.memory_space<hbm>> -> memref<1x32x128xf32, #tpu.memory_space<hbm>>
      %dma_start3A_245 = tpu.memref_squeeze %dma_start3A_244 : memref<1x32x128xf32, #tpu.memory_space<hbm>> -> memref<32x128xf32, #tpu.memory_space<hbm>>
      %dma_start3A_246 = arith.constant 0 : i32
      %dma_start3A_247 = tpu.memref_slice %arg8[%add3A_242, %dma_start3A_246] : memref<10240x128xf32, #tpu.memory_space<vmem_shared>> -> memref<32x128xf32, #tpu.memory_space<vmem_shared>>
      tpu.enqueue_dma source(%dma_start3A_247 : memref<32x128xf32, #tpu.memory_space<vmem_shared>>) target(%dma_start3A_245 : memref<32x128xf32, #tpu.memory_space<hbm>>) target_semaphore(%arg12 : memref<!tpu.dma_semaphore, #tpu.memory_space<semaphore_mem>>)
      %scan3A_248 = arith.constant 0 : i32
      scf.yield %scan3A_248 : i32
    }
    %scan3A_228 = arith.constant 20 : i32
    %scan3A_229 = arith.constant 0 : i32
    %scan3A_230 = arith.constant 0 : i32
    %scan3A_231 = arith.constant 20 : i32
    %scan3A_232 = arith.addi %scan3A_230, %scan3A_231 : i32
    %scan3A_233 = arith.constant 1 : i32
    %scan3A_234 = scf.for %scan3A_236 = %scan3A_230 to %scan3A_232 step %scan3A_233 iter_args(%scan3A_237 = %scan3A_229) -> (i32)  : i32 {
      %mul3A_238 = arith.constant 640 : i32
      %mul3A_239 = arith.muli %arg1, %mul3A_238 : i32
      %dma_wait3A_240 = arith.constant 0 : i32
      %dma_wait3A_241 = tpu.memref_slice %arg4[%arg0, %mul3A_239, %dma_wait3A_240] : memref<2x10240x128xf32, #tpu.memory_space<hbm>> -> memref<1x32x128xf32, #tpu.memory_space<hbm>>
      %dma_wait3A_242 = tpu.memref_squeeze %dma_wait3A_241 : memref<1x32x128xf32, #tpu.memory_space<hbm>> -> memref<32x128xf32, #tpu.memory_space<hbm>>
      %dma_wait3A_243 = arith.constant 0 : i32
      %dma_wait3A_244 = tpu.memref_slice %arg8[%mul3A_239, %dma_wait3A_243] : memref<10240x128xf32, #tpu.memory_space<vmem_shared>> -> memref<32x128xf32, #tpu.memory_space<vmem_shared>>
      tpu.wait_dma2 semaphore(%arg12 : memref<!tpu.dma_semaphore, #tpu.memory_space<semaphore_mem>>) src(%dma_wait3A_244 : memref<32x128xf32, #tpu.memory_space<vmem_shared>>) dst(%dma_wait3A_242 : memref<32x128xf32, #tpu.memory_space<hbm>>)
      %scan3A_245 = arith.constant 0 : i32
      scf.yield %scan3A_245 : i32
    }
    %scan3A_235 = arith.constant 20 : i32
    return
  }
}

module attributes {stable_mosaic.version = 14 : i64} {
  func.func @_scale_body(%arg0: i32, %arg1: memref<5120x128xf32, #tpu.memory_space<vmem>>, %arg2: memref<5120x4xf32, #tpu.memory_space<vmem>>, %arg3: memref<5120x128xf32, #tpu.memory_space<vmem>>) attributes {dimension_semantics = [#tpu.dimension_semantics<arbitrary>], iteration_bounds = array<i64: 2>, scalar_prefetch = 0 : i64, scratch_operands = 0 : i64, tpu.core_type = #tpu.core_type<tc>, window_params = [{transform_indices = @transform_0, window_bounds = array<i64: 5120, 128>}, {transform_indices = @transform_1, window_bounds = array<i64: 5120, 4>}, {transform_indices = @transform_2, window_bounds = array<i64: 5120, 128>}]} {
    %get3A = arith.constant 0 : index
    %get3A_0 = arith.constant 0 : index
    %get3A_1 = vector.load %arg2[%get3A, %get3A_0] : memref<5120x4xf32, #tpu.memory_space<vmem>>, vector<5120x4xf32>
    %slice3A = vector.extract_strided_slice %get3A_1 {offsets = [0, 0], sizes = [5120, 1], strides = [1, 1]} : vector<5120x4xf32> to vector<5120x1xf32>
    %slice3A_2 = vector.extract_strided_slice %get3A_1 {offsets = [0, 2], sizes = [5120, 1], strides = [1, 1]} : vector<5120x4xf32> to vector<5120x1xf32>
    %add3A = arith.addf %slice3A, %slice3A_2 : vector<5120x1xf32>
    %max3A = arith.constant 1.000000e+00 : f32
    %max3A_3 = vector.broadcast %max3A : f32 to vector<5120x1xf32>
    %max3A_4 = arith.maximumf %add3A, %max3A_3 : vector<5120x1xf32>
    %rsqrt3A = math.rsqrt %max3A_4 : vector<5120x1xf32>
    %get3A_5 = arith.constant 0 : index
    %get3A_6 = arith.constant 0 : index
    %get3A_7 = vector.load %arg1[%get3A_5, %get3A_6] : memref<5120x128xf32, #tpu.memory_space<vmem>>, vector<5120x128xf32>
    %mul3A = vector.broadcast %rsqrt3A : vector<5120x1xf32> to vector<5120x128xf32>
    %mul3A_8 = arith.mulf %get3A_7, %mul3A : vector<5120x128xf32>
    %swap3A = arith.constant 0 : index
    %swap3A_9 = arith.constant 0 : index
    %swap3A_10 = vector.load %arg3[%swap3A, %swap3A_9] : memref<5120x128xf32, #tpu.memory_space<vmem>>, vector<5120x128xf32>
    tpu.vector_store %arg3[%swap3A, %swap3A_9], %mul3A_8 {strides = array<i32>} : memref<5120x128xf32, #tpu.memory_space<vmem>>, vector<5120x128xf32>,
    return
  }
  func.func @transform_0(%arg0: i32) -> (i32, i32) {
    %c0_i32 = arith.constant 0 : i32
    %c0_i32_0 = arith.constant 0 : i32
    return %arg0, %c0_i32 : i32, i32
  }
  func.func @transform_1(%arg0: i32) -> (i32, i32) {
    %c0_i32 = arith.constant 0 : i32
    %c0_i32_0 = arith.constant 0 : i32
    return %arg0, %c0_i32 : i32, i32
  }
  func.func @transform_2(%arg0: i32) -> (i32, i32) {
    %c0_i32 = arith.constant 0 : i32
    %c0_i32_0 = arith.constant 0 : i32
    return %arg0, %c0_i32 : i32, i32
  }
}

module attributes {stable_mosaic.version = 14 : i64} {
  func.func @_layer1_body(%arg0: i32, %arg1: memref<2x5120x128xf32, #tpu.memory_space<vmem>>, %arg2: memref<5120x4xf32, #tpu.memory_space<vmem>>, %arg3: memref<128x128xf32, #tpu.memory_space<vmem>>, %arg4: memref<1x128xf32, #tpu.memory_space<vmem>>, %arg5: memref<5120x128xf32, #tpu.memory_space<vmem>>) attributes {dimension_semantics = [#tpu.dimension_semantics<arbitrary>], iteration_bounds = array<i64: 2>, scalar_prefetch = 0 : i64, scratch_operands = 0 : i64, tpu.core_type = #tpu.core_type<tc>, window_params = [{transform_indices = @transform_0, window_bounds = array<i64: 2, 5120, 128>}, {transform_indices = @transform_1, window_bounds = array<i64: 5120, 4>}, {pipeline_mode = #tpu.pipeline_mode<synchronous>, transform_indices = @transform_2, window_bounds = array<i64: 128, 128>}, {pipeline_mode = #tpu.pipeline_mode<synchronous>, transform_indices = @transform_3, window_bounds = array<i64: 1, 128>}, {transform_indices = @transform_4, window_bounds = array<i64: 5120, 128>}]} {
    %get3A = arith.constant 0 : index
    %get3A_0 = arith.constant 0 : index
    %get3A_1 = vector.load %arg2[%get3A, %get3A_0] : memref<5120x4xf32, #tpu.memory_space<vmem>>, vector<5120x4xf32>
    %slice3A = vector.extract_strided_slice %get3A_1 {offsets = [0, 0], sizes = [5120, 1], strides = [1, 1]} : vector<5120x4xf32> to vector<5120x1xf32>
    %slice3A_2 = vector.extract_strided_slice %get3A_1 {offsets = [0, 2], sizes = [5120, 1], strides = [1, 1]} : vector<5120x4xf32> to vector<5120x1xf32>
    %add3A = arith.addf %slice3A, %slice3A_2 : vector<5120x1xf32>
    %slice3A_3 = vector.extract_strided_slice %get3A_1 {offsets = [0, 1], sizes = [5120, 1], strides = [1, 1]} : vector<5120x4xf32> to vector<5120x1xf32>
    %slice3A_4 = vector.extract_strided_slice %get3A_1 {offsets = [0, 3], sizes = [5120, 1], strides = [1, 1]} : vector<5120x4xf32> to vector<5120x1xf32>
    %add3A_5 = arith.addf %slice3A_3, %slice3A_4 : vector<5120x1xf32>
    %max3A = arith.constant 1.000000e+00 : f32
    %max3A_6 = vector.broadcast %max3A : f32 to vector<5120x1xf32>
    %max3A_7 = arith.maximumf %add3A, %max3A_6 : vector<5120x1xf32>
    %rsqrt3A = math.rsqrt %max3A_7 : vector<5120x1xf32>
    %max3A_8 = arith.constant 1.000000e+00 : f32
    %max3A_9 = vector.broadcast %max3A_8 : f32 to vector<5120x1xf32>
    %max3A_10 = arith.maximumf %add3A_5, %max3A_9 : vector<5120x1xf32>
    %rsqrt3A_11 = math.rsqrt %max3A_10 : vector<5120x1xf32>
    %get3A_12 = arith.constant 0 : index
    %get3A_13 = arith.constant 0 : index
    %get3A_14 = arith.constant 0 : index
    %get3A_15 = vector.load %arg1[%get3A_12, %get3A_13, %get3A_14] : memref<2x5120x128xf32, #tpu.memory_space<vmem>>, vector<1x5120x128xf32>
    %get3A_16 = vector.shape_cast %get3A_15 : vector<1x5120x128xf32> to vector<5120x128xf32>
    %get3A_17 = arith.constant 1 : index
    %get3A_18 = arith.constant 0 : index
    %get3A_19 = arith.constant 0 : index
    %get3A_20 = vector.load %arg1[%get3A_17, %get3A_18, %get3A_19] : memref<2x5120x128xf32, #tpu.memory_space<vmem>>, vector<1x5120x128xf32>
    %get3A_21 = vector.shape_cast %get3A_20 : vector<1x5120x128xf32> to vector<5120x128xf32>
    %add3A_22 = arith.addf %get3A_16, %get3A_21 : vector<5120x128xf32>
    %mul3A = vector.broadcast %rsqrt3A_11 : vector<5120x1xf32> to vector<5120x128xf32>
    %mul3A_23 = arith.mulf %add3A_22, %mul3A : vector<5120x128xf32>
    %get3A_24 = arith.constant 0 : index
    %get3A_25 = arith.constant 0 : index
    %get3A_26 = vector.load %arg3[%get3A_24, %get3A_25] : memref<128x128xf32, #tpu.memory_space<vmem>>, vector<128x128xf32>
    %dot_general3A = arith.constant dense<0.000000e+00> : vector<5120x128xf32>
    %dot_general3A_27 = tpu.matmul %mul3A_23, %get3A_26, %dot_general3A {dimension_numbers = #tpu.dot_dimension_numbers<[1], [0], [0], [1], [0, 0, 1, 1], [], []>, transpose_lhs_hint = false} : vector<5120x128xf32>, vector<128x128xf32>, vector<5120x128xf32> -> vector<5120x128xf32>
    %get3A_28 = arith.constant 0 : index
    %get3A_29 = arith.constant 0 : index
    %get3A_30 = vector.load %arg4[%get3A_28, %get3A_29] : memref<1x128xf32, #tpu.memory_space<vmem>>, vector<1x128xf32>
    %add3A_31 = vector.broadcast %get3A_30 : vector<1x128xf32> to vector<5120x128xf32>
    %add3A_32 = arith.addf %dot_general3A_27, %add3A_31 : vector<5120x128xf32>
    %max3A_33 = arith.constant 0.000000e+00 : f32
    %max3A_34 = vector.broadcast %max3A_33 : f32 to vector<5120x128xf32>
    %max3A_35 = arith.maximumf %add3A_32, %max3A_34 : vector<5120x128xf32>
    %mul3A_36 = vector.broadcast %rsqrt3A : vector<5120x1xf32> to vector<5120x128xf32>
    %mul3A_37 = arith.mulf %max3A_35, %mul3A_36 : vector<5120x128xf32>
    %swap3A = arith.constant 0 : index
    %swap3A_38 = arith.constant 0 : index
    %swap3A_39 = vector.load %arg5[%swap3A, %swap3A_38] : memref<5120x128xf32, #tpu.memory_space<vmem>>, vector<5120x128xf32>
    tpu.vector_store %arg5[%swap3A, %swap3A_38], %mul3A_37 {strides = array<i32>} : memref<5120x128xf32, #tpu.memory_space<vmem>>, vector<5120x128xf32>,
    return
  }
  func.func @transform_0(%arg0: i32) -> (i32, i32, i32) {
    %c0_i32 = arith.constant 0 : i32
    %c0_i32_0 = arith.constant 0 : i32
    %c0_i32_1 = arith.constant 0 : i32
    return %c0_i32, %arg0, %c0_i32_0 : i32, i32, i32
  }
  func.func @transform_1(%arg0: i32) -> (i32, i32) {
    %c0_i32 = arith.constant 0 : i32
    %c0_i32_0 = arith.constant 0 : i32
    return %arg0, %c0_i32 : i32, i32
  }
  func.func @transform_2(%arg0: i32) -> (i32, i32) {
    %c0_i32 = arith.constant 0 : i32
    %c0_i32_0 = arith.constant 0 : i32
    %c0_i32_1 = arith.constant 0 : i32
    return %c0_i32, %c0_i32_0 : i32, i32
  }
  func.func @transform_3(%arg0: i32) -> (i32, i32) {
    %c0_i32 = arith.constant 0 : i32
    %c0_i32_0 = arith.constant 0 : i32
    %c0_i32_1 = arith.constant 0 : i32
    return %c0_i32, %c0_i32_0 : i32, i32
  }
  func.func @transform_4(%arg0: i32) -> (i32, i32) {
    %c0_i32 = arith.constant 0 : i32
    %c0_i32_0 = arith.constant 0 : i32
    return %arg0, %c0_i32 : i32, i32
  }
}

module attributes {stable_mosaic.version = 14 : i64} {
  func.func @_layer2_body(%arg0: i32, %arg1: memref<2x5120x128xf32, #tpu.memory_space<vmem>>, %arg2: memref<5120x4xf32, #tpu.memory_space<vmem>>, %arg3: memref<128x128xf32, #tpu.memory_space<vmem>>, %arg4: memref<1x128xf32, #tpu.memory_space<vmem>>, %arg5: memref<5120x128xf32, #tpu.memory_space<vmem>>) attributes {dimension_semantics = [#tpu.dimension_semantics<arbitrary>], iteration_bounds = array<i64: 2>, scalar_prefetch = 0 : i64, scratch_operands = 0 : i64, tpu.core_type = #tpu.core_type<tc>, window_params = [{transform_indices = @transform_0, window_bounds = array<i64: 2, 5120, 128>}, {transform_indices = @transform_1, window_bounds = array<i64: 5120, 4>}, {pipeline_mode = #tpu.pipeline_mode<synchronous>, transform_indices = @transform_2, window_bounds = array<i64: 128, 128>}, {pipeline_mode = #tpu.pipeline_mode<synchronous>, transform_indices = @transform_3, window_bounds = array<i64: 1, 128>}, {transform_indices = @transform_4, window_bounds = array<i64: 5120, 128>}]} {
    %get3A = arith.constant 0 : index
    %get3A_0 = arith.constant 0 : index
    %get3A_1 = vector.load %arg2[%get3A, %get3A_0] : memref<5120x4xf32, #tpu.memory_space<vmem>>, vector<5120x4xf32>
    %slice3A = vector.extract_strided_slice %get3A_1 {offsets = [0, 1], sizes = [5120, 1], strides = [1, 1]} : vector<5120x4xf32> to vector<5120x1xf32>
    %slice3A_2 = vector.extract_strided_slice %get3A_1 {offsets = [0, 3], sizes = [5120, 1], strides = [1, 1]} : vector<5120x4xf32> to vector<5120x1xf32>
    %add3A = arith.addf %slice3A, %slice3A_2 : vector<5120x1xf32>
    %max3A = arith.constant 1.000000e+00 : f32
    %max3A_3 = vector.broadcast %max3A : f32 to vector<5120x1xf32>
    %max3A_4 = arith.maximumf %add3A, %max3A_3 : vector<5120x1xf32>
    %rsqrt3A = math.rsqrt %max3A_4 : vector<5120x1xf32>
    %get3A_5 = arith.constant 0 : index
    %get3A_6 = arith.constant 0 : index
    %get3A_7 = arith.constant 0 : index
    %get3A_8 = vector.load %arg1[%get3A_5, %get3A_6, %get3A_7] : memref<2x5120x128xf32, #tpu.memory_space<vmem>>, vector<1x5120x128xf32>
    %get3A_9 = vector.shape_cast %get3A_8 : vector<1x5120x128xf32> to vector<5120x128xf32>
    %get3A_10 = arith.constant 1 : index
    %get3A_11 = arith.constant 0 : index
    %get3A_12 = arith.constant 0 : index
    %get3A_13 = vector.load %arg1[%get3A_10, %get3A_11, %get3A_12] : memref<2x5120x128xf32, #tpu.memory_space<vmem>>, vector<1x5120x128xf32>
    %get3A_14 = vector.shape_cast %get3A_13 : vector<1x5120x128xf32> to vector<5120x128xf32>
    %add3A_15 = arith.addf %get3A_9, %get3A_14 : vector<5120x128xf32>
    %mul3A = vector.broadcast %rsqrt3A : vector<5120x1xf32> to vector<5120x128xf32>
    %mul3A_16 = arith.mulf %add3A_15, %mul3A : vector<5120x128xf32>
    %get3A_17 = arith.constant 0 : index
    %get3A_18 = arith.constant 0 : index
    %get3A_19 = vector.load %arg3[%get3A_17, %get3A_18] : memref<128x128xf32, #tpu.memory_space<vmem>>, vector<128x128xf32>
    %dot_general3A = arith.constant dense<0.000000e+00> : vector<5120x128xf32>
    %dot_general3A_20 = tpu.matmul %mul3A_16, %get3A_19, %dot_general3A {dimension_numbers = #tpu.dot_dimension_numbers<[1], [0], [0], [1], [0, 0, 1, 1], [], []>, transpose_lhs_hint = false} : vector<5120x128xf32>, vector<128x128xf32>, vector<5120x128xf32> -> vector<5120x128xf32>
    %get3A_21 = arith.constant 0 : index
    %get3A_22 = arith.constant 0 : index
    %get3A_23 = vector.load %arg4[%get3A_21, %get3A_22] : memref<1x128xf32, #tpu.memory_space<vmem>>, vector<1x128xf32>
    %add3A_24 = vector.broadcast %get3A_23 : vector<1x128xf32> to vector<5120x128xf32>
    %add3A_25 = arith.addf %dot_general3A_20, %add3A_24 : vector<5120x128xf32>
    %swap3A = arith.constant 0 : index
    %swap3A_26 = arith.constant 0 : index
    %swap3A_27 = vector.load %arg5[%swap3A, %swap3A_26] : memref<5120x128xf32, #tpu.memory_space<vmem>>, vector<5120x128xf32>
    tpu.vector_store %arg5[%swap3A, %swap3A_26], %add3A_25 {strides = array<i32>} : memref<5120x128xf32, #tpu.memory_space<vmem>>, vector<5120x128xf32>,
    return
  }
  func.func @transform_0(%arg0: i32) -> (i32, i32, i32) {
    %c0_i32 = arith.constant 0 : i32
    %c0_i32_0 = arith.constant 0 : i32
    %c0_i32_1 = arith.constant 0 : i32
    return %c0_i32, %arg0, %c0_i32_0 : i32, i32, i32
  }
  func.func @transform_1(%arg0: i32) -> (i32, i32) {
    %c0_i32 = arith.constant 0 : i32
    %c0_i32_0 = arith.constant 0 : i32
    return %arg0, %c0_i32 : i32, i32
  }
  func.func @transform_2(%arg0: i32) -> (i32, i32) {
    %c0_i32 = arith.constant 0 : i32
    %c0_i32_0 = arith.constant 0 : i32
    %c0_i32_1 = arith.constant 0 : i32
    return %c0_i32, %c0_i32_0 : i32, i32
  }
  func.func @transform_3(%arg0: i32) -> (i32, i32) {
    %c0_i32 = arith.constant 0 : i32
    %c0_i32_0 = arith.constant 0 : i32
    %c0_i32_1 = arith.constant 0 : i32
    return %c0_i32, %c0_i32_0 : i32, i32
  }
  func.func @transform_4(%arg0: i32) -> (i32, i32) {
    %c0_i32 = arith.constant 0 : i32
    %c0_i32_0 = arith.constant 0 : i32
    return %arg0, %c0_i32 : i32, i32
  }
}

</mosaic_0001>

<sc_bundles>
// kernel: kernel.11.cloned.1.call-start
scs
__scs_entry_jumppad:
0x0: {  	(pc) =	sbr.rel $0x88, $3  }
0x1: {  	(tag) =	ssettag $0x0;
	lr =	simm.s32 $0x1  }
0x2: {  	[smem:$0x3F9B] =	sst lr;
	_ =	strace $0xD0000000  }
0x3: {  	_ = 	snop  }
0x4: {  	_ = 	snop  }
0x5: {  	_ = 	snop  }
0x6: {  	_ = 	snop  }
0x7: {  	_ = 	snop  }
__scs_overlays_trampoline_lowered:
0x8: {  	[smem:$0x3FAA] =	sst s0  }
0x9: {  	[smem:$0x3FAB] =	sst s1  }
0xa: {  	[smem:$0x3FAC] =	sst s2  }
0xb: {  	[smem:$0x3FAD] =	sst s3  }
0xc: {  	[smem:$0x3FAE] =	sst s4  }
0xd: {  	[smem:$0x3FAF] =	sst s5  }
0xe: {  	[smem:$0x3FB0] =	sst s6  }
0xf: {  	[smem:$0x3FB1] =	sst s7  }
0x10: {  	[smem:$0x3FB2] =	sst s8  }
0x11: {  	[smem:$0x3FB3] =	sst s9;
	s0 =	simm.s32 @!p0 $0x0  }
0x12: {  	s1 =	sld [smem:$0x3F99];
	s0 =	simm.s32 @p0 $0x1  }
0x13: {  	[smem:$0x3FB4] =	sst s0;
	s0 =	simm.s32 @!p1 $0x0  }
0x14: {  	s2 =	sld [smem:$0x3F98];
	s0 =	simm.s32 @p1 $0x1  }
0x15: {  	[smem:$0x3FB5] =	sst s0;
	s0 =	simm.s32 @!p2 $0x0  }
0x16: {  	s3 =	sld [smem:$0x3FDB];
	s0 =	simm.s32 @p2 $0x1  }
0x17: {  	s4 =	simm.s32 $0x1BF5;
	[smem:$0x3FB7] =	sst s0  }
0x18: {  	s0 =	sld [smem:$0x3F9A];
	_ =	swait.ge [sflag:s4], $0x0  }
0x19: {  	s7 =	sld [smem:$0x3F9B]  }
0x1a: {  	s8 =	sadd.s32 $0xFFFFE003, lr  }
0x1b: {  	s9 =	sadd.s32 $0xFFFFFEF7, lr;
	s5 =	simm.s32 $0xFFFFFFFF;
	p2 =	slt.u32 s8, $0xFFFFF086  }
0x1c: {  	p1 =	slt.u32 s9, $0xF7A;
	s5 =	simm.s32 @!p2 $0x0  }
0x1d: {  	s5 =	simm.s32 @p1 $0x1;
	p0 =	seq.s32 s7, s2  }
0x1e: {  	s7 =	smul.u32 @!p0 $0xF7A, s2;
	p2 =	seq.s32 @!p0 s5, $0x0  }
0x1f: {  	s9 =	smul.u32 $0xF7A, s1;
	s8 =	simm.s32 @!p0 $0x1BF5;
	p2 =	por !p2, p0  }
0x20: {  	[sflag:s8] =	ssyncset.s32 @!p0 $0xFFFFF086;
	s6 =	sadd.s32 @!p0 s3, s7;
	s7 =	simm.s32 @!p0 $0x108  }
0x21: {  	s3 =	sadd.s32 s3, s9;
	s6 =	sadd.s32 @!p0 $0x88, s6;
	s7 =	simm.s32 @p2 $0x1082  }
0x22: {  	[simem:s7], [sflag:s8] =	dma.local @!p0 [hbm:s6], $0xF7A  }
0x23: {  	s9 =	sor.u32 $0xD0000000, s2;
	s6 =	simm.s32 $0x108;
	_ =	swait.ge @!p0 [sflag:s8], $0x0  }
0x24: {  	s3 =	sadd.s32 $0x88, s3;
	s6 =	simm.s32 @!p1 $0x1082;
	[sflag:s4] =	ssyncset.s32 $0xFFFFF086  }
0x25: {  	[simem:s6], [sflag:s4] =	dma.local [hbm:s3], $0xF7A  }
0x26: {  	[smem:$0x3F9B] =	sst s1;
	(tag) =	ssettag s2;
	_ =	strace s9  }
0x27: {  	s1 =	sld [smem:$0x3FAB]  }
0x28: {  	s2 =	sld [smem:$0x3FAC]  }
0x29: {  	s4 =	sld [smem:$0x3FAE]  }
0x2a: {  	p0 =	seq.s32 s5, $0x0;
	s5 =	sld [smem:$0x3FAF]  }
0x2b: {  	s6 =	sld [smem:$0x3FB0]  }
0x2c: {  	s7 =	sld [smem:$0x3FB1]  }
0x2d: {  	s3 =	simm.s32 $0x108;
	s8 =	sld [smem:$0x3FB2]  }
0x2e: {  	s3 =	simm.s32 @!p0 $0x1082;
	s9 =	sld [smem:$0x3FB3]  }
0x2f: {  	lr =	sadd.s32 s0, s3;
	s0 =	sld [smem:$0x3FAA]  }
0x30: {  	s3 =	sld [smem:$0x3FAD]  }
0x31: {  	[smem:$0x3FB6] =	sst s10  }
0x32: {  	s10 =	sld [smem:$0x3FB4];
	_ =	sdelay $0x3  }
0x33: {  	p0 =	seq.s32 s10, $0x1;
	s10 =	sld [smem:$0x3FB6];
	_ =	sdelay $0x3  }
0x34: {  	[smem:$0x3FB6] =	sst s10  }
0x35: {  	s10 =	sld [smem:$0x3FB5];
	_ =	sdelay $0x3  }
0x36: {  	p1 =	seq.s32 s10, $0x1;
	s10 =	sld [smem:$0x3FB6];
	_ =	sdelay $0x3  }
0x37: {  	[smem:$0x3FB6] =	sst s10  }
0x38: {  	s10 =	sld [smem:$0x3FB7]  }
0x39: {  	_ = 	snop;
	(pc) =	sbr.ind lr, $3  }
0x3a: {  	_ = 	snop  }
0x3b: {  	_ = 	snop  }
0x3c: {  	p2 =	seq.s32 s10, $0x1;
	s10 =	sld [smem:$0x3FB6]  }
0x3d: {  	_ =	shalt  }
0x3e: {  	_ =	shalt  }
0x3f: {  	_ =	shalt  }
0x40: {  	_ =	shalt  }
0x41: {  	_ =	shalt  }
0x42: {  	_ =	shalt  }
0x43: {  	_ =	shalt  }
0x44: {  	_ =	shalt  }
0x45: {  	_ =	shalt  }
0x46: {  	_ =	shalt  }
0x47: {  	_ =	shalt  }
0x48: {  	_ =	shalt  }
0x49: {  	_ =	shalt  }
0x4a: {  	_ =	shalt  }
0x4b: {  	_ =	shalt  }
0x4c: {  	_ =	shalt  }
0x4d: {  	_ =	shalt  }
0x4e: {  	_ =	shalt  }
0x4f: {  	_ =	shalt  }
0x50: {  	_ =	shalt  }
0x51: {  	_ =	shalt  }
0x52: {  	_ =	shalt  }
0x53: {  	_ =	shalt  }
0x54: {  	_ =	shalt  }
0x55: {  	_ =	shalt  }
0x56: {  	_ =	shalt  }
0x57: {  	_ =	shalt  }
0x58: {  	_ =	shalt  }
0x59: {  	_ =	shalt  }
0x5a: {  	_ =	shalt  }
0x5b: {  	_ =	shalt  }
0x5c: {  	_ =	shalt  }
0x5d: {  	_ =	shalt  }
0x5e: {  	_ =	shalt  }
0x5f: {  	_ =	shalt  }
0x60: {  	_ =	shalt  }
0x61: {  	_ =	shalt  }
0x62: {  	_ =	shalt  }
0x63: {  	_ =	shalt  }
0x64: {  	_ =	shalt  }
0x65: {  	_ =	shalt  }
0x66: {  	_ =	shalt  }
0x67: {  	_ =	shalt  }
0x68: {  	_ =	shalt  }
0x69: {  	_ =	shalt  }
0x6a: {  	_ =	shalt  }
0x6b: {  	_ =	shalt  }
0x6c: {  	_ =	shalt  }
0x6d: {  	_ =	shalt  }
0x6e: {  	_ =	shalt  }
0x6f: {  	_ =	shalt  }
0x70: {  	_ =	shalt  }
0x71: {  	_ =	shalt  }
0x72: {  	_ =	shalt  }
0x73: {  	_ =	shalt  }
0x74: {  	_ =	shalt  }
0x75: {  	_ =	shalt  }
0x76: {  	_ =	shalt  }
0x77: {  	_ =	shalt  }
0x78: {  	_ =	shalt  }
0x79: {  	_ =	shalt  }
0x7a: {  	_ =	shalt  }
0x7b: {  	_ =	shalt  }
0x7c: {  	_ =	shalt  }
0x7d: {  	_ =	shalt  }
0x7e: {  	_ =	shalt  }
0x7f: {  	_ =	shalt  }
0x80: {  	_ =	shalt  }
0x81: {  	_ =	shalt  }
0x82: {  	_ =	shalt  }
0x83: {  	_ =	shalt  }
0x84: {  	_ =	shalt  }
0x85: {  	_ =	shalt  }
0x86: {  	_ =	shalt  }
0x87: {  	_ =	shalt  }
.Lfunc_end0:
.L_simem_size_0:
called_computation.1_lowered:
.L_overlay_start_0:
0x88: {  	s2 =	sld [smem:$0x3FD9]  }
0x89: {  	s3 =	sld [smem:$0x3FFE];
	_ =	sdelay $0x1  }
0x8a: {  	s1 =	srdreg.scid  }
0x8b: {  	s0 =	sand.u32 $0x1, s1  }
0x8c: {  	s17 =	sshll.u32 s0, $0xA;
	s2 =	sadd.s32 s3, s2  }
0x8d: {  	s2 =	sadd.s32 s2, s17  }
0x8e: {  	[smem:$0x3FC2] =	sst s2  }
0x8f: {  	_ = 	snop  }
0x90: {  	s2 =	sld [smem:$0x3FD0];
	(tm) =	ssettm $0x1  }
0x91: {  	s18 =	sld [smem:$0x3FFB];
	_ =	sdelay $0x3  }
0x92: {  	_ =	strace s18  }
0x93: {  	s3 =	sld [smem:$0x3FFC];
	_ =	sdelay $0x3  }
0x94: {  	_ =	strace s3  }
0x95: {  	s3 =	sld [smem:$0x3FFD];
	_ =	sdelay $0x3  }
0x96: {  	_ =	strace s3  }
0x97: {  	_ =	strace $0x8FFFFFFF  }
0x98: {  	s19 =	sld [smem:$0x3FDB];
	_ =	sdelay $0x1  }
0x99: {  	s4 =	simm.s32 $_scs_section_size  }
0x9a: {  	s5 =	simm.s32 $_size__tile_overlayer_lowered;
	s6 =	simm.s32 $_tile_overlayer_lowered  }
0x9b: {  	s22 =	simm.s32 $0x1BFF;
	s21 =	sshll.u32 s6, $0x1;
	s3 =	sadd.s32 s4, s19  }
0x9c: {  	s7 =	simm.s32 $0x0;
	s20 =	sshll.u32 s5, $0x1;
	s5 =	sadd.s32 s21, s3  }
0x9d: {  	[timem:s7], [sflag:s22] =	dma.local [hbm:s5], s20  }
0x9e: {  	_ =	swait.ge [sflag:s22], s20  }
0x9f: {  	s4 =	ssub.s32 $0x0, s20;
	[sflag:s22] =	ssyncset.done $0x0  }
0xa0: {  	[sflag:s22] =	ssyncadd.s32 s4;
	_ =	sdelay $0x1  }
0xa1: {  	s23 =	simm.s32 $0x1B8B  }
0xa2: {  	_ =	swait.ge [sflag:s23], $0x1  }
0xa3: {  	[sflag:s23] =	ssyncset.done $0x0  }
0xa4: {  	s25 =	simm.s32 $0x1B8E;
	s24 =	sld [smem:$0x3FFE];
	[sflag:s23] =	ssyncadd.s32 $0xFFFFFFFF  }
0xa5: {  	s26 =	simm.s32 $execute0_lowered;
	[smem:$0x3FD2] =	sst s25  }
0xa6: {  	s5 =	sshll.u32 s26, $0x1;
	_ =	strace $0x80000049;
	[dreg:$0x1] =	wrdreg $0xFFFFFFFF  }
0xa7: {  	s28 =	simm.s32 $_size_execute0_lowered;
	s3 =	sadd.s32 s3, s5;
	[dreg:$0x0] =	wrdreg $0x0  }
0xa8: {  	s5 =	sshll.u32 s28, $0x1;
	[dreg:$0x2] =	wrdreg s3  }
0xa9: {  	[dreg:$0x3] =	wrdreg s5  }
0xaa: {  	[dreg:$0x4] =	wrdreg $0xC0  }
0xab: {  	_ =	task [dreg:s7], $0x5FFFF  }
0xac: {  	[dreg:$0x1] =	wrdreg $0xFFFFFFFF  }
0xad: {  	[dreg:$0x0] =	wrdreg $0x60  }
0xae: {  	[dreg:$0x2] =	wrdreg s2  }
0xaf: {  	[dreg:$0x3] =	wrdreg s24  }
0xb0: {  	[dreg:$0x4] =	wrdreg $0x8D000  }
0xb1: {  	[dreg:$0x5] =	wrdreg $0x9  }
0xb2: {  	_ =	task.clear_ibuf [dreg:s7], $0x6FFFF;
	_ =	strace $0x90000049  }
0xb3: {  	s29 =	simm.s32 $0x9;
	_ =	strace $0x8000004B  }
0xb4: {  	_ =	swait.ge [sflag:s29], $0x1  }
0xb5: {  	[sflag:s29] =	ssyncadd.s32 $0xFFFFFFFF  }
0xb6: {  	_ =	strace $0x9000004B  }
0xb7: {  	_ =	sfence  }
0xb8: {  	s30 =	sld [smem:$0x0];
	_ =	sdelay $0x2  }
0xb9: {  	s31 =	sshll.u32 s1, $0xD;
	s1 =	sshrl.u32 s1, $0x2  }
0xba: {  	s3 =	sand.u32 $0x4000, s31;
	s1 =	sadd.s32 s1, s30  }
0xbb: {  	s0 =	sor.u32 s3, s0;
	s1 =	sshll.u32 s1, $0x11  }
0xbc: {  	s0 =	sor.u32 s1, s0  }
0xbd: {  	s0 =	sadd.s32 $0x8F2B, s0  }
0xbe: {  	[sflag:s0] =	ssyncadd.remote.s32 $0x1  }
0xbf: {  	_ =	sfence.sel $0xFFFF  }
0xc0: {  	[dreg:$0x0] =	wrdreg $0xFFFFFFFF;
	(pc) =	sbr.abs _section_cstart, $3  }
0xc1: {  	[dreg:$0x1] =	wrdreg $0xFFFFFFFF  }
0xc2: {  	_ =	task.clear_ibuf [dreg:s7], $0x2FFFF;
	_ =	strace $0x9FFFFFFF  }
0xc3: {  	(tm) =	ssettm $0x7FFFFFFF  }
tec
execute0_lowered:
.L_overlay_start_1:
0x0: {  	(tag) =	ssettag $0x1  }
0x1: {  	s1 =	rddreg [dreg:$0x0]  }
0x2: {  	s0 =	rddreg [dreg:$0x1];
	s11 =	stileid.u32  }
0x3: {  	s3 =	rddreg [dreg:$0x2];
	s7 =	smul.u32 $0x14000, s11  }
0x4: {  	s2 =	srdreg.scid;
	s4 =	simm.s32 $0x0;
	s10 =	smul.u32 $0x50000, s11  }
0x5: {  	s2 =	sand.u32 $0x1, s2;
	[smem:$0x7FF] =	sst s4;
	s17 =	smul.u32 $0x7D00, s11  }
0x6: {  	s8 =	sadd.s32 $0x3A00, s0;
	s5 =	smul.u32 $0x140000, s2;
	s6 =	sshll.u32 s2, $0x4  }
0x7: {  	_ =	strace $0x8000004A;
	s9 =	ssub.s32 $0x2, s2;
	s2 =	smul.u32 $0x7D000, s2  }
0x8: {  	s6 =	sor.u32 s11, s6;
	s26 =	sshrl.u32 s9, $0x1;
	s15 =	sshrl.u32 s10, $0x2  }
0x9: {  	s11 =	simm.s32 $0x2;
	s6 =	smul.u32 $0x7D00, s6;
	s5 =	sadd.s32 s7, s5  }
0xa: {  	s10 =	sadd.s32 s15, s3;
	s2 =	sadd.s32 s17, s2;
	s15 =	simm.s32 $0x0  }
0xb: {  	s7 =	sshrl.u32 s5, $0x3;
	s18 =	sadd.s32 $0x3000, s10;
	s19 =	sadd.s32 $0x4000, s10  }
0xc: {  	s20 =	sadd.s32 $0x5000, s10;
	s21 =	sadd.s32 $0x6000, s10;
	[dreg:$0xa] =	wrdreg s18  }
0xd: {  	s22 =	sadd.s32 $0x7000, s10;
	s23 =	sadd.s32 $0x8000, s10;
	[dreg:$0xb] =	wrdreg s19  }
0xe: {  	s2 =	sadd.s32 $0x400, s2;
	s24 =	sadd.s32 $0x9000, s10;
	[dreg:$0xc] =	wrdreg s20  }
0xf: {  	s28 =	sadd.s32 $0xE000, s10;
	s29 =	sadd.s32 $0xF000, s10;
	[dreg:$0xd] =	wrdreg s21  }
0x10: {  	s30 =	sadd.s32 $0x10000, s10;
	s31 =	sadd.s32 $0x11000, s10;
	[dreg:$0xe] =	wrdreg s22  }
0x11: {  	s25 =	sshrl.u32 s6, $0x3;
	s0 =	sadd.s32 s7, s0;
	[dreg:$0xf] =	wrdreg s23  }
0x12: {  	s6 =	ssub.s32 s9, s26;
	s7 =	sadd.s32 $0x2000, s10;
	[dreg:$0x10] =	wrdreg s24  }
0x13: {  	s2 =	sshrl.u32 s2, $0x3;
	s26 =	sadd.s32 $0xB000, s10;
	s24 =	sadd.s32 $0xC000, s10  }
0x14: {  	s9 =	simm.s32 $0x50;
	s5 =	sadd.s32 s8, s25;
	[dreg:$0x9] =	wrdreg s7  }
0x15: {  	s6 =	smax.u32 s6, $0x1;
	s25 =	sadd.s32 $0xA000, s10;
	[dreg:$0x12] =	wrdreg s26  }
0x16: {  	s17 =	sadd.s32 s2, s8;
	s26 =	sadd.s32 $0xD000, s10;
	[dreg:$0x8] =	wrdreg s6  }
0x17: {  	s2 =	sadd.s32 $0x13000, s10;
	s12 =	sadd.s32 $0x20, s5;
	[dreg:$0x11] =	wrdreg s25  }
0x18: {  	s7 =	simm.s32 $0x7D00;
	s13 =	sadd.s32 $0x40, s5;
	[dreg:$0x4] =	wrdreg s12  }
0x19: {  	s8 =	simm.s32 $0x1;
	s14 =	sadd.s32 $0x60, s5;
	[dreg:$0x5] =	wrdreg s13  }
0x1a: {  	s16 =	sadd.s32 $0x80, s5;
	s25 =	sadd.s32 $0x22E00, s0;
	[dreg:$0x6] =	wrdreg s14  }
0x1b: {  	s0 =	sadd.s32 $0x12000, s10;
	s6 =	simm.s32 $0x100;
	[dreg:$0x7] =	wrdreg s16  }
0x1c: {  	v0 =	vimm.f32 $0.0e+00;
	s12 =	sadd.s32 $0x1000, s10;
	s13 =	simm.s32 $0xC;
	s14 =	simm.s32 $0xA  }
.LBB2_1:
0x1d: {  	[tilespmem:s4], [sflag:$0x1] =	stream.linear.gather [hbm4b:s5+s4], $0x100, $0x38;
	[tilespmem:$0x1CD00] =	vst v63  }
0x1e: {  	s16 =	rddreg [dreg:$0x4]  }
0x1f: {  	s23 =	rddreg [dreg:$0x5]  }
0x20: {  	[tilespmem:s6], [sflag:$0x2] =	stream.linear.gather [hbm4b:s16+s4], $0x100, $0x38;
	[tilespmem:$0x1CD00] =	vst v63  }
0x21: {  	s18 =	simm.s32 $0x200;
	s20 =	rddreg [dreg:$0x7]  }
0x22: {  	[tilespmem:s18], [sflag:$0x3] =	stream.linear.gather [hbm4b:s23+s4], $0x100, $0x38;
	[tilespmem:$0x1CD00] =	vst v63  }
0x23: {  	s19 =	simm.s32 $0x300;
	s22 =	sand.u32 $0x3E00, s4;
	s18 =	rddreg [dreg:$0x6]  }
0x24: {  	[tilespmem:s19], [sflag:$0x4] =	stream.linear.gather [hbm4b:s18+s4], $0x100, $0x38;
	[tilespmem:$0x1CD00] =	vst v63  }
0x25: {  	s21 =	simm.s32 $0x400;
	s23 =	sand.u32 $0x70, s4;
	s19 =	sshrl.u32 s22, $0x2  }
0x26: {  	s16 =	simm.s32 $0x40;
	s18 =	simm.s32 $0x0;
	s19 =	sor.u32 s23, s19  }
0x27: {  	[tilespmem:s21], [sflag:$0x5] =	stream.linear.gather [hbm4b:s20+s4], $0x100, $0x38;
	[tilespmem:$0x1CD00] =	vst v63  }
.LBB2_2:
0x28: {  	p0 =	sne.s32 s16, $0x3FC0  }
0x29: {  	[tilespmem:s19+$0x7D00] =	vst v0;
	s18 =	sadd.s32 $0x10, s18;
	s19 =	smov.u32 s16;
	s16 =	sadd.s32 $0x40, s16  }
.Ltmp0:
0x2a: {  	(pc) =	sbr.rel @p0 .LBB2_2-.Ltmp0, $4  }
0x2b: {  	_ = 	snop  }
0x2c: {  	s19 =	sand.u32 $0x3E00, s19  }
0x2d: {  	s20 =	sand.u32 $0x70, s18;
	s19 =	sshrl.u32 s19, $0x2  }
0x2e: {  	s19 =	sor.u32 s20, s19  }
0x2f: {  	[tilespmem:s19+$0x7D00] =	vst v0  }
0x30: {  	[spmem:s10] =	stream.linear.scatter [tilespmem:s7], [sflag:$0xC], $0x1000, $0x38;
	[tilespmem:$0x1CD00] =	vst v63  }
0x31: {  	_ = 	snop  }
0x32: {  	[spmem:s12] =	stream.linear.scatter [tilespmem:s7], [sflag:$0xC], $0x1000, $0x38;
	[tilespmem:$0x1CD00] =	vst v63  }
0x33: {  	s16 =	rddreg [dreg:$0x9]  }
0x34: {  	[spmem:s16] =	stream.linear.scatter [tilespmem:s7], [sflag:$0xC], $0x1000, $0x38;
	[tilespmem:$0x1CD00] =	vst v63  }
0x35: {  	s20 =	rddreg [dreg:$0xa]  }
0x36: {  	[spmem:s20] =	stream.linear.scatter [tilespmem:s7], [sflag:$0xC], $0x1000, $0x38;
	[tilespmem:$0x1CD00] =	vst v63  }
0x37: {  	s21 =	rddreg [dreg:$0xb]  }
0x38: {  	[spmem:s21] =	stream.linear.scatter [tilespmem:s7], [sflag:$0xC], $0x1000, $0x38;
	[tilespmem:$0x1CD00] =	vst v63  }
0x39: {  	s22 =	rddreg [dreg:$0xc]  }
0x3a: {  	[spmem:s22] =	stream.linear.scatter [tilespmem:s7], [sflag:$0xC], $0x1000, $0x38;
	[tilespmem:$0x1CD00] =	vst v63  }
0x3b: {  	s23 =	rddreg [dreg:$0xd]  }
0x3c: {  	[spmem:s23] =	stream.linear.scatter [tilespmem:s7], [sflag:$0xC], $0x1000, $0x38;
	[tilespmem:$0x1CD00] =	vst v63  }
0x3d: {  	s18 =	rddreg [dreg:$0xe]  }
0x3e: {  	[spmem:s18] =	stream.linear.scatter [tilespmem:s7], [sflag:$0xC], $0x1000, $0x38;
	[tilespmem:$0x1CD00] =	vst v63  }
0x3f: {  	s19 =	rddreg [dreg:$0xf]  }
0x40: {  	[spmem:s19] =	stream.linear.scatter [tilespmem:s7], [sflag:$0xC], $0x1000, $0x38;
	[tilespmem:$0x1CD00] =	vst v63  }
0x41: {  	s20 =	rddreg [dreg:$0x10]  }
0x42: {  	[spmem:s20] =	stream.linear.scatter [tilespmem:s7], [sflag:$0xC], $0x1000, $0x38;
	[tilespmem:$0x1CD00] =	vst v63  }
0x43: {  	s21 =	rddreg [dreg:$0x11]  }
0x44: {  	[spmem:s21] =	stream.linear.scatter [tilespmem:s7], [sflag:$0xC], $0x1000, $0x38;
	[tilespmem:$0x1CD00] =	vst v63  }
0x45: {  	s22 =	rddreg [dreg:$0x12]  }
0x46: {  	[spmem:s22] =	stream.linear.scatter [tilespmem:s7], [sflag:$0xC], $0x1000, $0x38;
	[tilespmem:$0x1CD00] =	vst v63  }
0x47: {  	_ = 	snop  }
0x48: {  	[spmem:s24] =	stream.linear.scatter [tilespmem:s7], [sflag:$0xC], $0x1000, $0x38;
	[tilespmem:$0x1CD00] =	vst v63  }
0x49: {  	_ = 	snop  }
0x4a: {  	[spmem:s26] =	stream.linear.scatter [tilespmem:s7], [sflag:$0xC], $0x1000, $0x38;
	[tilespmem:$0x1CD00] =	vst v63  }
0x4b: {  	_ = 	snop  }
0x4c: {  	[spmem:s28] =	stream.linear.scatter [tilespmem:s7], [sflag:$0xC], $0x1000, $0x38;
	[tilespmem:$0x1CD00] =	vst v63  }
0x4d: {  	_ = 	snop  }
0x4e: {  	[spmem:s29] =	stream.linear.scatter [tilespmem:s7], [sflag:$0xC], $0x1000, $0x38;
	[tilespmem:$0x1CD00] =	vst v63  }
0x4f: {  	_ = 	snop  }
0x50: {  	[spmem:s30] =	stream.linear.scatter [tilespmem:s7], [sflag:$0xC], $0x1000, $0x38;
	[tilespmem:$0x1CD00] =	vst v63  }
0x51: {  	_ = 	snop  }
0x52: {  	[spmem:s31] =	stream.linear.scatter [tilespmem:s7], [sflag:$0xC], $0x1000, $0x38;
	[tilespmem:$0x1CD00] =	vst v63  }
0x53: {  	_ = 	snop  }
0x54: {  	[spmem:s0] =	stream.linear.scatter [tilespmem:s7], [sflag:$0xC], $0x1000, $0x38;
	[tilespmem:$0x1CD00] =	vst v63  }
0x55: {  	_ = 	snop  }
0x56: {  	[spmem:s2] =	stream.linear.scatter [tilespmem:s7], [sflag:$0xC], $0x1000, $0x38;
	[tilespmem:$0x1CD00] =	vst v63  }
0x57: {  	_ =	swait.ge [sflag:s8], $0x100  }
0x58: {  	[sflag:s8] =	ssyncset.done $0x0  }
0x59: {  	s16 =	simm.s32 $0x0;
	s18 =	simm.s32 $0x500;
	[sflag:s8] =	ssyncadd.s32 $0xFFFFFF00  }
0x5a: {  	[tilespmem:s18], [sflag:$0x6] =	stream.indirect.gather [hbm4b:s1+s9], $0x80, s16, s9, $0xb8;
	[tilespmem:$0x1CD00] =	vst v63  }
0x5b: {  	_ =	swait.ge [sflag:s11], $0x100  }
0x5c: {  	[sflag:s11] =	ssyncset.done $0x0  }
0x5d: {  	s23 =	simm.s32 $0x2D00;
	[sflag:s11] =	ssyncadd.s32 $0xFFFFFF00  }
0x5e: {  	[tilespmem:s23], [sflag:$0x7] =	stream.indirect.gather [hbm4b:s1+s9], $0x80, s6, s9, $0xb8;
	[tilespmem:$0x1CD00] =	vst v63  }
0x5f: {  	_ =	swait.ge [sflag:s13], $0x1000  }
0x60: {  	[sflag:s13] =	ssyncset.done $0x0  }
0x61: {  	[sflag:s13] =	ssyncadd.s32 $0xFFFFF000  }
0x62: {  	_ =	swait.ge [sflag:s13], $0x1000  }
0x63: {  	[sflag:s13] =	ssyncset.done $0x0  }
0x64: {  	[sflag:s13] =	ssyncadd.s32 $0xFFFFF000  }
0x65: {  	_ =	swait.ge [sflag:s13], $0x1000  }
0x66: {  	[sflag:s13] =	ssyncset.done $0x0  }
0x67: {  	[sflag:s13] =	ssyncadd.s32 $0xFFFFF000  }
0x68: {  	_ =	swait.ge [sflag:s13], $0x1000  }
0x69: {  	[sflag:s13] =	ssyncset.done $0x0  }
0x6a: {  	[sflag:s13] =	ssyncadd.s32 $0xFFFFF000  }
0x6b: {  	_ =	swait.ge [sflag:s13], $0x1000  }
0x6c: {  	[sflag:s13] =	ssyncset.done $0x0  }
0x6d: {  	[sflag:s13] =	ssyncadd.s32 $0xFFFFF000  }
0x6e: {  	_ =	swait.ge [sflag:s13], $0x1000  }
0x6f: {  	[sflag:s13] =	ssyncset.done $0x0  }
0x70: {  	[sflag:s13] =	ssyncadd.s32 $0xFFFFF000  }
0x71: {  	_ =	swait.ge [sflag:s13], $0x1000  }
0x72: {  	[sflag:s13] =	ssyncset.done $0x0  }
0x73: {  	[sflag:s13] =	ssyncadd.s32 $0xFFFFF000  }
0x74: {  	_ =	swait.ge [sflag:s13], $0x1000  }
0x75: {  	[sflag:s13] =	ssyncset.done $0x0  }
0x76: {  	[sflag:s13] =	ssyncadd.s32 $0xFFFFF000  }
0x77: {  	_ =	swait.ge [sflag:s13], $0x1000  }
0x78: {  	[sflag:s13] =	ssyncset.done $0x0  }
0x79: {  	[sflag:s13] =	ssyncadd.s32 $0xFFFFF000  }
0x7a: {  	_ =	swait.ge [sflag:s13], $0x1000  }
0x7b: {  	[sflag:s13] =	ssyncset.done $0x0  }
0x7c: {  	[sflag:s13] =	ssyncadd.s32 $0xFFFFF000  }
0x7d: {  	_ =	swait.ge [sflag:s13], $0x1000  }
0x7e: {  	[sflag:s13] =	ssyncset.done $0x0  }
0x7f: {  	[sflag:s13] =	ssyncadd.s32 $0xFFFFF000  }
0x80: {  	_ =	swait.ge [sflag:s13], $0x1000  }
0x81: {  	[sflag:s13] =	ssyncset.done $0x0  }
0x82: {  	[sflag:s13] =	ssyncadd.s32 $0xFFFFF000  }
0x83: {  	_ =	swait.ge [sflag:s13], $0x1000  }
0x84: {  	[sflag:s13] =	ssyncset.done $0x0  }
0x85: {  	[sflag:s13] =	ssyncadd.s32 $0xFFFFF000  }
0x86: {  	_ =	swait.ge [sflag:s13], $0x1000  }
0x87: {  	[sflag:s13] =	ssyncset.done $0x0  }
0x88: {  	[sflag:s13] =	ssyncadd.s32 $0xFFFFF000  }
0x89: {  	_ =	swait.ge [sflag:s13], $0x1000  }
0x8a: {  	[sflag:s13] =	ssyncset.done $0x0  }
0x8b: {  	[sflag:s13] =	ssyncadd.s32 $0xFFFFF000  }
0x8c: {  	_ =	swait.ge [sflag:s13], $0x1000  }
0x8d: {  	[sflag:s13] =	ssyncset.done $0x0  }
0x8e: {  	[sflag:s13] =	ssyncadd.s32 $0xFFFFF000  }
0x8f: {  	_ =	swait.ge [sflag:s13], $0x1000  }
0x90: {  	[sflag:s13] =	ssyncset.done $0x0  }
0x91: {  	[sflag:s13] =	ssyncadd.s32 $0xFFFFF000  }
0x92: {  	_ =	swait.ge [sflag:s13], $0x1000  }
0x93: {  	[sflag:s13] =	ssyncset.done $0x0  }
0x94: {  	[sflag:s13] =	ssyncadd.s32 $0xFFFFF000  }
0x95: {  	_ =	swait.ge [sflag:s13], $0x1000  }
0x96: {  	[sflag:s13] =	ssyncset.done $0x0  }
0x97: {  	[sflag:s13] =	ssyncadd.s32 $0xFFFFF000  }
.Ltmp1:
0x98: {  	_ =	swait.ge [sflag:s13], $0x1000;
	(pc) =	sbr.rel .LBB2_4-.Ltmp1, $4  }
0x99: {  	[sflag:s13] =	ssyncset.done $0x0  }
0x9a: {  	[sflag:s13] =	ssyncadd.s32 $0xFFFFF000  }
0x9b: {  	[bflag:$0x0] =	sbarrier.arrive $0xFFFF  }
0x9c: {  	s23 =	smov.u32 s17  }
.LBB2_6:
0x9d: {  	s19 =	sadd.s32 $0x4, s16  }
0x9e: {  	s20 =	smul.u32 $0xCD, s19;
	_ =	sdelay $0x1  }
0x9f: {  	s20 =	sshrl.u32 s20, $0xA  }
0xa0: {  	s20 =	sand.u32 $0x3F, s20  }
0xa1: {  	s20 =	smul.u32 $0x5, s20;
	_ =	sdelay $0x1  }
0xa2: {  	s19 =	ssub.s32 s19, s20  }
0xa3: {  	s19 =	sand.u32 $0xFF, s19  }
0xa4: {  	s22 =	sshll.u32 s19, $0x8;
	s19 =	sadd.s32 $0x1, s19  }
0xa5: {  	[tilespmem:s22], [sflag:s19] =	stream.linear.gather [hbm4b:s23+s4], $0x100, $0x38;
	[tilespmem:$0x1CD00] =	vst v63  }
.LBB2_8:
0xa6: {  	s19 =	sadd.s32 $0x2, s16  }
0xa7: {  	s20 =	sand.u32 $0xFF, s19  }
0xa8: {  	s21 =	smul.u32 $0xCD, s20  }
0xa9: {  	s20 =	smul.u32 $0xAB, s20  }
0xaa: {  	s21 =	sshrl.u32 s21, $0xA  }
0xab: {  	s20 =	sshrl.u32 s20, $0x9;
	s21 =	smul.u32 $0x5, s21  }
0xac: {  	s20 =	smul.u32 $0x3, s20;
	_ =	sdelay $0x1  }
0xad: {  	s21 =	ssub.s32 s19, s21;
	s19 =	ssub.s32 s19, s20  }
0xae: {  	s21 =	sand.u32 $0xFF, s21;
	s19 =	sand.u32 $0xFF, s19  }
0xaf: {  	s20 =	sadd.s32 $0x1, s21;
	s22 =	smul.u32 $0xA000, s19  }
0xb0: {  	_ =	swait.ge [sflag:s20], $0x100  }
0xb1: {  	s21 =	sshll.u32 s21, $0x8;
	[sflag:s20] =	ssyncset.done $0x0;
	s22 =	sshrl.u32 s22, $0x2  }
0xb2: {  	s19 =	sadd.s32 $0x6, s19;
	[sflag:s20] =	ssyncadd.s32 $0xFFFFFF00;
	s20 =	sor.u32 $0x500, s22  }
0xb3: {  	[tilespmem:s20], [sflag:s19] =	stream.indirect.gather [hbm4b:s1+s9], $0x80, s21, s9, $0xb8;
	[tilespmem:$0x1CD00] =	vst v63  }
.LBB2_9:
0xb4: {  	s19 =	smul.u32 $0xCD, s16;
	_ =	sdelay $0x1  }
0xb5: {  	s19 =	sshrl.u32 s19, $0xA  }
0xb6: {  	s19 =	sand.u32 $0x3F, s19  }
0xb7: {  	s19 =	smul.u32 $0x5, s19;
	_ =	sdelay $0x1  }
0xb8: {  	s19 =	ssub.s32 s16, s19;
	s16 =	sadd.s32 $0x1, s16  }
0xb9: {  	s20 =	smul.u32 $0xA000, s18;
	p0 =	sne.s32 s16, $0x7D  }
.Ltmp2:
0xba: {  	_ = 	snop;
	(pc) =	sbr.rel @!p0 .LBB2_10-.Ltmp2, $4  }
0xbb: {  	s19 =	sand.u32 $0xFF, s19  }
0xbc: {  	s22 =	sadd.s32 $0x9, s18;
	s20 =	sshrl.u32 s20, $0x2;
	s19 =	sshll.u32 s19, $0x8  }
0xbd: {  	s23 =	sadd.s32 $0x20, s23;
	s20 =	sor.u32 $0x500, s20;
	s19 =	sor.u32 $0x80, s19  }
0xbe: {  	[spmem:s3] =	stream.indirect.scatter.add.f32 [tilespmem:s20], [sflag:s22], $0x80, s19, s9, $0xb8;
	[tilespmem:$0x1CD00] =	vst v63  }
.LBB2_4:
0xbf: {  	s18 =	smul.u32 $0xAB, s16;
	_ =	sdelay $0x1  }
0xc0: {  	s18 =	sshrl.u32 s18, $0x9  }
0xc1: {  	s18 =	sand.u32 $0x7F, s18  }
0xc2: {  	s18 =	smul.u32 $0x3, s18;
	_ =	sdelay $0x1  }
0xc3: {  	p0 =	seq.s32 s16, $0x0;
	s18 =	ssub.s32 s16, s18  }
.Ltmp3:
0xc4: {  	s18 =	sand.u32 $0xFF, s18;
	(pc) =	sbr.rel @p0 .LBB2_8-.Ltmp3, $4  }
0xc5: {  	s19 =	sadd.s32 $0x6, s18  }
0xc6: {  	_ =	swait.ge [sflag:s19], $0x2800  }
0xc7: {  	[sflag:s19] =	ssyncset.done $0x0  }
0xc8: {  	[sflag:s19] =	ssyncadd.s32 $0xFFFFD800  }
0xc9: {  	s19 =	sadd.s32 $0x2, s16  }
0xca: {  	s20 =	sand.u32 $0xFF, s19  }
0xcb: {  	s20 =	smul.u32 $0xAB, s20;
	_ =	sdelay $0x1  }
0xcc: {  	s20 =	sshrl.u32 s20, $0x9  }
0xcd: {  	s20 =	smul.u32 $0x3, s20;
	_ =	sdelay $0x1  }
0xce: {  	p0 =	sgt.u32 s16, $0x78;
	s19 =	ssub.s32 s19, s20  }
.Ltmp4:
0xcf: {  	s19 =	sand.u32 $0xFF, s19;
	(pc) =	sbr.rel @!p0 .LBB2_6-.Ltmp4, $4  }
0xd0: {  	s19 =	sadd.s32 $0x9, s19  }
0xd1: {  	_ =	swait.ge [sflag:s19], $0x2800  }
0xd2: {  	[sflag:s19] =	ssyncset.done $0x0  }
0xd3: {  	[sflag:s19] =	ssyncadd.s32 $0xFFFFD800  }
0xd4: {  	p0 =	sgt.u32 s16, $0x7A  }
.Ltmp5:
0xd5: {  	_ = 	snop;
	(pc) =	sbr.rel @p0 .LBB2_9-.Ltmp5, $4  }
.Ltmp6:
0xd6: {  	_ = 	snop;
	(pc) =	sbr.rel @!p0 .LBB2_8-.Ltmp6, $4  }
0xd7: {  	_ = 	snop  }
0xd8: {  	_ = 	snop  }
0xd9: {  	_ = 	snop  }
0xda: {  	_ = 	snop  }
.LBB2_10:
0xdb: {  	_ =	swait.ge [sflag:s14], $0x2800;
	s16 =	simm.s32 $0x200  }
0xdc: {  	s18 =	stileid.u32;
	s19 =	sadd.s32 $0x0, s25;
	[sflag:s14] =	ssyncset.done $0x0  }
0xdd: {  	s20 =	sshrl.u32 s10, $0x3;
	s18 =	sshll.u32 s18, $0x6;
	[sflag:s14] =	ssyncadd.s32 $0xFFFFD800  }
0xde: {  	s23 =	smov.u32 s12;
	s18 =	sor.u32 $0x1C0C, s18;
	[bflag:$0x0] =	sbarrier.arrive $0xFFFF  }
.LBB2_11:
0xdf: {  	[hbm:s19], [sflag:s18] =	dma.local [spmem:s20], $0x200  }
0xe0: {  	s19 =	smov.u32 s16;
	s20 =	smov.u32 s23;
	p0 =	sne.s32 s16, $0x2600  }
.Ltmp7:
0xe1: {  	s16 =	sadd.s32 $0x200, s16;
	(pc) =	sbr.rel @p0 .LBB2_11-.Ltmp7, $3  }
0xe2: {  	_ =	sdelay $0x1  }
0xe3: {  	s23 =	sadd.s32 $0x1000, s23  }
0xe4: {  	s19 =	sadd.s32 s19, s25;
	s20 =	sshrl.u32 s20, $0x3  }
0xe5: {  	[hbm:s19], [sflag:s18] =	dma.local [spmem:s20], $0x200  }
0xe6: {  	_ =	swait.ge [sflag:s13], $0x200  }
0xe7: {  	[sflag:s13] =	ssyncset.done $0x0  }
0xe8: {  	[sflag:s13] =	ssyncadd.s32 $0xFFFFFE00  }
0xe9: {  	_ =	swait.ge [sflag:s13], $0x200  }
0xea: {  	[sflag:s13] =	ssyncset.done $0x0  }
0xeb: {  	[sflag:s13] =	ssyncadd.s32 $0xFFFFFE00  }
0xec: {  	_ =	swait.ge [sflag:s13], $0x200  }
0xed: {  	[sflag:s13] =	ssyncset.done $0x0  }
0xee: {  	[sflag:s13] =	ssyncadd.s32 $0xFFFFFE00  }
0xef: {  	_ =	swait.ge [sflag:s13], $0x200  }
0xf0: {  	[sflag:s13] =	ssyncset.done $0x0  }
0xf1: {  	[sflag:s13] =	ssyncadd.s32 $0xFFFFFE00  }
0xf2: {  	_ =	swait.ge [sflag:s13], $0x200  }
0xf3: {  	[sflag:s13] =	ssyncset.done $0x0  }
0xf4: {  	[sflag:s13] =	ssyncadd.s32 $0xFFFFFE00  }
0xf5: {  	_ =	swait.ge [sflag:s13], $0x200  }
0xf6: {  	[sflag:s13] =	ssyncset.done $0x0  }
0xf7: {  	[sflag:s13] =	ssyncadd.s32 $0xFFFFFE00  }
0xf8: {  	_ =	swait.ge [sflag:s13], $0x200  }
0xf9: {  	[sflag:s13] =	ssyncset.done $0x0  }
0xfa: {  	[sflag:s13] =	ssyncadd.s32 $0xFFFFFE00  }
0xfb: {  	_ =	swait.ge [sflag:s13], $0x200  }
0xfc: {  	[sflag:s13] =	ssyncset.done $0x0  }
0xfd: {  	[sflag:s13] =	ssyncadd.s32 $0xFFFFFE00  }
0xfe: {  	_ =	swait.ge [sflag:s13], $0x200  }
0xff: {  	[sflag:s13] =	ssyncset.done $0x0  }
0x100: {  	[sflag:s13] =	ssyncadd.s32 $0xFFFFFE00  }
0x101: {  	_ =	swait.ge [sflag:s13], $0x200  }
0x102: {  	[sflag:s13] =	ssyncset.done $0x0  }
0x103: {  	[sflag:s13] =	ssyncadd.s32 $0xFFFFFE00  }
0x104: {  	_ =	swait.ge [sflag:s13], $0x200  }
0x105: {  	[sflag:s13] =	ssyncset.done $0x0  }
0x106: {  	[sflag:s13] =	ssyncadd.s32 $0xFFFFFE00  }
0x107: {  	_ =	swait.ge [sflag:s13], $0x200  }
0x108: {  	[sflag:s13] =	ssyncset.done $0x0  }
0x109: {  	[sflag:s13] =	ssyncadd.s32 $0xFFFFFE00  }
0x10a: {  	_ =	swait.ge [sflag:s13], $0x200  }
0x10b: {  	[sflag:s13] =	ssyncset.done $0x0  }
0x10c: {  	[sflag:s13] =	ssyncadd.s32 $0xFFFFFE00  }
0x10d: {  	_ =	swait.ge [sflag:s13], $0x200  }
0x10e: {  	[sflag:s13] =	ssyncset.done $0x0  }
0x10f: {  	[sflag:s13] =	ssyncadd.s32 $0xFFFFFE00  }
0x110: {  	_ =	swait.ge [sflag:s13], $0x200  }
0x111: {  	[sflag:s13] =	ssyncset.done $0x0  }
0x112: {  	[sflag:s13] =	ssyncadd.s32 $0xFFFFFE00  }
0x113: {  	_ =	swait.ge [sflag:s13], $0x200  }
0x114: {  	[sflag:s13] =	ssyncset.done $0x0  }
0x115: {  	[sflag:s13] =	ssyncadd.s32 $0xFFFFFE00  }
0x116: {  	_ =	swait.ge [sflag:s13], $0x200  }
0x117: {  	[sflag:s13] =	ssyncset.done $0x0  }
0x118: {  	[sflag:s13] =	ssyncadd.s32 $0xFFFFFE00  }
0x119: {  	_ =	swait.ge [sflag:s13], $0x200  }
0x11a: {  	[sflag:s13] =	ssyncset.done $0x0  }
0x11b: {  	[sflag:s13] =	ssyncadd.s32 $0xFFFFFE00  }
0x11c: {  	_ =	swait.ge [sflag:s13], $0x200  }
0x11d: {  	[sflag:s13] =	ssyncset.done $0x0  }
0x11e: {  	[sflag:s13] =	ssyncadd.s32 $0xFFFFFE00  }
0x11f: {  	_ =	swait.ge [sflag:s13], $0x200  }
0x120: {  	s15 =	sadd.s32 $0x1, s15;
	s16 =	rddreg [dreg:$0x8]  }
0x121: {  	p0 =	sne.s32 s15, s16  }
.Ltmp8:
0x122: {  	_ = 	snop;
	(pc) =	sbr.rel @p0 .LBB2_1-.Ltmp8, $3  }
0x123: {  	_ =	sdelay $0x1  }
0x124: {  	[sflag:s13] =	ssyncset.done $0x0  }
0x125: {  	[sflag:s13] =	ssyncadd.s32 $0xFFFFFE00  }
0x126: {  	_ =	sfence.sel $0x180000  }
0x127: {  	[bflag:$0x0] =	sbarrier.arrive $0xFFFF  }
0x128: {  	_ =	strace $0x9000004A  }
0x129: {  	s0 =	stileid.u32;
	[bflag:$0x2] =	sbarrier.arrive $0xFFFF  }
0x12a: {  	p0 =	sne.s32 s0, $0x0;
	s0 =	rddreg [dreg:$0x3]  }
0x12b: {  	s0 =	sadd.s32 @!p0 $0x100000, s0  }
0x12c: {  	[sflag:s0] =	ssyncadd.tile.s32 @!p0 $0x1;
	_ =	shalt  }
.Lfunc_end2:
_tile_overlayer_lowered:
.L_overlay_start_2:
0x12d: {  	(tag) =	ssettag $0x2  }
0x12e: {  	s0 =	rddreg [dreg:$0x0];
	s2 =	stileid.u32  }
0x12f: {  	s1 =	rddreg [dreg:$0x1];
	p0 =	sne.s32 s2, $0x0  }
0x130: {  	s3 =	rddreg [dreg:$0x2];
	[bflag:$0x3] =	sbarrier.arrive $0xFFFF;
	s2 =	simm.s32 @!p0 $0x1C0D  }
0x131: {  	[timem:s3], [sflag:s2] =	dma.local @!p0 [hbm:s0], s1  }
0x132: {  	s0 =	simm.s32 @!p0 $0xD  }
0x133: {  	_ =	swait.ge @!p0 [sflag:s0], s1  }
0x134: {  	s1 =	ssub.s32 @!p0 $0x0, s1;
	[sflag:s0] =	ssyncset.done @!p0 $0x0  }
0x135: {  	[sflag:s0] =	ssyncadd.s32 @!p0 s1  }
0x136: {  	[bflag:$0x3] =	sbarrier.arrive $0xFFFF  }
0x137: {  	_ =	shalt  }

// kernel: kernel.14.cloned.1.call-start
scs
__scs_entry_jumppad:
0x0: {  	(pc) =	sbr.rel $0x88, $3  }
0x1: {  	(tag) =	ssettag $0x0;
	lr =	simm.s32 $0x1  }
0x2: {  	[smem:$0x3F9B] =	sst lr;
	_ =	strace $0xD0000000  }
0x3: {  	_ = 	snop  }
0x4: {  	_ = 	snop  }
0x5: {  	_ = 	snop  }
0x6: {  	_ = 	snop  }
0x7: {  	_ = 	snop  }
__scs_overlays_trampoline_lowered:
0x8: {  	[smem:$0x3FAA] =	sst s0  }
0x9: {  	[smem:$0x3FAB] =	sst s1  }
0xa: {  	[smem:$0x3FAC] =	sst s2  }
0xb: {  	[smem:$0x3FAD] =	sst s3  }
0xc: {  	[smem:$0x3FAE] =	sst s4  }
0xd: {  	[smem:$0x3FAF] =	sst s5  }
0xe: {  	[smem:$0x3FB0] =	sst s6  }
0xf: {  	[smem:$0x3FB1] =	sst s7  }
0x10: {  	[smem:$0x3FB2] =	sst s8  }
0x11: {  	[smem:$0x3FB3] =	sst s9;
	s0 =	simm.s32 @!p0 $0x0  }
0x12: {  	s1 =	sld [smem:$0x3F99];
	s0 =	simm.s32 @p0 $0x1  }
0x13: {  	[smem:$0x3FB4] =	sst s0;
	s0 =	simm.s32 @!p1 $0x0  }
0x14: {  	s2 =	sld [smem:$0x3F98];
	s0 =	simm.s32 @p1 $0x1  }
0x15: {  	[smem:$0x3FB5] =	sst s0;
	s0 =	simm.s32 @!p2 $0x0  }
0x16: {  	s3 =	sld [smem:$0x3FDB];
	s0 =	simm.s32 @p2 $0x1  }
0x17: {  	s4 =	simm.s32 $0x1BF5;
	[smem:$0x3FB7] =	sst s0  }
0x18: {  	s0 =	sld [smem:$0x3F9A];
	_ =	swait.ge [sflag:s4], $0x0  }
0x19: {  	s7 =	sld [smem:$0x3F9B]  }
0x1a: {  	s8 =	sadd.s32 $0xFFFFE003, lr  }
0x1b: {  	s9 =	sadd.s32 $0xFFFFFEF7, lr;
	s5 =	simm.s32 $0xFFFFFFFF;
	p2 =	slt.u32 s8, $0xFFFFF086  }
0x1c: {  	p1 =	slt.u32 s9, $0xF7A;
	s5 =	simm.s32 @!p2 $0x0  }
0x1d: {  	s5 =	simm.s32 @p1 $0x1;
	p0 =	seq.s32 s7, s2  }
0x1e: {  	s7 =	smul.u32 @!p0 $0xF7A, s2;
	p2 =	seq.s32 @!p0 s5, $0x0  }
0x1f: {  	s9 =	smul.u32 $0xF7A, s1;
	s8 =	simm.s32 @!p0 $0x1BF5;
	p2 =	por !p2, p0  }
0x20: {  	[sflag:s8] =	ssyncset.s32 @!p0 $0xFFFFF086;
	s6 =	sadd.s32 @!p0 s3, s7;
	s7 =	simm.s32 @!p0 $0x108  }
0x21: {  	s3 =	sadd.s32 s3, s9;
	s6 =	sadd.s32 @!p0 $0x88, s6;
	s7 =	simm.s32 @p2 $0x1082  }
0x22: {  	[simem:s7], [sflag:s8] =	dma.local @!p0 [hbm:s6], $0xF7A  }
0x23: {  	s9 =	sor.u32 $0xD0000000, s2;
	s6 =	simm.s32 $0x108;
	_ =	swait.ge @!p0 [sflag:s8], $0x0  }
0x24: {  	s3 =	sadd.s32 $0x88, s3;
	s6 =	simm.s32 @!p1 $0x1082;
	[sflag:s4] =	ssyncset.s32 $0xFFFFF086  }
0x25: {  	[simem:s6], [sflag:s4] =	dma.local [hbm:s3], $0xF7A  }
0x26: {  	[smem:$0x3F9B] =	sst s1;
	(tag) =	ssettag s2;
	_ =	strace s9  }
0x27: {  	s1 =	sld [smem:$0x3FAB]  }
0x28: {  	s2 =	sld [smem:$0x3FAC]  }
0x29: {  	s4 =	sld [smem:$0x3FAE]  }
0x2a: {  	p0 =	seq.s32 s5, $0x0;
	s5 =	sld [smem:$0x3FAF]  }
0x2b: {  	s6 =	sld [smem:$0x3FB0]  }
0x2c: {  	s7 =	sld [smem:$0x3FB1]  }
0x2d: {  	s3 =	simm.s32 $0x108;
	s8 =	sld [smem:$0x3FB2]  }
0x2e: {  	s3 =	simm.s32 @!p0 $0x1082;
	s9 =	sld [smem:$0x3FB3]  }
0x2f: {  	lr =	sadd.s32 s0, s3;
	s0 =	sld [smem:$0x3FAA]  }
0x30: {  	s3 =	sld [smem:$0x3FAD]  }
0x31: {  	[smem:$0x3FB6] =	sst s10  }
0x32: {  	s10 =	sld [smem:$0x3FB4];
	_ =	sdelay $0x3  }
0x33: {  	p0 =	seq.s32 s10, $0x1;
	s10 =	sld [smem:$0x3FB6];
	_ =	sdelay $0x3  }
0x34: {  	[smem:$0x3FB6] =	sst s10  }
0x35: {  	s10 =	sld [smem:$0x3FB5];
	_ =	sdelay $0x3  }
0x36: {  	p1 =	seq.s32 s10, $0x1;
	s10 =	sld [smem:$0x3FB6];
	_ =	sdelay $0x3  }
0x37: {  	[smem:$0x3FB6] =	sst s10  }
0x38: {  	s10 =	sld [smem:$0x3FB7]  }
0x39: {  	_ = 	snop;
	(pc) =	sbr.ind lr, $3  }
0x3a: {  	_ = 	snop  }
0x3b: {  	_ = 	snop  }
0x3c: {  	p2 =	seq.s32 s10, $0x1;
	s10 =	sld [smem:$0x3FB6]  }
0x3d: {  	_ =	shalt  }
0x3e: {  	_ =	shalt  }
0x3f: {  	_ =	shalt  }
0x40: {  	_ =	shalt  }
0x41: {  	_ =	shalt  }
0x42: {  	_ =	shalt  }
0x43: {  	_ =	shalt  }
0x44: {  	_ =	shalt  }
0x45: {  	_ =	shalt  }
0x46: {  	_ =	shalt  }
0x47: {  	_ =	shalt  }
0x48: {  	_ =	shalt  }
0x49: {  	_ =	shalt  }
0x4a: {  	_ =	shalt  }
0x4b: {  	_ =	shalt  }
0x4c: {  	_ =	shalt  }
0x4d: {  	_ =	shalt  }
0x4e: {  	_ =	shalt  }
0x4f: {  	_ =	shalt  }
0x50: {  	_ =	shalt  }
0x51: {  	_ =	shalt  }
0x52: {  	_ =	shalt  }
0x53: {  	_ =	shalt  }
0x54: {  	_ =	shalt  }
0x55: {  	_ =	shalt  }
0x56: {  	_ =	shalt  }
0x57: {  	_ =	shalt  }
0x58: {  	_ =	shalt  }
0x59: {  	_ =	shalt  }
0x5a: {  	_ =	shalt  }
0x5b: {  	_ =	shalt  }
0x5c: {  	_ =	shalt  }
0x5d: {  	_ =	shalt  }
0x5e: {  	_ =	shalt  }
0x5f: {  	_ =	shalt  }
0x60: {  	_ =	shalt  }
0x61: {  	_ =	shalt  }
0x62: {  	_ =	shalt  }
0x63: {  	_ =	shalt  }
0x64: {  	_ =	shalt  }
0x65: {  	_ =	shalt  }
0x66: {  	_ =	shalt  }
0x67: {  	_ =	shalt  }
0x68: {  	_ =	shalt  }
0x69: {  	_ =	shalt  }
0x6a: {  	_ =	shalt  }
0x6b: {  	_ =	shalt  }
0x6c: {  	_ =	shalt  }
0x6d: {  	_ =	shalt  }
0x6e: {  	_ =	shalt  }
0x6f: {  	_ =	shalt  }
0x70: {  	_ =	shalt  }
0x71: {  	_ =	shalt  }
0x72: {  	_ =	shalt  }
0x73: {  	_ =	shalt  }
0x74: {  	_ =	shalt  }
0x75: {  	_ =	shalt  }
0x76: {  	_ =	shalt  }
0x77: {  	_ =	shalt  }
0x78: {  	_ =	shalt  }
0x79: {  	_ =	shalt  }
0x7a: {  	_ =	shalt  }
0x7b: {  	_ =	shalt  }
0x7c: {  	_ =	shalt  }
0x7d: {  	_ =	shalt  }
0x7e: {  	_ =	shalt  }
0x7f: {  	_ =	shalt  }
0x80: {  	_ =	shalt  }
0x81: {  	_ =	shalt  }
0x82: {  	_ =	shalt  }
0x83: {  	_ =	shalt  }
0x84: {  	_ =	shalt  }
0x85: {  	_ =	shalt  }
0x86: {  	_ =	shalt  }
0x87: {  	_ =	shalt  }
.Lfunc_end0:
.L_simem_size_0:
called_computation.2_lowered:
.L_overlay_start_0:
0x88: {  	s2 =	sld [smem:$0x3FD9]  }
0x89: {  	s3 =	sld [smem:$0x3FFE];
	_ =	sdelay $0x1  }
0x8a: {  	s1 =	srdreg.scid  }
0x8b: {  	s0 =	sand.u32 $0x1, s1  }
0x8c: {  	s17 =	sshll.u32 s0, $0xA;
	s2 =	sadd.s32 s3, s2  }
0x8d: {  	s2 =	sadd.s32 s2, s17  }
0x8e: {  	[smem:$0x3FC2] =	sst s2  }
0x8f: {  	_ = 	snop  }
0x90: {  	s2 =	sld [smem:$0x3FD0];
	(tm) =	ssettm $0x1  }
0x91: {  	s18 =	sld [smem:$0x3FFB];
	_ =	sdelay $0x3  }
0x92: {  	_ =	strace s18  }
0x93: {  	s3 =	sld [smem:$0x3FFC];
	_ =	sdelay $0x3  }
0x94: {  	_ =	strace s3  }
0x95: {  	s3 =	sld [smem:$0x3FFD];
	_ =	sdelay $0x3  }
0x96: {  	_ =	strace s3  }
0x97: {  	_ =	strace $0x8FFFFFFF  }
0x98: {  	s19 =	sld [smem:$0x3FDB];
	_ =	sdelay $0x1  }
0x99: {  	s4 =	simm.s32 $_scs_section_size  }
0x9a: {  	s5 =	simm.s32 $_size__tile_overlayer_lowered;
	s6 =	simm.s32 $_tile_overlayer_lowered  }
0x9b: {  	s22 =	simm.s32 $0x1BFF;
	s21 =	sshll.u32 s6, $0x1;
	s3 =	sadd.s32 s4, s19  }
0x9c: {  	s7 =	simm.s32 $0x0;
	s20 =	sshll.u32 s5, $0x1;
	s5 =	sadd.s32 s21, s3  }
0x9d: {  	[timem:s7], [sflag:s22] =	dma.local [hbm:s5], s20  }
0x9e: {  	_ =	swait.ge [sflag:s22], s20  }
0x9f: {  	s4 =	ssub.s32 $0x0, s20;
	[sflag:s22] =	ssyncset.done $0x0  }
0xa0: {  	[sflag:s22] =	ssyncadd.s32 s4;
	_ =	sdelay $0x1  }
0xa1: {  	s23 =	simm.s32 $0x1B8B  }
0xa2: {  	_ =	swait.ge [sflag:s23], $0x1  }
0xa3: {  	[sflag:s23] =	ssyncset.done $0x0  }
0xa4: {  	s25 =	simm.s32 $0x1B8E;
	s24 =	sld [smem:$0x3FFE];
	[sflag:s23] =	ssyncadd.s32 $0xFFFFFFFF  }
0xa5: {  	s26 =	simm.s32 $execute0_lowered;
	[smem:$0x3FD2] =	sst s25  }
0xa6: {  	s5 =	sshll.u32 s26, $0x1;
	_ =	strace $0x8000004C;
	[dreg:$0x1] =	wrdreg $0xFFFFFFFF  }
0xa7: {  	s28 =	simm.s32 $_size_execute0_lowered;
	s3 =	sadd.s32 s3, s5;
	[dreg:$0x0] =	wrdreg $0x0  }
0xa8: {  	s5 =	sshll.u32 s28, $0x1;
	[dreg:$0x2] =	wrdreg s3  }
0xa9: {  	[dreg:$0x3] =	wrdreg s5  }
0xaa: {  	[dreg:$0x4] =	wrdreg $0xC0  }
0xab: {  	_ =	task [dreg:s7], $0x5FFFF  }
0xac: {  	[dreg:$0x1] =	wrdreg $0xFFFFFFFF  }
0xad: {  	[dreg:$0x0] =	wrdreg $0x60  }
0xae: {  	[dreg:$0x2] =	wrdreg s2  }
0xaf: {  	[dreg:$0x3] =	wrdreg s24  }
0xb0: {  	[dreg:$0x4] =	wrdreg $0x8D000  }
0xb1: {  	[dreg:$0x5] =	wrdreg $0x9  }
0xb2: {  	_ =	task.clear_ibuf [dreg:s7], $0x6FFFF;
	_ =	strace $0x9000004C  }
0xb3: {  	s29 =	simm.s32 $0x9;
	_ =	strace $0x8000004E  }
0xb4: {  	_ =	swait.ge [sflag:s29], $0x1  }
0xb5: {  	[sflag:s29] =	ssyncadd.s32 $0xFFFFFFFF  }
0xb6: {  	_ =	strace $0x9000004E  }
0xb7: {  	_ =	sfence  }
0xb8: {  	s30 =	sld [smem:$0x0];
	_ =	sdelay $0x2  }
0xb9: {  	s31 =	sshll.u32 s1, $0xD;
	s1 =	sshrl.u32 s1, $0x2  }
0xba: {  	s3 =	sand.u32 $0x4000, s31;
	s1 =	sadd.s32 s1, s30  }
0xbb: {  	s0 =	sor.u32 s3, s0;
	s1 =	sshll.u32 s1, $0x11  }
0xbc: {  	s0 =	sor.u32 s1, s0  }
0xbd: {  	s0 =	sadd.s32 $0x8F2B, s0  }
0xbe: {  	[sflag:s0] =	ssyncadd.remote.s32 $0x1  }
0xbf: {  	_ =	sfence.sel $0xFFFF  }
0xc0: {  	[dreg:$0x0] =	wrdreg $0xFFFFFFFF;
	(pc) =	sbr.abs _section_cstart, $3  }
0xc1: {  	[dreg:$0x1] =	wrdreg $0xFFFFFFFF  }
0xc2: {  	_ =	task.clear_ibuf [dreg:s7], $0x2FFFF;
	_ =	strace $0x9FFFFFFF  }
0xc3: {  	(tm) =	ssettm $0x7FFFFFFF  }
tec
execute0_lowered:
.L_overlay_start_1:
0x0: {  	(tag) =	ssettag $0x1  }
0x1: {  	s1 =	rddreg [dreg:$0x0]  }
0x2: {  	s0 =	rddreg [dreg:$0x1];
	s11 =	stileid.u32  }
0x3: {  	s3 =	rddreg [dreg:$0x2];
	s7 =	smul.u32 $0x14000, s11  }
0x4: {  	s2 =	srdreg.scid;
	s4 =	simm.s32 $0x0;
	s10 =	smul.u32 $0x50000, s11  }
0x5: {  	s2 =	sand.u32 $0x1, s2;
	[smem:$0x7FF] =	sst s4;
	s17 =	smul.u32 $0x7D00, s11  }
0x6: {  	s8 =	sadd.s32 $0x3A00, s0;
	s5 =	smul.u32 $0x140000, s2;
	s6 =	sshll.u32 s2, $0x4  }
0x7: {  	_ =	strace $0x8000004D;
	s9 =	ssub.s32 $0x2, s2;
	s2 =	smul.u32 $0x7D000, s2  }
0x8: {  	s6 =	sor.u32 s11, s6;
	s26 =	sshrl.u32 s9, $0x1;
	s15 =	sshrl.u32 s10, $0x2  }
0x9: {  	s11 =	simm.s32 $0x2;
	s6 =	smul.u32 $0x7D00, s6;
	s5 =	sadd.s32 s7, s5  }
0xa: {  	s10 =	sadd.s32 s15, s3;
	s2 =	sadd.s32 s17, s2;
	s15 =	simm.s32 $0x0  }
0xb: {  	s7 =	sshrl.u32 s5, $0x3;
	s18 =	sadd.s32 $0x3000, s10;
	s19 =	sadd.s32 $0x4000, s10  }
0xc: {  	s20 =	sadd.s32 $0x5000, s10;
	s21 =	sadd.s32 $0x6000, s10;
	[dreg:$0xa] =	wrdreg s18  }
0xd: {  	s22 =	sadd.s32 $0x7000, s10;
	s23 =	sadd.s32 $0x8000, s10;
	[dreg:$0xb] =	wrdreg s19  }
0xe: {  	s2 =	sadd.s32 $0x400, s2;
	s24 =	sadd.s32 $0x9000, s10;
	[dreg:$0xc] =	wrdreg s20  }
0xf: {  	s28 =	sadd.s32 $0xE000, s10;
	s29 =	sadd.s32 $0xF000, s10;
	[dreg:$0xd] =	wrdreg s21  }
0x10: {  	s30 =	sadd.s32 $0x10000, s10;
	s31 =	sadd.s32 $0x11000, s10;
	[dreg:$0xe] =	wrdreg s22  }
0x11: {  	s25 =	sshrl.u32 s6, $0x3;
	s0 =	sadd.s32 s7, s0;
	[dreg:$0xf] =	wrdreg s23  }
0x12: {  	s6 =	ssub.s32 s9, s26;
	s7 =	sadd.s32 $0x2000, s10;
	[dreg:$0x10] =	wrdreg s24  }
0x13: {  	s2 =	sshrl.u32 s2, $0x3;
	s26 =	sadd.s32 $0xB000, s10;
	s24 =	sadd.s32 $0xC000, s10  }
0x14: {  	s9 =	simm.s32 $0x50;
	s5 =	sadd.s32 s8, s25;
	[dreg:$0x9] =	wrdreg s7  }
0x15: {  	s6 =	smax.u32 s6, $0x1;
	s25 =	sadd.s32 $0xA000, s10;
	[dreg:$0x12] =	wrdreg s26  }
0x16: {  	s17 =	sadd.s32 s2, s8;
	s26 =	sadd.s32 $0xD000, s10;
	[dreg:$0x8] =	wrdreg s6  }
0x17: {  	s2 =	sadd.s32 $0x13000, s10;
	s12 =	sadd.s32 $0x20, s5;
	[dreg:$0x11] =	wrdreg s25  }
0x18: {  	s7 =	simm.s32 $0x7D00;
	s13 =	sadd.s32 $0x40, s5;
	[dreg:$0x4] =	wrdreg s12  }
0x19: {  	s8 =	simm.s32 $0x1;
	s14 =	sadd.s32 $0x60, s5;
	[dreg:$0x5] =	wrdreg s13  }
0x1a: {  	s16 =	sadd.s32 $0x80, s5;
	s25 =	sadd.s32 $0x22E00, s0;
	[dreg:$0x6] =	wrdreg s14  }
0x1b: {  	s0 =	sadd.s32 $0x12000, s10;
	s6 =	simm.s32 $0x100;
	[dreg:$0x7] =	wrdreg s16  }
0x1c: {  	v0 =	vimm.f32 $0.0e+00;
	s12 =	sadd.s32 $0x1000, s10;
	s13 =	simm.s32 $0xC;
	s14 =	simm.s32 $0xA  }
.LBB2_1:
0x1d: {  	[tilespmem:s4], [sflag:$0x1] =	stream.linear.gather [hbm4b:s5+s4], $0x100, $0x38;
	[tilespmem:$0x1CD00] =	vst v63  }
0x1e: {  	s16 =	rddreg [dreg:$0x4]  }
0x1f: {  	s23 =	rddreg [dreg:$0x5]  }
0x20: {  	[tilespmem:s6], [sflag:$0x2] =	stream.linear.gather [hbm4b:s16+s4], $0x100, $0x38;
	[tilespmem:$0x1CD00] =	vst v63  }
0x21: {  	s18 =	simm.s32 $0x200;
	s20 =	rddreg [dreg:$0x7]  }
0x22: {  	[tilespmem:s18], [sflag:$0x3] =	stream.linear.gather [hbm4b:s23+s4], $0x100, $0x38;
	[tilespmem:$0x1CD00] =	vst v63  }
0x23: {  	s19 =	simm.s32 $0x300;
	s22 =	sand.u32 $0x3E00, s4;
	s18 =	rddreg [dreg:$0x6]  }
0x24: {  	[tilespmem:s19], [sflag:$0x4] =	stream.linear.gather [hbm4b:s18+s4], $0x100, $0x38;
	[tilespmem:$0x1CD00] =	vst v63  }
0x25: {  	s21 =	simm.s32 $0x400;
	s23 =	sand.u32 $0x70, s4;
	s19 =	sshrl.u32 s22, $0x2  }
0x26: {  	s16 =	simm.s32 $0x40;
	s18 =	simm.s32 $0x0;
	s19 =	sor.u32 s23, s19  }
0x27: {  	[tilespmem:s21], [sflag:$0x5] =	stream.linear.gather [hbm4b:s20+s4], $0x100, $0x38;
	[tilespmem:$0x1CD00] =	vst v63  }
.LBB2_2:
0x28: {  	p0 =	sne.s32 s16, $0x3FC0  }
0x29: {  	[tilespmem:s19+$0x7D00] =	vst v0;
	s18 =	sadd.s32 $0x10, s18;
	s19 =	smov.u32 s16;
	s16 =	sadd.s32 $0x40, s16  }
.Ltmp0:
0x2a: {  	(pc) =	sbr.rel @p0 .LBB2_2-.Ltmp0, $4  }
0x2b: {  	_ = 	snop  }
0x2c: {  	s19 =	sand.u32 $0x3E00, s19  }
0x2d: {  	s20 =	sand.u32 $0x70, s18;
	s19 =	sshrl.u32 s19, $0x2  }
0x2e: {  	s19 =	sor.u32 s20, s19  }
0x2f: {  	[tilespmem:s19+$0x7D00] =	vst v0  }
0x30: {  	[spmem:s10] =	stream.linear.scatter [tilespmem:s7], [sflag:$0xC], $0x1000, $0x38;
	[tilespmem:$0x1CD00] =	vst v63  }
0x31: {  	_ = 	snop  }
0x32: {  	[spmem:s12] =	stream.linear.scatter [tilespmem:s7], [sflag:$0xC], $0x1000, $0x38;
	[tilespmem:$0x1CD00] =	vst v63  }
0x33: {  	s16 =	rddreg [dreg:$0x9]  }
0x34: {  	[spmem:s16] =	stream.linear.scatter [tilespmem:s7], [sflag:$0xC], $0x1000, $0x38;
	[tilespmem:$0x1CD00] =	vst v63  }
0x35: {  	s20 =	rddreg [dreg:$0xa]  }
0x36: {  	[spmem:s20] =	stream.linear.scatter [tilespmem:s7], [sflag:$0xC], $0x1000, $0x38;
	[tilespmem:$0x1CD00] =	vst v63  }
0x37: {  	s21 =	rddreg [dreg:$0xb]  }
0x38: {  	[spmem:s21] =	stream.linear.scatter [tilespmem:s7], [sflag:$0xC], $0x1000, $0x38;
	[tilespmem:$0x1CD00] =	vst v63  }
0x39: {  	s22 =	rddreg [dreg:$0xc]  }
0x3a: {  	[spmem:s22] =	stream.linear.scatter [tilespmem:s7], [sflag:$0xC], $0x1000, $0x38;
	[tilespmem:$0x1CD00] =	vst v63  }
0x3b: {  	s23 =	rddreg [dreg:$0xd]  }
0x3c: {  	[spmem:s23] =	stream.linear.scatter [tilespmem:s7], [sflag:$0xC], $0x1000, $0x38;
	[tilespmem:$0x1CD00] =	vst v63  }
0x3d: {  	s18 =	rddreg [dreg:$0xe]  }
0x3e: {  	[spmem:s18] =	stream.linear.scatter [tilespmem:s7], [sflag:$0xC], $0x1000, $0x38;
	[tilespmem:$0x1CD00] =	vst v63  }
0x3f: {  	s19 =	rddreg [dreg:$0xf]  }
0x40: {  	[spmem:s19] =	stream.linear.scatter [tilespmem:s7], [sflag:$0xC], $0x1000, $0x38;
	[tilespmem:$0x1CD00] =	vst v63  }
0x41: {  	s20 =	rddreg [dreg:$0x10]  }
0x42: {  	[spmem:s20] =	stream.linear.scatter [tilespmem:s7], [sflag:$0xC], $0x1000, $0x38;
	[tilespmem:$0x1CD00] =	vst v63  }
0x43: {  	s21 =	rddreg [dreg:$0x11]  }
0x44: {  	[spmem:s21] =	stream.linear.scatter [tilespmem:s7], [sflag:$0xC], $0x1000, $0x38;
	[tilespmem:$0x1CD00] =	vst v63  }
0x45: {  	s22 =	rddreg [dreg:$0x12]  }
0x46: {  	[spmem:s22] =	stream.linear.scatter [tilespmem:s7], [sflag:$0xC], $0x1000, $0x38;
	[tilespmem:$0x1CD00] =	vst v63  }
0x47: {  	_ = 	snop  }
0x48: {  	[spmem:s24] =	stream.linear.scatter [tilespmem:s7], [sflag:$0xC], $0x1000, $0x38;
	[tilespmem:$0x1CD00] =	vst v63  }
0x49: {  	_ = 	snop  }
0x4a: {  	[spmem:s26] =	stream.linear.scatter [tilespmem:s7], [sflag:$0xC], $0x1000, $0x38;
	[tilespmem:$0x1CD00] =	vst v63  }
0x4b: {  	_ = 	snop  }
0x4c: {  	[spmem:s28] =	stream.linear.scatter [tilespmem:s7], [sflag:$0xC], $0x1000, $0x38;
	[tilespmem:$0x1CD00] =	vst v63  }
0x4d: {  	_ = 	snop  }
0x4e: {  	[spmem:s29] =	stream.linear.scatter [tilespmem:s7], [sflag:$0xC], $0x1000, $0x38;
	[tilespmem:$0x1CD00] =	vst v63  }
0x4f: {  	_ = 	snop  }
0x50: {  	[spmem:s30] =	stream.linear.scatter [tilespmem:s7], [sflag:$0xC], $0x1000, $0x38;
	[tilespmem:$0x1CD00] =	vst v63  }
0x51: {  	_ = 	snop  }
0x52: {  	[spmem:s31] =	stream.linear.scatter [tilespmem:s7], [sflag:$0xC], $0x1000, $0x38;
	[tilespmem:$0x1CD00] =	vst v63  }
0x53: {  	_ = 	snop  }
0x54: {  	[spmem:s0] =	stream.linear.scatter [tilespmem:s7], [sflag:$0xC], $0x1000, $0x38;
	[tilespmem:$0x1CD00] =	vst v63  }
0x55: {  	_ = 	snop  }
0x56: {  	[spmem:s2] =	stream.linear.scatter [tilespmem:s7], [sflag:$0xC], $0x1000, $0x38;
	[tilespmem:$0x1CD00] =	vst v63  }
0x57: {  	_ =	swait.ge [sflag:s8], $0x100  }
0x58: {  	[sflag:s8] =	ssyncset.done $0x0  }
0x59: {  	s16 =	simm.s32 $0x0;
	s18 =	simm.s32 $0x500;
	[sflag:s8] =	ssyncadd.s32 $0xFFFFFF00  }
0x5a: {  	[tilespmem:s18], [sflag:$0x6] =	stream.indirect.gather [hbm4b:s1+s9], $0x80, s16, s9, $0xb8;
	[tilespmem:$0x1CD00] =	vst v63  }
0x5b: {  	_ =	swait.ge [sflag:s11], $0x100  }
0x5c: {  	[sflag:s11] =	ssyncset.done $0x0  }
0x5d: {  	s23 =	simm.s32 $0x2D00;
	[sflag:s11] =	ssyncadd.s32 $0xFFFFFF00  }
0x5e: {  	[tilespmem:s23], [sflag:$0x7] =	stream.indirect.gather [hbm4b:s1+s9], $0x80, s6, s9, $0xb8;
	[tilespmem:$0x1CD00] =	vst v63  }
0x5f: {  	_ =	swait.ge [sflag:s13], $0x1000  }
0x60: {  	[sflag:s13] =	ssyncset.done $0x0  }
0x61: {  	[sflag:s13] =	ssyncadd.s32 $0xFFFFF000  }
0x62: {  	_ =	swait.ge [sflag:s13], $0x1000  }
0x63: {  	[sflag:s13] =	ssyncset.done $0x0  }
0x64: {  	[sflag:s13] =	ssyncadd.s32 $0xFFFFF000  }
0x65: {  	_ =	swait.ge [sflag:s13], $0x1000  }
0x66: {  	[sflag:s13] =	ssyncset.done $0x0  }
0x67: {  	[sflag:s13] =	ssyncadd.s32 $0xFFFFF000  }
0x68: {  	_ =	swait.ge [sflag:s13], $0x1000  }
0x69: {  	[sflag:s13] =	ssyncset.done $0x0  }
0x6a: {  	[sflag:s13] =	ssyncadd.s32 $0xFFFFF000  }
0x6b: {  	_ =	swait.ge [sflag:s13], $0x1000  }
0x6c: {  	[sflag:s13] =	ssyncset.done $0x0  }
0x6d: {  	[sflag:s13] =	ssyncadd.s32 $0xFFFFF000  }
0x6e: {  	_ =	swait.ge [sflag:s13], $0x1000  }
0x6f: {  	[sflag:s13] =	ssyncset.done $0x0  }
0x70: {  	[sflag:s13] =	ssyncadd.s32 $0xFFFFF000  }
0x71: {  	_ =	swait.ge [sflag:s13], $0x1000  }
0x72: {  	[sflag:s13] =	ssyncset.done $0x0  }
0x73: {  	[sflag:s13] =	ssyncadd.s32 $0xFFFFF000  }
0x74: {  	_ =	swait.ge [sflag:s13], $0x1000  }
0x75: {  	[sflag:s13] =	ssyncset.done $0x0  }
0x76: {  	[sflag:s13] =	ssyncadd.s32 $0xFFFFF000  }
0x77: {  	_ =	swait.ge [sflag:s13], $0x1000  }
0x78: {  	[sflag:s13] =	ssyncset.done $0x0  }
0x79: {  	[sflag:s13] =	ssyncadd.s32 $0xFFFFF000  }
0x7a: {  	_ =	swait.ge [sflag:s13], $0x1000  }
0x7b: {  	[sflag:s13] =	ssyncset.done $0x0  }
0x7c: {  	[sflag:s13] =	ssyncadd.s32 $0xFFFFF000  }
0x7d: {  	_ =	swait.ge [sflag:s13], $0x1000  }
0x7e: {  	[sflag:s13] =	ssyncset.done $0x0  }
0x7f: {  	[sflag:s13] =	ssyncadd.s32 $0xFFFFF000  }
0x80: {  	_ =	swait.ge [sflag:s13], $0x1000  }
0x81: {  	[sflag:s13] =	ssyncset.done $0x0  }
0x82: {  	[sflag:s13] =	ssyncadd.s32 $0xFFFFF000  }
0x83: {  	_ =	swait.ge [sflag:s13], $0x1000  }
0x84: {  	[sflag:s13] =	ssyncset.done $0x0  }
0x85: {  	[sflag:s13] =	ssyncadd.s32 $0xFFFFF000  }
0x86: {  	_ =	swait.ge [sflag:s13], $0x1000  }
0x87: {  	[sflag:s13] =	ssyncset.done $0x0  }
0x88: {  	[sflag:s13] =	ssyncadd.s32 $0xFFFFF000  }
0x89: {  	_ =	swait.ge [sflag:s13], $0x1000  }
0x8a: {  	[sflag:s13] =	ssyncset.done $0x0  }
0x8b: {  	[sflag:s13] =	ssyncadd.s32 $0xFFFFF000  }
0x8c: {  	_ =	swait.ge [sflag:s13], $0x1000  }
0x8d: {  	[sflag:s13] =	ssyncset.done $0x0  }
0x8e: {  	[sflag:s13] =	ssyncadd.s32 $0xFFFFF000  }
0x8f: {  	_ =	swait.ge [sflag:s13], $0x1000  }
0x90: {  	[sflag:s13] =	ssyncset.done $0x0  }
0x91: {  	[sflag:s13] =	ssyncadd.s32 $0xFFFFF000  }
0x92: {  	_ =	swait.ge [sflag:s13], $0x1000  }
0x93: {  	[sflag:s13] =	ssyncset.done $0x0  }
0x94: {  	[sflag:s13] =	ssyncadd.s32 $0xFFFFF000  }
0x95: {  	_ =	swait.ge [sflag:s13], $0x1000  }
0x96: {  	[sflag:s13] =	ssyncset.done $0x0  }
0x97: {  	[sflag:s13] =	ssyncadd.s32 $0xFFFFF000  }
.Ltmp1:
0x98: {  	_ =	swait.ge [sflag:s13], $0x1000;
	(pc) =	sbr.rel .LBB2_4-.Ltmp1, $4  }
0x99: {  	[sflag:s13] =	ssyncset.done $0x0  }
0x9a: {  	[sflag:s13] =	ssyncadd.s32 $0xFFFFF000  }
0x9b: {  	[bflag:$0x0] =	sbarrier.arrive $0xFFFF  }
0x9c: {  	s23 =	smov.u32 s17  }
.LBB2_6:
0x9d: {  	s19 =	sadd.s32 $0x4, s16  }
0x9e: {  	s20 =	smul.u32 $0xCD, s19;
	_ =	sdelay $0x1  }
0x9f: {  	s20 =	sshrl.u32 s20, $0xA  }
0xa0: {  	s20 =	sand.u32 $0x3F, s20  }
0xa1: {  	s20 =	smul.u32 $0x5, s20;
	_ =	sdelay $0x1  }
0xa2: {  	s19 =	ssub.s32 s19, s20  }
0xa3: {  	s19 =	sand.u32 $0xFF, s19  }
0xa4: {  	s22 =	sshll.u32 s19, $0x8;
	s19 =	sadd.s32 $0x1, s19  }
0xa5: {  	[tilespmem:s22], [sflag:s19] =	stream.linear.gather [hbm4b:s23+s4], $0x100, $0x38;
	[tilespmem:$0x1CD00] =	vst v63  }
.LBB2_8:
0xa6: {  	s19 =	sadd.s32 $0x2, s16  }
0xa7: {  	s20 =	sand.u32 $0xFF, s19  }
0xa8: {  	s21 =	smul.u32 $0xCD, s20  }
0xa9: {  	s20 =	smul.u32 $0xAB, s20  }
0xaa: {  	s21 =	sshrl.u32 s21, $0xA  }
0xab: {  	s20 =	sshrl.u32 s20, $0x9;
	s21 =	smul.u32 $0x5, s21  }
0xac: {  	s20 =	smul.u32 $0x3, s20;
	_ =	sdelay $0x1  }
0xad: {  	s21 =	ssub.s32 s19, s21;
	s19 =	ssub.s32 s19, s20  }
0xae: {  	s21 =	sand.u32 $0xFF, s21;
	s19 =	sand.u32 $0xFF, s19  }
0xaf: {  	s20 =	sadd.s32 $0x1, s21;
	s22 =	smul.u32 $0xA000, s19  }
0xb0: {  	_ =	swait.ge [sflag:s20], $0x100  }
0xb1: {  	s21 =	sshll.u32 s21, $0x8;
	[sflag:s20] =	ssyncset.done $0x0;
	s22 =	sshrl.u32 s22, $0x2  }
0xb2: {  	s19 =	sadd.s32 $0x6, s19;
	[sflag:s20] =	ssyncadd.s32 $0xFFFFFF00;
	s20 =	sor.u32 $0x500, s22  }
0xb3: {  	[tilespmem:s20], [sflag:s19] =	stream.indirect.gather [hbm4b:s1+s9], $0x80, s21, s9, $0xb8;
	[tilespmem:$0x1CD00] =	vst v63  }
.LBB2_9:
0xb4: {  	s19 =	smul.u32 $0xCD, s16;
	_ =	sdelay $0x1  }
0xb5: {  	s19 =	sshrl.u32 s19, $0xA  }
0xb6: {  	s19 =	sand.u32 $0x3F, s19  }
0xb7: {  	s19 =	smul.u32 $0x5, s19;
	_ =	sdelay $0x1  }
0xb8: {  	s19 =	ssub.s32 s16, s19;
	s16 =	sadd.s32 $0x1, s16  }
0xb9: {  	s20 =	smul.u32 $0xA000, s18;
	p0 =	sne.s32 s16, $0x7D  }
.Ltmp2:
0xba: {  	_ = 	snop;
	(pc) =	sbr.rel @!p0 .LBB2_10-.Ltmp2, $4  }
0xbb: {  	s19 =	sand.u32 $0xFF, s19  }
0xbc: {  	s22 =	sadd.s32 $0x9, s18;
	s20 =	sshrl.u32 s20, $0x2;
	s19 =	sshll.u32 s19, $0x8  }
0xbd: {  	s23 =	sadd.s32 $0x20, s23;
	s20 =	sor.u32 $0x500, s20;
	s19 =	sor.u32 $0x80, s19  }
0xbe: {  	[spmem:s3] =	stream.indirect.scatter.add.f32 [tilespmem:s20], [sflag:s22], $0x80, s19, s9, $0xb8;
	[tilespmem:$0x1CD00] =	vst v63  }
.LBB2_4:
0xbf: {  	s18 =	smul.u32 $0xAB, s16;
	_ =	sdelay $0x1  }
0xc0: {  	s18 =	sshrl.u32 s18, $0x9  }
0xc1: {  	s18 =	sand.u32 $0x7F, s18  }
0xc2: {  	s18 =	smul.u32 $0x3, s18;
	_ =	sdelay $0x1  }
0xc3: {  	p0 =	seq.s32 s16, $0x0;
	s18 =	ssub.s32 s16, s18  }
.Ltmp3:
0xc4: {  	s18 =	sand.u32 $0xFF, s18;
	(pc) =	sbr.rel @p0 .LBB2_8-.Ltmp3, $4  }
0xc5: {  	s19 =	sadd.s32 $0x6, s18  }
0xc6: {  	_ =	swait.ge [sflag:s19], $0x2800  }
0xc7: {  	[sflag:s19] =	ssyncset.done $0x0  }
0xc8: {  	[sflag:s19] =	ssyncadd.s32 $0xFFFFD800  }
0xc9: {  	s19 =	sadd.s32 $0x2, s16  }
0xca: {  	s20 =	sand.u32 $0xFF, s19  }
0xcb: {  	s20 =	smul.u32 $0xAB, s20;
	_ =	sdelay $0x1  }
0xcc: {  	s20 =	sshrl.u32 s20, $0x9  }
0xcd: {  	s20 =	smul.u32 $0x3, s20;
	_ =	sdelay $0x1  }
0xce: {  	p0 =	sgt.u32 s16, $0x78;
	s19 =	ssub.s32 s19, s20  }
.Ltmp4:
0xcf: {  	s19 =	sand.u32 $0xFF, s19;
	(pc) =	sbr.rel @!p0 .LBB2_6-.Ltmp4, $4  }
0xd0: {  	s19 =	sadd.s32 $0x9, s19  }
0xd1: {  	_ =	swait.ge [sflag:s19], $0x2800  }
0xd2: {  	[sflag:s19] =	ssyncset.done $0x0  }
0xd3: {  	[sflag:s19] =	ssyncadd.s32 $0xFFFFD800  }
0xd4: {  	p0 =	sgt.u32 s16, $0x7A  }
.Ltmp5:
0xd5: {  	_ = 	snop;
	(pc) =	sbr.rel @p0 .LBB2_9-.Ltmp5, $4  }
.Ltmp6:
0xd6: {  	_ = 	snop;
	(pc) =	sbr.rel @!p0 .LBB2_8-.Ltmp6, $4  }
0xd7: {  	_ = 	snop  }
0xd8: {  	_ = 	snop  }
0xd9: {  	_ = 	snop  }
0xda: {  	_ = 	snop  }
.LBB2_10:
0xdb: {  	_ =	swait.ge [sflag:s14], $0x2800;
	s16 =	simm.s32 $0x200  }
0xdc: {  	s18 =	stileid.u32;
	s19 =	sadd.s32 $0x0, s25;
	[sflag:s14] =	ssyncset.done $0x0  }
0xdd: {  	s20 =	sshrl.u32 s10, $0x3;
	s18 =	sshll.u32 s18, $0x6;
	[sflag:s14] =	ssyncadd.s32 $0xFFFFD800  }
0xde: {  	s23 =	smov.u32 s12;
	s18 =	sor.u32 $0x1C0C, s18;
	[bflag:$0x0] =	sbarrier.arrive $0xFFFF  }
.LBB2_11:
0xdf: {  	[hbm:s19], [sflag:s18] =	dma.local [spmem:s20], $0x200  }
0xe0: {  	s19 =	smov.u32 s16;
	s20 =	smov.u32 s23;
	p0 =	sne.s32 s16, $0x2600  }
.Ltmp7:
0xe1: {  	s16 =	sadd.s32 $0x200, s16;
	(pc) =	sbr.rel @p0 .LBB2_11-.Ltmp7, $3  }
0xe2: {  	_ =	sdelay $0x1  }
0xe3: {  	s23 =	sadd.s32 $0x1000, s23  }
0xe4: {  	s19 =	sadd.s32 s19, s25;
	s20 =	sshrl.u32 s20, $0x3  }
0xe5: {  	[hbm:s19], [sflag:s18] =	dma.local [spmem:s20], $0x200  }
0xe6: {  	_ =	swait.ge [sflag:s13], $0x200  }
0xe7: {  	[sflag:s13] =	ssyncset.done $0x0  }
0xe8: {  	[sflag:s13] =	ssyncadd.s32 $0xFFFFFE00  }
0xe9: {  	_ =	swait.ge [sflag:s13], $0x200  }
0xea: {  	[sflag:s13] =	ssyncset.done $0x0  }
0xeb: {  	[sflag:s13] =	ssyncadd.s32 $0xFFFFFE00  }
0xec: {  	_ =	swait.ge [sflag:s13], $0x200  }
0xed: {  	[sflag:s13] =	ssyncset.done $0x0  }
0xee: {  	[sflag:s13] =	ssyncadd.s32 $0xFFFFFE00  }
0xef: {  	_ =	swait.ge [sflag:s13], $0x200  }
0xf0: {  	[sflag:s13] =	ssyncset.done $0x0  }
0xf1: {  	[sflag:s13] =	ssyncadd.s32 $0xFFFFFE00  }
0xf2: {  	_ =	swait.ge [sflag:s13], $0x200  }
0xf3: {  	[sflag:s13] =	ssyncset.done $0x0  }
0xf4: {  	[sflag:s13] =	ssyncadd.s32 $0xFFFFFE00  }
0xf5: {  	_ =	swait.ge [sflag:s13], $0x200  }
0xf6: {  	[sflag:s13] =	ssyncset.done $0x0  }
0xf7: {  	[sflag:s13] =	ssyncadd.s32 $0xFFFFFE00  }
0xf8: {  	_ =	swait.ge [sflag:s13], $0x200  }
0xf9: {  	[sflag:s13] =	ssyncset.done $0x0  }
0xfa: {  	[sflag:s13] =	ssyncadd.s32 $0xFFFFFE00  }
0xfb: {  	_ =	swait.ge [sflag:s13], $0x200  }
0xfc: {  	[sflag:s13] =	ssyncset.done $0x0  }
0xfd: {  	[sflag:s13] =	ssyncadd.s32 $0xFFFFFE00  }
0xfe: {  	_ =	swait.ge [sflag:s13], $0x200  }
0xff: {  	[sflag:s13] =	ssyncset.done $0x0  }
0x100: {  	[sflag:s13] =	ssyncadd.s32 $0xFFFFFE00  }
0x101: {  	_ =	swait.ge [sflag:s13], $0x200  }
0x102: {  	[sflag:s13] =	ssyncset.done $0x0  }
0x103: {  	[sflag:s13] =	ssyncadd.s32 $0xFFFFFE00  }
0x104: {  	_ =	swait.ge [sflag:s13], $0x200  }
0x105: {  	[sflag:s13] =	ssyncset.done $0x0  }
0x106: {  	[sflag:s13] =	ssyncadd.s32 $0xFFFFFE00  }
0x107: {  	_ =	swait.ge [sflag:s13], $0x200  }
0x108: {  	[sflag:s13] =	ssyncset.done $0x0  }
0x109: {  	[sflag:s13] =	ssyncadd.s32 $0xFFFFFE00  }
0x10a: {  	_ =	swait.ge [sflag:s13], $0x200  }
0x10b: {  	[sflag:s13] =	ssyncset.done $0x0  }
0x10c: {  	[sflag:s13] =	ssyncadd.s32 $0xFFFFFE00  }
0x10d: {  	_ =	swait.ge [sflag:s13], $0x200  }
0x10e: {  	[sflag:s13] =	ssyncset.done $0x0  }
0x10f: {  	[sflag:s13] =	ssyncadd.s32 $0xFFFFFE00  }
0x110: {  	_ =	swait.ge [sflag:s13], $0x200  }
0x111: {  	[sflag:s13] =	ssyncset.done $0x0  }
0x112: {  	[sflag:s13] =	ssyncadd.s32 $0xFFFFFE00  }
0x113: {  	_ =	swait.ge [sflag:s13], $0x200  }
0x114: {  	[sflag:s13] =	ssyncset.done $0x0  }
0x115: {  	[sflag:s13] =	ssyncadd.s32 $0xFFFFFE00  }
0x116: {  	_ =	swait.ge [sflag:s13], $0x200  }
0x117: {  	[sflag:s13] =	ssyncset.done $0x0  }
0x118: {  	[sflag:s13] =	ssyncadd.s32 $0xFFFFFE00  }
0x119: {  	_ =	swait.ge [sflag:s13], $0x200  }
0x11a: {  	[sflag:s13] =	ssyncset.done $0x0  }
0x11b: {  	[sflag:s13] =	ssyncadd.s32 $0xFFFFFE00  }
0x11c: {  	_ =	swait.ge [sflag:s13], $0x200  }
0x11d: {  	[sflag:s13] =	ssyncset.done $0x0  }
0x11e: {  	[sflag:s13] =	ssyncadd.s32 $0xFFFFFE00  }
0x11f: {  	_ =	swait.ge [sflag:s13], $0x200  }
0x120: {  	s15 =	sadd.s32 $0x1, s15;
	s16 =	rddreg [dreg:$0x8]  }
0x121: {  	p0 =	sne.s32 s15, s16  }
.Ltmp8:
0x122: {  	_ = 	snop;
	(pc) =	sbr.rel @p0 .LBB2_1-.Ltmp8, $3  }
0x123: {  	_ =	sdelay $0x1  }
0x124: {  	[sflag:s13] =	ssyncset.done $0x0  }
0x125: {  	[sflag:s13] =	ssyncadd.s32 $0xFFFFFE00  }
0x126: {  	_ =	sfence.sel $0x180000  }
0x127: {  	[bflag:$0x0] =	sbarrier.arrive $0xFFFF  }
0x128: {  	_ =	strace $0x9000004D  }
0x129: {  	s0 =	stileid.u32;
	[bflag:$0x2] =	sbarrier.arrive $0xFFFF  }
0x12a: {  	p0 =	sne.s32 s0, $0x0;
	s0 =	rddreg [dreg:$0x3]  }
0x12b: {  	s0 =	sadd.s32 @!p0 $0x100000, s0  }
0x12c: {  	[sflag:s0] =	ssyncadd.tile.s32 @!p0 $0x1;
	_ =	shalt  }
.Lfunc_end2:
_tile_overlayer_lowered:
.L_overlay_start_2:
0x12d: {  	(tag) =	ssettag $0x2  }
0x12e: {  	s0 =	rddreg [dreg:$0x0];
	s2 =	stileid.u32  }
0x12f: {  	s1 =	rddreg [dreg:$0x1];
	p0 =	sne.s32 s2, $0x0  }
0x130: {  	s3 =	rddreg [dreg:$0x2];
	[bflag:$0x3] =	sbarrier.arrive $0xFFFF;
	s2 =	simm.s32 @!p0 $0x1C0D  }
0x131: {  	[timem:s3], [sflag:s2] =	dma.local @!p0 [hbm:s0], s1  }
0x132: {  	s0 =	simm.s32 @!p0 $0xD  }
0x133: {  	_ =	swait.ge @!p0 [sflag:s0], s1  }
0x134: {  	s1 =	ssub.s32 @!p0 $0x0, s1;
	[sflag:s0] =	ssyncset.done @!p0 $0x0  }
0x135: {  	[sflag:s0] =	ssyncadd.s32 @!p0 s1  }
0x136: {  	[bflag:$0x3] =	sbarrier.arrive $0xFFFF  }
0x137: {  	_ =	shalt  }

// kernel: kernel.8.cloned.1.call-start
scs
__scs_entry_jumppad:
0x0: {  	(pc) =	sbr.rel $0x88, $3  }
0x1: {  	(tag) =	ssettag $0x0;
	lr =	simm.s32 $0x1  }
0x2: {  	[smem:$0x3F9B] =	sst lr;
	_ =	strace $0xD0000000  }
0x3: {  	_ = 	snop  }
0x4: {  	_ = 	snop  }
0x5: {  	_ = 	snop  }
0x6: {  	_ = 	snop  }
0x7: {  	_ = 	snop  }
__scs_overlays_trampoline_lowered:
0x8: {  	[smem:$0x3FAA] =	sst s0  }
0x9: {  	[smem:$0x3FAB] =	sst s1  }
0xa: {  	[smem:$0x3FAC] =	sst s2  }
0xb: {  	[smem:$0x3FAD] =	sst s3  }
0xc: {  	[smem:$0x3FAE] =	sst s4  }
0xd: {  	[smem:$0x3FAF] =	sst s5  }
0xe: {  	[smem:$0x3FB0] =	sst s6  }
0xf: {  	[smem:$0x3FB1] =	sst s7  }
0x10: {  	[smem:$0x3FB2] =	sst s8  }
0x11: {  	[smem:$0x3FB3] =	sst s9;
	s0 =	simm.s32 @!p0 $0x0  }
0x12: {  	s1 =	sld [smem:$0x3F99];
	s0 =	simm.s32 @p0 $0x1  }
0x13: {  	[smem:$0x3FB4] =	sst s0;
	s0 =	simm.s32 @!p1 $0x0  }
0x14: {  	s2 =	sld [smem:$0x3F98];
	s0 =	simm.s32 @p1 $0x1  }
0x15: {  	[smem:$0x3FB5] =	sst s0;
	s0 =	simm.s32 @!p2 $0x0  }
0x16: {  	s3 =	sld [smem:$0x3FDB];
	s0 =	simm.s32 @p2 $0x1  }
0x17: {  	s4 =	simm.s32 $0x1BF5;
	[smem:$0x3FB7] =	sst s0  }
0x18: {  	s0 =	sld [smem:$0x3F9A];
	_ =	swait.ge [sflag:s4], $0x0  }
0x19: {  	s7 =	sld [smem:$0x3F9B]  }
0x1a: {  	s8 =	sadd.s32 $0xFFFFE003, lr  }
0x1b: {  	s9 =	sadd.s32 $0xFFFFFEF7, lr;
	s5 =	simm.s32 $0xFFFFFFFF;
	p2 =	slt.u32 s8, $0xFFFFF086  }
0x1c: {  	p1 =	slt.u32 s9, $0xF7A;
	s5 =	simm.s32 @!p2 $0x0  }
0x1d: {  	s5 =	simm.s32 @p1 $0x1;
	p0 =	seq.s32 s7, s2  }
0x1e: {  	s7 =	smul.u32 @!p0 $0xF7A, s2;
	p2 =	seq.s32 @!p0 s5, $0x0  }
0x1f: {  	s9 =	smul.u32 $0xF7A, s1;
	s8 =	simm.s32 @!p0 $0x1BF5;
	p2 =	por !p2, p0  }
0x20: {  	[sflag:s8] =	ssyncset.s32 @!p0 $0xFFFFF086;
	s6 =	sadd.s32 @!p0 s3, s7;
	s7 =	simm.s32 @!p0 $0x108  }
0x21: {  	s3 =	sadd.s32 s3, s9;
	s6 =	sadd.s32 @!p0 $0x88, s6;
	s7 =	simm.s32 @p2 $0x1082  }
0x22: {  	[simem:s7], [sflag:s8] =	dma.local @!p0 [hbm:s6], $0xF7A  }
0x23: {  	s9 =	sor.u32 $0xD0000000, s2;
	s6 =	simm.s32 $0x108;
	_ =	swait.ge @!p0 [sflag:s8], $0x0  }
0x24: {  	s3 =	sadd.s32 $0x88, s3;
	s6 =	simm.s32 @!p1 $0x1082;
	[sflag:s4] =	ssyncset.s32 $0xFFFFF086  }
0x25: {  	[simem:s6], [sflag:s4] =	dma.local [hbm:s3], $0xF7A  }
0x26: {  	[smem:$0x3F9B] =	sst s1;
	(tag) =	ssettag s2;
	_ =	strace s9  }
0x27: {  	s1 =	sld [smem:$0x3FAB]  }
0x28: {  	s2 =	sld [smem:$0x3FAC]  }
0x29: {  	s4 =	sld [smem:$0x3FAE]  }
0x2a: {  	p0 =	seq.s32 s5, $0x0;
	s5 =	sld [smem:$0x3FAF]  }
0x2b: {  	s6 =	sld [smem:$0x3FB0]  }
0x2c: {  	s7 =	sld [smem:$0x3FB1]  }
0x2d: {  	s3 =	simm.s32 $0x108;
	s8 =	sld [smem:$0x3FB2]  }
0x2e: {  	s3 =	simm.s32 @!p0 $0x1082;
	s9 =	sld [smem:$0x3FB3]  }
0x2f: {  	lr =	sadd.s32 s0, s3;
	s0 =	sld [smem:$0x3FAA]  }
0x30: {  	s3 =	sld [smem:$0x3FAD]  }
0x31: {  	[smem:$0x3FB6] =	sst s10  }
0x32: {  	s10 =	sld [smem:$0x3FB4];
	_ =	sdelay $0x3  }
0x33: {  	p0 =	seq.s32 s10, $0x1;
	s10 =	sld [smem:$0x3FB6];
	_ =	sdelay $0x3  }
0x34: {  	[smem:$0x3FB6] =	sst s10  }
0x35: {  	s10 =	sld [smem:$0x3FB5];
	_ =	sdelay $0x3  }
0x36: {  	p1 =	seq.s32 s10, $0x1;
	s10 =	sld [smem:$0x3FB6];
	_ =	sdelay $0x3  }
0x37: {  	[smem:$0x3FB6] =	sst s10  }
0x38: {  	s10 =	sld [smem:$0x3FB7]  }
0x39: {  	_ = 	snop;
	(pc) =	sbr.ind lr, $3  }
0x3a: {  	_ = 	snop  }
0x3b: {  	_ = 	snop  }
0x3c: {  	p2 =	seq.s32 s10, $0x1;
	s10 =	sld [smem:$0x3FB6]  }
0x3d: {  	_ =	shalt  }
0x3e: {  	_ =	shalt  }
0x3f: {  	_ =	shalt  }
0x40: {  	_ =	shalt  }
0x41: {  	_ =	shalt  }
0x42: {  	_ =	shalt  }
0x43: {  	_ =	shalt  }
0x44: {  	_ =	shalt  }
0x45: {  	_ =	shalt  }
0x46: {  	_ =	shalt  }
0x47: {  	_ =	shalt  }
0x48: {  	_ =	shalt  }
0x49: {  	_ =	shalt  }
0x4a: {  	_ =	shalt  }
0x4b: {  	_ =	shalt  }
0x4c: {  	_ =	shalt  }
0x4d: {  	_ =	shalt  }
0x4e: {  	_ =	shalt  }
0x4f: {  	_ =	shalt  }
0x50: {  	_ =	shalt  }
0x51: {  	_ =	shalt  }
0x52: {  	_ =	shalt  }
0x53: {  	_ =	shalt  }
0x54: {  	_ =	shalt  }
0x55: {  	_ =	shalt  }
0x56: {  	_ =	shalt  }
0x57: {  	_ =	shalt  }
0x58: {  	_ =	shalt  }
0x59: {  	_ =	shalt  }
0x5a: {  	_ =	shalt  }
0x5b: {  	_ =	shalt  }
0x5c: {  	_ =	shalt  }
0x5d: {  	_ =	shalt  }
0x5e: {  	_ =	shalt  }
0x5f: {  	_ =	shalt  }
0x60: {  	_ =	shalt  }
0x61: {  	_ =	shalt  }
0x62: {  	_ =	shalt  }
0x63: {  	_ =	shalt  }
0x64: {  	_ =	shalt  }
0x65: {  	_ =	shalt  }
0x66: {  	_ =	shalt  }
0x67: {  	_ =	shalt  }
0x68: {  	_ =	shalt  }
0x69: {  	_ =	shalt  }
0x6a: {  	_ =	shalt  }
0x6b: {  	_ =	shalt  }
0x6c: {  	_ =	shalt  }
0x6d: {  	_ =	shalt  }
0x6e: {  	_ =	shalt  }
0x6f: {  	_ =	shalt  }
0x70: {  	_ =	shalt  }
0x71: {  	_ =	shalt  }
0x72: {  	_ =	shalt  }
0x73: {  	_ =	shalt  }
0x74: {  	_ =	shalt  }
0x75: {  	_ =	shalt  }
0x76: {  	_ =	shalt  }
0x77: {  	_ =	shalt  }
0x78: {  	_ =	shalt  }
0x79: {  	_ =	shalt  }
0x7a: {  	_ =	shalt  }
0x7b: {  	_ =	shalt  }
0x7c: {  	_ =	shalt  }
0x7d: {  	_ =	shalt  }
0x7e: {  	_ =	shalt  }
0x7f: {  	_ =	shalt  }
0x80: {  	_ =	shalt  }
0x81: {  	_ =	shalt  }
0x82: {  	_ =	shalt  }
0x83: {  	_ =	shalt  }
0x84: {  	_ =	shalt  }
0x85: {  	_ =	shalt  }
0x86: {  	_ =	shalt  }
0x87: {  	_ =	shalt  }
.Lfunc_end0:
.L_simem_size_0:
called_computation_lowered:
.L_overlay_start_0:
0x88: {  	s2 =	sld [smem:$0x3FD9]  }
0x89: {  	s3 =	sld [smem:$0x3FFE];
	_ =	sdelay $0x1  }
0x8a: {  	s1 =	srdreg.scid  }
0x8b: {  	s0 =	sand.u32 $0x1, s1  }
0x8c: {  	s17 =	sshll.u32 s0, $0xA;
	s2 =	sadd.s32 s3, s2  }
0x8d: {  	s2 =	sadd.s32 s2, s17  }
0x8e: {  	[smem:$0x3FC2] =	sst s2  }
0x8f: {  	_ = 	snop  }
0x90: {  	s2 =	sld [smem:$0x3FD0];
	(tm) =	ssettm $0x1  }
0x91: {  	s18 =	sld [smem:$0x3FFB];
	_ =	sdelay $0x3  }
0x92: {  	_ =	strace s18  }
0x93: {  	s3 =	sld [smem:$0x3FFC];
	_ =	sdelay $0x3  }
0x94: {  	_ =	strace s3  }
0x95: {  	s3 =	sld [smem:$0x3FFD];
	_ =	sdelay $0x3  }
0x96: {  	_ =	strace s3  }
0x97: {  	_ =	strace $0x8FFFFFFF  }
0x98: {  	s19 =	sld [smem:$0x3FDB];
	_ =	sdelay $0x1  }
0x99: {  	s4 =	simm.s32 $_scs_section_size  }
0x9a: {  	s5 =	simm.s32 $_size__tile_overlayer_lowered;
	s6 =	simm.s32 $_tile_overlayer_lowered  }
0x9b: {  	s22 =	simm.s32 $0x1BFF;
	s21 =	sshll.u32 s6, $0x1;
	s3 =	sadd.s32 s4, s19  }
0x9c: {  	s7 =	simm.s32 $0x0;
	s20 =	sshll.u32 s5, $0x1;
	s5 =	sadd.s32 s21, s3  }
0x9d: {  	[timem:s7], [sflag:s22] =	dma.local [hbm:s5], s20  }
0x9e: {  	_ =	swait.ge [sflag:s22], s20  }
0x9f: {  	s4 =	ssub.s32 $0x0, s20;
	[sflag:s22] =	ssyncset.done $0x0  }
0xa0: {  	[sflag:s22] =	ssyncadd.s32 s4;
	_ =	sdelay $0x1  }
0xa1: {  	s23 =	simm.s32 $0x1B8B  }
0xa2: {  	_ =	swait.ge [sflag:s23], $0x1  }
0xa3: {  	[sflag:s23] =	ssyncset.done $0x0  }
0xa4: {  	s25 =	simm.s32 $0x1B8E;
	s24 =	sld [smem:$0x3FFE];
	[sflag:s23] =	ssyncadd.s32 $0xFFFFFFFF  }
0xa5: {  	s26 =	simm.s32 $execute0_lowered;
	[smem:$0x3FD2] =	sst s25  }
0xa6: {  	s5 =	sshll.u32 s26, $0x1;
	_ =	strace $0x80000046;
	[dreg:$0x1] =	wrdreg $0xFFFFFFFF  }
0xa7: {  	s28 =	simm.s32 $_size_execute0_lowered;
	s3 =	sadd.s32 s3, s5;
	[dreg:$0x0] =	wrdreg $0x0  }
0xa8: {  	s5 =	sshll.u32 s28, $0x1;
	[dreg:$0x2] =	wrdreg s3  }
0xa9: {  	[dreg:$0x3] =	wrdreg s5  }
0xaa: {  	[dreg:$0x4] =	wrdreg $0xC0  }
0xab: {  	_ =	task [dreg:s7], $0x5FFFF  }
0xac: {  	[dreg:$0x1] =	wrdreg $0xFFFFFFFF  }
0xad: {  	[dreg:$0x0] =	wrdreg $0x60  }
0xae: {  	[dreg:$0x2] =	wrdreg s2  }
0xaf: {  	[dreg:$0x3] =	wrdreg s24  }
0xb0: {  	[dreg:$0x4] =	wrdreg $0x83000  }
0xb1: {  	[dreg:$0x5] =	wrdreg $0x85800  }
0xb2: {  	[dreg:$0x6] =	wrdreg $0x9  }
0xb3: {  	_ =	task.clear_ibuf [dreg:s7], $0x7FFFF;
	_ =	strace $0x90000046  }
0xb4: {  	s29 =	simm.s32 $0x9;
	_ =	strace $0x80000048  }
0xb5: {  	_ =	swait.ge [sflag:s29], $0x1  }
0xb6: {  	[sflag:s29] =	ssyncadd.s32 $0xFFFFFFFF  }
0xb7: {  	_ =	strace $0x90000048  }
0xb8: {  	_ =	sfence  }
0xb9: {  	s30 =	sld [smem:$0x0];
	_ =	sdelay $0x2  }
0xba: {  	s31 =	sshll.u32 s1, $0xD;
	s1 =	sshrl.u32 s1, $0x2  }
0xbb: {  	s3 =	sand.u32 $0x4000, s31;
	s1 =	sadd.s32 s1, s30  }
0xbc: {  	s0 =	sor.u32 s3, s0;
	s1 =	sshll.u32 s1, $0x11  }
0xbd: {  	s0 =	sor.u32 s1, s0  }
0xbe: {  	s0 =	sadd.s32 $0x8F2B, s0  }
0xbf: {  	[sflag:s0] =	ssyncadd.remote.s32 $0x1  }
0xc0: {  	_ =	sfence.sel $0xFFFF  }
0xc1: {  	[dreg:$0x0] =	wrdreg $0xFFFFFFFF;
	(pc) =	sbr.abs _section_cstart, $3  }
0xc2: {  	[dreg:$0x1] =	wrdreg $0xFFFFFFFF  }
0xc3: {  	_ =	task.clear_ibuf [dreg:s7], $0x2FFFF;
	_ =	strace $0x9FFFFFFF  }
0xc4: {  	(tm) =	ssettm $0x7FFFFFFF  }
0xc5: {  	_ =	shalt  }
tec
execute0_lowered:
.L_overlay_start_1:
0x0: {  	(tag) =	ssettag $0x1  }
0x1: {  	s0 =	rddreg [dreg:$0x0]  }
0x2: {  	s1 =	rddreg [dreg:$0x1]  }
0x3: {  	s3 =	srdreg.scid;
	s2 =	rddreg [dreg:$0x2]  }
0x4: {  	s9 =	stileid.u32;
	s7 =	simm.s32 $0x0;
	s12 =	simm.s32 $0x6  }
0x5: {  	s13 =	simm.s32 $0x4000;
	s14 =	simm.s32 $0x8080;
	s15 =	simm.s32 $0x50  }
0x6: {  	s16 =	simm.s32 $0x8000;
	s19 =	simm.s32 $0x100;
	s20 =	simm.s32 $0x4100  }
0x7: {  	s21 =	simm.s32 $0x180;
	s22 =	simm.s32 $0x4180;
	s23 =	simm.s32 $0x1  }
0x8: {  	s24 =	simm.s32 $0x2;
	s25 =	simm.s32 $0x4;
	s28 =	simm.s32 $0x20  }
0x9: {  	s29 =	simm.s32 $0x10;
	s4 =	sand.u32 $0x1, s3;
	s6 =	smul.u32 $0x500, s9  }
0xa: {  	s3 =	rddreg [dreg:$0x3];
	s31 =	sshll.u32 s9, $0xB;
	s9 =	smul.u32 $0x280, s9  }
0xb: {  	s30 =	simm.s32 $0x0;
	[smem:$0x7FF] =	sst s7;
	s5 =	smul.u32 $0x5000, s4  }
0xc: {  	_ =	strace $0x80000047;
	s26 =	ssub.s32 $0x2, s4;
	s4 =	sshll.u32 s4, $0xF  }
.Ltmp0:
0xd: {  	s8 =	sshrl.u32 s26, $0x1;
	s4 =	sor.u32 s31, s4;
	(pc) =	sbr.rel .LBB2_1-.Ltmp0, $4  }
0xe: {  	s7 =	sadd.s32 s9, s2;
	s5 =	sadd.s32 s6, s5;
	s11 =	ssub.s32 s26, s8  }
0xf: {  	s8 =	sadd.s32 s9, s3;
	s26 =	simm.s32 $0x5;
	s5 =	sshrl.u32 s5, $0x3  }
0x10: {  	s11 =	smax.u32 s11, $0x1;
	s1 =	sadd.s32 s5, s1;
	s5 =	sadd.s32 s0, s4  }
0x11: {  	v0 =	vimm.f32 $0.0e+00;
	v1 =	vimm.f32 $1.000000000e+00;
	s6 =	sadd.s32 $0x10000, s5;
	s9 =	sadd.s32 $0x2600, s1;
	s10 =	sadd.s32 $0x2610, s1  }
.LBB2_6:
0x12: {  	_ =	swait.ge [sflag:s26], $0x50  }
0x13: {  	[sflag:s26] =	ssyncset.done $0x0  }
0x14: {  	[sflag:s26] =	ssyncadd.s32 $0xFFFFFFB0  }
0x15: {  	_ =	swait.ge [sflag:s26], $0x50  }
0x16: {  	s0 =	stileid.u32;
	[sflag:s26] =	ssyncset.done $0x0  }
0x17: {  	s0 =	sshll.u32 s0, $0x6;
	[sflag:s26] =	ssyncadd.s32 $0xFFFFFFB0  }
0x18: {  	s1 =	sshrl.u32 s7, $0x3;
	s0 =	sor.u32 $0x1C06, s0;
	[bflag:$0x0] =	sbarrier.arrive $0xFFFF  }
0x19: {  	[hbm:s9@s28], [sflag:s0] =	dma.strided [spmem:s1@s29], $0x50, s23, $0x10   }
0x1a: {  	s30 =	sadd.s32 $0x1, s30;
	_ =	swait.ge [sflag:s12], $0x50  }
0x1b: {  	p0 =	sne.s32 s30, s11;
	[sflag:s12] =	ssyncset.done $0x0  }
.Ltmp1:
0x1c: {  	s31 =	sshrl.u32 s8, $0x3;
	[sflag:s12] =	ssyncadd.s32 $0xFFFFFFB0;
	(pc) =	sbr.rel @!p0 .LBB2_7-.Ltmp1, $4  }
0x1d: {  	[hbm:s10@s28], [sflag:s0] =	dma.strided [spmem:s31@s29], $0x50, s23, $0x10   }
0x1e: {  	_ =	swait.ge [sflag:s12], $0x50  }
0x1f: {  	[sflag:s12] =	ssyncset.done $0x0  }
0x20: {  	[sflag:s12] =	ssyncadd.s32 $0xFFFFFFB0  }
.LBB2_1:
0x21: {  	s0 =	simm.s32 $0x0  }
0x22: {  	s0 =	smul.u32 $0xCD, s0;
	_ =	sdelay $0x1  }
0x23: {  	s0 =	sshrl.u32 s0, $0xA  }
0x24: {  	s0 =	sand.u32 $0x3F, s0  }
0x25: {  	s1 =	simm.s32 $0x1;
	s0 =	smul.u32 $0x5, s0  }
0x26: {  	s4 =	smul.u32 $0xCD, s1  }
0x27: {  	s0 =	ssub.s32 $0x0, s0  }
0x28: {  	s4 =	sshrl.u32 s4, $0xA;
	s0 =	sand.u32 $0xFF, s0  }
0x29: {  	[tilespmem:s14+$0x0] =	vst v0;
	s31 =	sand.u32 $0x3F, s4;
	s0 =	sshll.u32 s0, $0x4  }
0x2a: {  	s4 =	simm.s32 $0x2;
	[tilespmem:s0+$0x8000] =	vst v1;
	s0 =	smul.u32 $0x5, s31;
	s31 =	simm.s32 $0x8080  }
.LBB2_2:
0x2b: {  	s17 =	smul.u32 $0xCD, s4;
	s18 =	smov.u32 s4;
	p0 =	sne.s32 s4, $0x27  }
.Ltmp2:
0x2c: {  	s4 =	sadd.s32 $0x1, s4;
	s0 =	ssub.s32 s1, s0;
	(pc) =	sbr.rel @p0 .LBB2_2-.Ltmp2, $4  }
0x2d: {  	s31 =	sadd.s32 $0x10, s31;
	s1 =	smov.u32 s18;
	s0 =	sand.u32 $0xFF, s0  }
0x2e: {  	s17 =	sshrl.u32 s17, $0xA;
	[tilespmem:s31+$0x0] =	vst v0;
	s0 =	sshll.u32 s0, $0x4  }
0x2f: {  	s17 =	sand.u32 $0x3F, s17;
	[tilespmem:s0+$0x8000] =	vst v1  }
0x30: {  	s0 =	smul.u32 $0x5, s17  }
0x31: {  	_ = 	snop  }
0x32: {  	s0 =	ssub.s32 s1, s0  }
0x33: {  	s4 =	sadd.s32 $0x10, s31;
	s0 =	sand.u32 $0xFF, s0  }
0x34: {  	[tilespmem:s4+$0x0] =	vst v0;
	s0 =	sshll.u32 s0, $0x4  }
0x35: {  	s31 =	simm.s32 $0x0;
	[tilespmem:s0+$0x8000] =	vst v1  }
0x36: {  	[tilespmem:s31], [sflag:$0x6] =	stream.linear.gather [hbm4b:s5+s31], $0x3E80, $0x38;
	[tilespmem:$0x8800] =	vst v63  }
0x37: {  	_ =	swait.ge [sflag:s12], $0x3E80  }
0x38: {  	[sflag:s12] =	ssyncset.done $0x0  }
0x39: {  	[sflag:s12] =	ssyncadd.s32 $0xFFFFC180  }
0x3a: {  	[tilespmem:s13], [sflag:$0x6] =	stream.linear.gather [hbm4b:s6+s31], $0x3E80, $0x38;
	[tilespmem:$0x8800] =	vst v63  }
0x3b: {  	_ =	swait.ge [sflag:s12], $0x3E80  }
0x3c: {  	[sflag:s12] =	ssyncset.done $0x0  }
0x3d: {  	[sflag:s12] =	ssyncadd.s32 $0xFFFFC180  }
0x3e: {  	[spmem:s7] =	stream.linear.scatter [tilespmem:s14], [sflag:$0x6], $0x280, $0x38;
	[tilespmem:$0x8800] =	vst v63  }
0x3f: {  	_ =	swait.ge [sflag:s12], $0x280  }
0x40: {  	[sflag:s12] =	ssyncset.done $0x0  }
0x41: {  	[sflag:s12] =	ssyncadd.s32 $0xFFFFFD80  }
0x42: {  	[spmem:s8] =	stream.linear.scatter [tilespmem:s14], [sflag:$0x6], $0x280, $0x38;
	[tilespmem:$0x8800] =	vst v63  }
0x43: {  	_ =	swait.ge [sflag:s12], $0x280  }
0x44: {  	[sflag:s12] =	ssyncset.done $0x0  }
0x45: {  	[sflag:s12] =	ssyncadd.s32 $0xFFFFFD80  }
0x46: {  	[bflag:$0x0] =	sbarrier.arrive $0xFFFF  }
0x47: {  	[spmem:s2] =	stream.indirect.scatter.add.f32 [tilespmem:s16], [sflag:$0x1], $0x1, s31, s15, $0xb8;
	[tilespmem:$0x8800] =	vst v63  }
0x48: {  	_ = 	snop  }
0x49: {  	[spmem:s3] =	stream.indirect.scatter.add.f32 [tilespmem:s16], [sflag:$0x1], $0x1, s13, s15, $0xb8;
	[tilespmem:$0x8800] =	vst v63  }
0x4a: {  	s17 =	simm.s32 $0x80  }
0x4b: {  	[spmem:s2] =	stream.indirect.scatter.add.f32 [tilespmem:s16], [sflag:$0x2], $0x1, s17, s15, $0xb8;
	[tilespmem:$0x8800] =	vst v63  }
0x4c: {  	s18 =	simm.s32 $0x4080  }
0x4d: {  	[spmem:s3] =	stream.indirect.scatter.add.f32 [tilespmem:s16], [sflag:$0x2], $0x1, s18, s15, $0xb8;
	[tilespmem:$0x8800] =	vst v63  }
0x4e: {  	_ = 	snop  }
0x4f: {  	[spmem:s2] =	stream.indirect.scatter.add.f32 [tilespmem:s16], [sflag:$0x3], $0x1, s19, s15, $0xb8;
	[tilespmem:$0x8800] =	vst v63  }
0x50: {  	_ = 	snop  }
0x51: {  	[spmem:s3] =	stream.indirect.scatter.add.f32 [tilespmem:s16], [sflag:$0x3], $0x1, s20, s15, $0xb8;
	[tilespmem:$0x8800] =	vst v63  }
0x52: {  	_ = 	snop  }
0x53: {  	[spmem:s2] =	stream.indirect.scatter.add.f32 [tilespmem:s16], [sflag:$0x4], $0x1, s21, s15, $0xb8;
	[tilespmem:$0x8800] =	vst v63  }
0x54: {  	_ = 	snop  }
0x55: {  	[spmem:s3] =	stream.indirect.scatter.add.f32 [tilespmem:s16], [sflag:$0x4], $0x1, s22, s15, $0xb8;
	[tilespmem:$0x8800] =	vst v63  }
.LBB2_4:
0x56: {  	_ =	swait.ge [sflag:s23], $0x50  }
0x57: {  	[sflag:s23] =	ssyncset.done $0x0  }
0x58: {  	[sflag:s23] =	ssyncadd.s32 $0xFFFFFFB0  }
0x59: {  	_ =	swait.ge [sflag:s23], $0x50  }
0x5a: {  	s1 =	sshra.s32 s31, $0x2;
	[sflag:s23] =	ssyncset.done $0x0  }
0x5b: {  	s0 =	sadd.s32 $0x200, s1;
	[sflag:s23] =	ssyncadd.s32 $0xFFFFFFB0  }
0x5c: {  	[spmem:s2] =	stream.indirect.scatter.add.f32 [tilespmem:s16], [sflag:$0x5], $0x1, s0, s15, $0xb8;
	[tilespmem:$0x8800] =	vst v63  }
0x5d: {  	s18 =	sadd.s32 $0x4200, s1  }
0x5e: {  	[spmem:s3] =	stream.indirect.scatter.add.f32 [tilespmem:s16], [sflag:$0x5], $0x1, s18, s15, $0xb8;
	[tilespmem:$0x8800] =	vst v63  }
0x5f: {  	_ =	swait.ge [sflag:s24], $0x50  }
0x60: {  	[sflag:s24] =	ssyncset.done $0x0  }
0x61: {  	[sflag:s24] =	ssyncadd.s32 $0xFFFFFFB0  }
0x62: {  	_ =	swait.ge [sflag:s24], $0x50  }
0x63: {  	p0 =	seq.s32 s31, $0xF000;
	[sflag:s24] =	ssyncset.done $0x0  }
0x64: {  	s0 =	simm.s32 @p0 $0x3;
	[sflag:s24] =	ssyncadd.s32 $0xFFFFFFB0  }
0x65: {  	_ =	swait.ge @p0 [sflag:s0], $0x50  }
0x66: {  	[sflag:s0] =	ssyncset.done @p0 $0x0  }
0x67: {  	[sflag:s0] =	ssyncadd.s32 @p0 $0xFFFFFFB0  }
0x68: {  	_ =	swait.ge @p0 [sflag:s0], $0x50  }
0x69: {  	[sflag:s0] =	ssyncset.done @p0 $0x0  }
0x6a: {  	[sflag:s0] =	ssyncadd.s32 @p0 $0xFFFFFFB0;
	s0 =	sshra.s32 @!p0 s31, $0x2  }
0x6b: {  	s17 =	simm.s32 @!p0 $0x50;
	s18 =	simm.s32 @!p0 $0x8000;
	s4 =	sadd.s32 @!p0 $0x280, s0  }
0x6c: {  	[spmem:s2] =	stream.indirect.scatter.add.f32 @!p0 [tilespmem:s18], [sflag:$0x1], $0x1, s4, s17, $0xb8;
	[tilespmem:$0x8800] =	vst v63  }
0x6d: {  	s4 =	sadd.s32 @!p0 $0x4280, s0  }
0x6e: {  	[spmem:s3] =	stream.indirect.scatter.add.f32 @!p0 [tilespmem:s18], [sflag:$0x1], $0x1, s4, s17, $0xb8;
	[tilespmem:$0x8800] =	vst v63  }
0x6f: {  	s4 =	simm.s32 @!p0 $0x3  }
0x70: {  	_ =	swait.ge @!p0 [sflag:s4], $0x50  }
0x71: {  	[sflag:s4] =	ssyncset.done @!p0 $0x0  }
0x72: {  	[sflag:s4] =	ssyncadd.s32 @!p0 $0xFFFFFFB0  }
0x73: {  	_ =	swait.ge @!p0 [sflag:s4], $0x50  }
0x74: {  	[sflag:s4] =	ssyncset.done @!p0 $0x0  }
0x75: {  	[sflag:s4] =	ssyncadd.s32 @!p0 $0xFFFFFFB0;
	s4 =	sadd.s32 @!p0 $0x300, s0  }
0x76: {  	[spmem:s2] =	stream.indirect.scatter.add.f32 @!p0 [tilespmem:s18], [sflag:$0x2], $0x1, s4, s17, $0xb8;
	[tilespmem:$0x8800] =	vst v63  }
0x77: {  	s0 =	sadd.s32 @!p0 $0x4300, s0  }
0x78: {  	[spmem:s3] =	stream.indirect.scatter.add.f32 @!p0 [tilespmem:s18], [sflag:$0x2], $0x1, s0, s17, $0xb8;
	[tilespmem:$0x8800] =	vst v63  }
0x79: {  	_ =	swait.ge [sflag:s25], $0x50  }
.Ltmp3:
0x7a: {  	[sflag:s25] =	ssyncset.done $0x0;
	(pc) =	sbr.rel @p0 .LBB2_6-.Ltmp3, $4  }
0x7b: {  	[sflag:s25] =	ssyncadd.s32 $0xFFFFFFB0  }
0x7c: {  	_ =	swait.ge [sflag:s25], $0x50  }
0x7d: {  	[sflag:s25] =	ssyncset.done $0x0  }
0x7e: {  	[sflag:s25] =	ssyncadd.s32 $0xFFFFFFB0  }
0x7f: {  	s0 =	sadd.s32 $0x380, s1  }
0x80: {  	[spmem:s2] =	stream.indirect.scatter.add.f32 [tilespmem:s16], [sflag:$0x3], $0x1, s0, s15, $0xb8;
	[tilespmem:$0x8800] =	vst v63  }
0x81: {  	s4 =	sadd.s32 $0x4380, s1  }
0x82: {  	[spmem:s3] =	stream.indirect.scatter.add.f32 [tilespmem:s16], [sflag:$0x3], $0x1, s4, s15, $0xb8;
	[tilespmem:$0x8800] =	vst v63  }
0x83: {  	_ =	swait.ge [sflag:s26], $0x50  }
0x84: {  	[sflag:s26] =	ssyncset.done $0x0  }
0x85: {  	[sflag:s26] =	ssyncadd.s32 $0xFFFFFFB0  }
0x86: {  	_ =	swait.ge [sflag:s26], $0x50  }
.Ltmp4:
0x87: {  	[sflag:s26] =	ssyncset.done $0x0;
	(pc) =	sbr.rel .LBB2_4-.Ltmp4, $4  }
0x88: {  	s17 =	sadd.s32 $0x400, s1;
	[sflag:s26] =	ssyncadd.s32 $0xFFFFFFB0  }
0x89: {  	[spmem:s2] =	stream.indirect.scatter.add.f32 [tilespmem:s16], [sflag:$0x4], $0x1, s17, s15, $0xb8;
	[tilespmem:$0x8800] =	vst v63  }
0x8a: {  	s18 =	sadd.s32 $0x4400, s1;
	s31 =	sadd.s32 $0xA00, s31  }
0x8b: {  	[spmem:s3] =	stream.indirect.scatter.add.f32 [tilespmem:s16], [sflag:$0x4], $0x1, s18, s15, $0xb8;
	[tilespmem:$0x8800] =	vst v63  }
.LBB2_7:
0x8c: {  	_ =	sfence.sel $0x180000  }
0x8d: {  	[bflag:$0x0] =	sbarrier.arrive $0xFFFF  }
0x8e: {  	_ =	strace $0x90000047  }
0x8f: {  	s0 =	stileid.u32;
	[bflag:$0x2] =	sbarrier.arrive $0xFFFF  }
0x90: {  	p0 =	sne.s32 s0, $0x0;
	s0 =	rddreg [dreg:$0x4]  }
0x91: {  	s0 =	sadd.s32 @!p0 $0x100000, s0  }
0x92: {  	[sflag:s0] =	ssyncadd.tile.s32 @!p0 $0x1;
	_ =	shalt  }
.Lfunc_end2:
_tile_overlayer_lowered:
.L_overlay_start_2:
0x93: {  	(tag) =	ssettag $0x2  }
0x94: {  	s0 =	rddreg [dreg:$0x0];
	s2 =	stileid.u32  }
0x95: {  	s1 =	rddreg [dreg:$0x1];
	p0 =	sne.s32 s2, $0x0  }
0x96: {  	s3 =	rddreg [dreg:$0x2];
	[bflag:$0x3] =	sbarrier.arrive $0xFFFF;
	s2 =	simm.s32 @!p0 $0x1C06  }
0x97: {  	[timem:s3], [sflag:s2] =	dma.local @!p0 [hbm:s0], s1  }
0x98: {  	s0 =	simm.s32 @!p0 $0x6  }
0x99: {  	_ =	swait.ge @!p0 [sflag:s0], s1  }
0x9a: {  	s1 =	ssub.s32 @!p0 $0x0, s1;
	[sflag:s0] =	ssyncset.done @!p0 $0x0  }
0x9b: {  	[sflag:s0] =	ssyncadd.s32 @!p0 s1  }
0x9c: {  	[bflag:$0x3] =	sbarrier.arrive $0xFFFF  }
0x9d: {  	_ =	shalt  }

</sc_bundles>
